<compile_context>
chip_gen: v7x
topology: tpu7x:2x2x1
jax: 0.10.2.dev20260603
libtpu: 0.0.44.dev20260713+nightly
codegen_flags: <defaults>
</compile_context>

<pallas_src>
import functools

import jax
import jax.numpy as jnp
from jax import lax
from jax.experimental import pallas as pl
from jax.experimental.pallas import tpu as pltpu
from jax.experimental.pallas import tpu_sc as plsc

B = 16384
D = 32
NC = 2
NS = 16
NW = NC * NS
BPW = B // NW

_sc_mesh = plsc.VectorSubcoreMesh(core_axis_name="c", subcore_axis_name="s")


@functools.partial(
    pl.kernel,
    mesh=_sc_mesh,
    compiler_params=pltpu.CompilerParams(use_tc_tiling_on_sc=False),
    out_type=[
        jax.ShapeDtypeStruct((D, B), jnp.float32),
        jax.ShapeDtypeStruct((D, B), jnp.float32),
    ],
    scratch_types=[
        pltpu.VMEM((BPW,), jnp.int32),
        pltpu.VMEM((BPW,), jnp.int32),
        pltpu.VMEM((D, BPW), jnp.float32),
        pltpu.VMEM((D, BPW), jnp.float32),
        pltpu.SemaphoreType.DMA,
    ],
)
def _sc_gather(user_hbm, item_hbm, utT_hbm, itT_hbm, ueT_hbm, ieT_hbm,
               uidx_v, iidx_v, urows_v, irows_v, sem):
    wid = lax.axis_index("s") * NC + lax.axis_index("c")
    base = wid * BPW
    pltpu.sync_copy(user_hbm.at[pl.ds(base, BPW)], uidx_v)
    pltpu.sync_copy(item_hbm.at[pl.ds(base, BPW)], iidx_v)
    copies = []
    for d in range(D):
        copies.append(
            pltpu.async_copy(utT_hbm.at[d].at[uidx_v], urows_v.at[d], sem))
        copies.append(
            pltpu.async_copy(itT_hbm.at[d].at[iidx_v], irows_v.at[d], sem))
    for c in copies:
        c.wait()
    pltpu.sync_copy(urows_v, ueT_hbm.at[:, pl.ds(base, BPW)])
    pltpu.sync_copy(irows_v, ieT_hbm.at[:, pl.ds(base, BPW)])


TB = 2048


def _tc_dense_body(ueT_ref, ieT_ref, fmW_ref, w1_ref, b1_ref,
                   w2_ref, b2_ref, w3_ref, bias_ref, out_ref):
    ueT = ueT_ref[...]
    ieT = ieT_ref[...]
    interT = ueT * ieT
    wu = fmW_ref[:, :D]
    wi = fmW_ref[:, D:]
    fm = (jnp.dot(wu, ueT, preferred_element_type=jnp.float32)
          + jnp.dot(wi, ieT, preferred_element_type=jnp.float32))
    h = jnp.maximum(
        jnp.dot(w1_ref[...], interT, preferred_element_type=jnp.float32)
        + b1_ref[...].reshape(-1, 1), 0.0)
    h = jnp.maximum(
        jnp.dot(w2_ref[...], h, preferred_element_type=jnp.float32)
        + b2_ref[...].reshape(-1, 1), 0.0)
    deep = jnp.dot(w3_ref[...], h, preferred_element_type=jnp.float32)
    logit = fm[0, :] + deep[0, :] + bias_ref[0]
    out_ref[...] = 1.0 / (1.0 + jnp.exp(-logit))


def _tc_dense(ueT, ieT, fm_W, W1, b1, W2, b2, W3, bias):
    grid = (B // TB,)
    return pl.pallas_call(
        _tc_dense_body,
        grid=grid,
        in_specs=[
            pl.BlockSpec((D, TB), lambda i: (0, i)),
            pl.BlockSpec((D, TB), lambda i: (0, i)),
            pl.BlockSpec(fm_W.shape, lambda i: (0, 0)),
            pl.BlockSpec(W1.shape, lambda i: (0, 0)),
            pl.BlockSpec(b1.shape, lambda i: (0,)),
            pl.BlockSpec(W2.shape, lambda i: (0, 0)),
            pl.BlockSpec(b2.shape, lambda i: (0,)),
            pl.BlockSpec(W3.shape, lambda i: (0, 0)),
            pl.BlockSpec(bias.shape, lambda i: (0,)),
        ],
        out_specs=pl.BlockSpec((TB,), lambda i: (i,)),
        out_shape=jax.ShapeDtypeStruct((B,), jnp.float32),
    )(ueT, ieT, fm_W, W1, b1, W2, b2, W3, bias)


def kernel(user, item, user_table, item_table, fm_W, fm_b, W1, b1, W2, b2, W3, b3):
    user = user.astype(jnp.int32)
    item = item.astype(jnp.int32)
    utT = user_table.T
    itT = item_table.T
    ueT, ieT = _sc_gather(user, item, utT, itT)
    bias = (fm_b + b3).reshape((1,))
    return _tc_dense(ueT, ieT, fm_W, W1, b1, W2, b2, W3, bias)

# --- scband reference (transcript-rebuilt; emitter-appended) ---
"""Pipeline reference for scband-neural-fm-4071628997192 (READ-ONLY COPY).

The authoritative reference and input builder live on the scoring server;
editing this copy changes nothing except your own understanding.
"""

import jax, jax.numpy as jnp
import numpy as np

B = 16384
NU = 100000
NI = 1000000
D = 32


def setup_inputs(seed: int = 0) -> dict:
    key = jax.random.key(seed)
    ks = jax.random.split(key, 10)
    user = jax.random.randint(ks[0], (B,), 0, NU)
    item = jax.random.randint(ks[1], (B,), 0, NI)
    user_table = jax.random.normal(ks[2], (NU, D), dtype=jnp.float32) * 0.02
    item_table = jax.random.normal(ks[3], (NI, D), dtype=jnp.float32) * 0.02
    fm_W = jax.random.normal(ks[4], (1, 2 * D), dtype=jnp.float32) * 0.05
    fm_b = jnp.zeros((1,), dtype=jnp.float32)
    W1 = jax.random.normal(ks[5], (128, D), dtype=jnp.float32) * 0.05
    b1 = jnp.zeros((128,), dtype=jnp.float32)
    W2 = jax.random.normal(ks[6], (64, 128), dtype=jnp.float32) * 0.05
    b2 = jnp.zeros((64,), dtype=jnp.float32)
    W3 = jax.random.normal(ks[7], (1, 64), dtype=jnp.float32) * 0.05
    b3 = jnp.zeros((1,), dtype=jnp.float32)
    return {"user": user, "item": item, "user_table": user_table, "item_table": item_table,
            "fm_W": fm_W, "fm_b": fm_b, "W1": W1, "b1": b1, "W2": W2, "b2": b2, "W3": W3, "b3": b3}


def reference(user, item, user_table, item_table, fm_W, fm_b, W1, b1, W2, b2, W3, b3):
    user_embed = jnp.take(user_table, user, axis=0)
    item_embed = jnp.take(item_table, item, axis=0)
    fm_input = jnp.concatenate([user_embed, item_embed], axis=1)
    interaction = user_embed * item_embed
    fm_output = fm_input @ fm_W.T + fm_b
    h = jax.nn.relu(interaction @ W1.T + b1)
    h = jax.nn.relu(h @ W2.T + b2)
    deep_output = h @ W3.T + b3
    return jnp.squeeze(jax.nn.sigmoid(fm_output + deep_output))

if __name__ == "__main__":
    import jax
    _d = setup_inputs()
    print(jax.jit(kernel)(*tuple(_d.values())))

</pallas_src>

<mosaic_0001>
#map = affine_map<(d0, d1) -> (0)>
#map1 = affine_map<(d0, d1) -> (0, 0)>
module attributes {stable_mosaic.version = 14 : i64} {
  func.func @_sc_gather(%arg0: i32, %arg1: i32, %arg2: memref<16384xi32, #tpu.memory_space<hbm>>, %arg3: memref<16384xi32, #tpu.memory_space<hbm>>, %arg4: memref<32x100000xf32, #tpu.memory_space<hbm>>, %arg5: memref<32x1000000xf32, #tpu.memory_space<hbm>>, %arg6: memref<32x16384xf32, #tpu.memory_space<hbm>>, %arg7: memref<32x16384xf32, #tpu.memory_space<hbm>>, %arg8: memref<512xi32, #tpu.memory_space<vmem>>, %arg9: memref<512xi32, #tpu.memory_space<vmem>>, %arg10: memref<32x512xf32, #tpu.memory_space<vmem>>, %arg11: memref<32x512xf32, #tpu.memory_space<vmem>>, %arg12: memref<!tpu.dma_semaphore, #tpu.memory_space<semaphore_mem>>) attributes {dimension_semantics = [#tpu.dimension_semantics<core_parallel>, #tpu.dimension_semantics<subcore_parallel>], iteration_bounds = array<i64: 2, 16>, scalar_prefetch = 0 : i64, scratch_operands = 5 : i64, tpu.core_type = #tpu.core_type<sc_vector_subcore>, window_params = [{transform_indices = #map}, {transform_indices = #map}, {transform_indices = #map1}, {transform_indices = #map1}, {transform_indices = #map1}, {transform_indices = #map1}]} {
    %mul3A = arith.constant 2 : i32
    %mul3A_0 = arith.muli %arg1, %mul3A : i32
    %add3A = arith.addi %mul3A_0, %arg0 : i32
    %mul3A_1 = arith.constant 512 : i32
    %mul3A_2 = arith.muli %add3A, %mul3A_1 : i32
    "tpu.region"() ({
      %run_scoped3A = tpu.sem_alloc : memref<!tpu.dma_semaphore, #tpu.memory_space<semaphore_mem>>
      %dma_start3A_1281 = tpu.memref_slice %arg2[%mul3A_2] : memref<16384xi32, #tpu.memory_space<hbm>> -> memref<512xi32, #tpu.memory_space<hbm>>
      %dma_start3A_1282 = tpu.memref_slice %arg2[%mul3A_2] : memref<16384xi32, #tpu.memory_space<hbm>> -> memref<512xi32, #tpu.memory_space<hbm>>
      tpu.enqueue_dma source(%dma_start3A_1282 : memref<512xi32, #tpu.memory_space<hbm>>) target(%arg8 : memref<512xi32, #tpu.memory_space<vmem>>) target_semaphore(%run_scoped3A : memref<!tpu.dma_semaphore, #tpu.memory_space<semaphore_mem>>)
      %dma_wait3A_1283 = tpu.memref_slice %arg2[%mul3A_2] : memref<16384xi32, #tpu.memory_space<hbm>> -> memref<512xi32, #tpu.memory_space<hbm>>
      %dma_wait3A_1284 = tpu.memref_slice %arg2[%mul3A_2] : memref<16384xi32, #tpu.memory_space<hbm>> -> memref<512xi32, #tpu.memory_space<hbm>>
      tpu.wait_dma2 semaphore(%run_scoped3A : memref<!tpu.dma_semaphore, #tpu.memory_space<semaphore_mem>>) src(%dma_wait3A_1284 : memref<512xi32, #tpu.memory_space<hbm>>) dst(%arg8 : memref<512xi32, #tpu.memory_space<vmem>>)
      tpu.yield
    }) : () -> ()
    "tpu.region"() ({
      %run_scoped3A = tpu.sem_alloc : memref<!tpu.dma_semaphore, #tpu.memory_space<semaphore_mem>>
      %dma_start3A_1281 = tpu.memref_slice %arg3[%mul3A_2] : memref<16384xi32, #tpu.memory_space<hbm>> -> memref<512xi32, #tpu.memory_space<hbm>>
      %dma_start3A_1282 = tpu.memref_slice %arg3[%mul3A_2] : memref<16384xi32, #tpu.memory_space<hbm>> -> memref<512xi32, #tpu.memory_space<hbm>>
      tpu.enqueue_dma source(%dma_start3A_1282 : memref<512xi32, #tpu.memory_space<hbm>>) target(%arg9 : memref<512xi32, #tpu.memory_space<vmem>>) target_semaphore(%run_scoped3A : memref<!tpu.dma_semaphore, #tpu.memory_space<semaphore_mem>>)
      %dma_wait3A_1283 = tpu.memref_slice %arg3[%mul3A_2] : memref<16384xi32, #tpu.memory_space<hbm>> -> memref<512xi32, #tpu.memory_space<hbm>>
      %dma_wait3A_1284 = tpu.memref_slice %arg3[%mul3A_2] : memref<16384xi32, #tpu.memory_space<hbm>> -> memref<512xi32, #tpu.memory_space<hbm>>
      tpu.wait_dma2 semaphore(%run_scoped3A : memref<!tpu.dma_semaphore, #tpu.memory_space<semaphore_mem>>) src(%dma_wait3A_1284 : memref<512xi32, #tpu.memory_space<hbm>>) dst(%arg9 : memref<512xi32, #tpu.memory_space<vmem>>)
      tpu.yield
    }) : () -> ()
    %dma_start3A = arith.constant 0 : i32
    %dma_start3A_3 = arith.constant 0 : i32
    %dma_start3A_4 = arith.constant 0 : i32
    %dma_start3A_5 = tpu.memref_slice %arg10[%dma_start3A_3, %dma_start3A_4] : memref<32x512xf32, #tpu.memory_space<vmem>> -> memref<1x512xf32, #tpu.memory_space<vmem>>
    %dma_start3A_6 = tpu.memref_squeeze %dma_start3A_5 : memref<1x512xf32, #tpu.memory_space<vmem>> -> memref<512xf32, #tpu.memory_space<vmem>>
    %dma_start3A_7 = arith.constant 0 : i32
    %dma_start3A_8 = tpu.memref_slice %arg4[%dma_start3A, %dma_start3A_7] : memref<32x100000xf32, #tpu.memory_space<hbm>> -> memref<1x100000xf32, #tpu.memory_space<hbm>>
    %dma_start3A_9 = tpu.memref_squeeze %dma_start3A_8 : memref<1x100000xf32, #tpu.memory_space<hbm>> -> memref<100000xf32, #tpu.memory_space<hbm>>
    %dma_start3A_10 = arith.constant 0 : i32
    %dma_start3A_11 = tpu.memref_slice %dma_start3A_9[%dma_start3A_10] : memref<100000xf32, #tpu.memory_space<hbm>> -> memref<100000xf32, #tpu.memory_space<hbm>>
    tpu.enqueue_indirect_dma source(%dma_start3A_11 : memref<100000xf32, #tpu.memory_space<hbm>>) target(%dma_start3A_6 : memref<512xf32, #tpu.memory_space<vmem>>) offsets(%arg8 : memref<512xi32, #tpu.memory_space<vmem>>) semaphore(%arg12 : memref<!tpu.dma_semaphore, #tpu.memory_space<semaphore_mem>>)
    %dma_start3A_12 = arith.constant 0 : i32
    %dma_start3A_13 = arith.constant 0 : i32
    %dma_start3A_14 = arith.constant 0 : i32
    %dma_start3A_15 = tpu.memref_slice %arg11[%dma_start3A_13, %dma_start3A_14] : memref<32x512xf32, #tpu.memory_space<vmem>> -> memref<1x512xf32, #tpu.memory_space<vmem>>
    %dma_start3A_16 = tpu.memref_squeeze %dma_start3A_15 : memref<1x512xf32, #tpu.memory_space<vmem>> -> memref<512xf32, #tpu.memory_space<vmem>>
    %dma_start3A_17 = arith.constant 0 : i32
    %dma_start3A_18 = tpu.memref_slice %arg5[%dma_start3A_12, %dma_start3A_17] : memref<32x1000000xf32, #tpu.memory_space<hbm>> -> memref<1x1000000xf32, #tpu.memory_space<hbm>>
    %dma_start3A_19 = tpu.memref_squeeze %dma_start3A_18 : memref<1x1000000xf32, #tpu.memory_space<hbm>> -> memref<1000000xf32, #tpu.memory_space<hbm>>
    %dma_start3A_20 = arith.constant 0 : i32
    %dma_start3A_21 = tpu.memref_slice %dma_start3A_19[%dma_start3A_20] : memref<1000000xf32, #tpu.memory_space<hbm>> -> memref<1000000xf32, #tpu.memory_space<hbm>>
    tpu.enqueue_indirect_dma source(%dma_start3A_21 : memref<1000000xf32, #tpu.memory_space<hbm>>) target(%dma_start3A_16 : memref<512xf32, #tpu.memory_space<vmem>>) offsets(%arg9 : memref<512xi32, #tpu.memory_space<vmem>>) semaphore(%arg12 : memref<!tpu.dma_semaphore, #tpu.memory_space<semaphore_mem>>)
    %dma_start3A_22 = arith.constant 1 : i32
    %dma_start3A_23 = arith.constant 1 : i32
    %dma_start3A_24 = arith.constant 0 : i32
    %dma_start3A_25 = tpu.memref_slice %arg10[%dma_start3A_23, %dma_start3A_24] : memref<32x512xf32, #tpu.memory_space<vmem>> -> memref<1x512xf32, #tpu.memory_space<vmem>>
    %dma_start3A_26 = tpu.memref_squeeze %dma_start3A_25 : memref<1x512xf32, #tpu.memory_space<vmem>> -> memref<512xf32, #tpu.memory_space<vmem>>
    %dma_start3A_27 = arith.constant 0 : i32
    %dma_start3A_28 = tpu.memref_slice %arg4[%dma_start3A_22, %dma_start3A_27] : memref<32x100000xf32, #tpu.memory_space<hbm>> -> memref<1x100000xf32, #tpu.memory_space<hbm>>
    %dma_start3A_29 = tpu.memref_squeeze %dma_start3A_28 : memref<1x100000xf32, #tpu.memory_space<hbm>> -> memref<100000xf32, #tpu.memory_space<hbm>>
    %dma_start3A_30 = arith.constant 0 : i32
    %dma_start3A_31 = tpu.memref_slice %dma_start3A_29[%dma_start3A_30] : memref<100000xf32, #tpu.memory_space<hbm>> -> memref<100000xf32, #tpu.memory_space<hbm>>
    tpu.enqueue_indirect_dma source(%dma_start3A_31 : memref<100000xf32, #tpu.memory_space<hbm>>) target(%dma_start3A_26 : memref<512xf32, #tpu.memory_space<vmem>>) offsets(%arg8 : memref<512xi32, #tpu.memory_space<vmem>>) semaphore(%arg12 : memref<!tpu.dma_semaphore, #tpu.memory_space<semaphore_mem>>)
    %dma_start3A_32 = arith.constant 1 : i32
    %dma_start3A_33 = arith.constant 1 : i32
    %dma_start3A_34 = arith.constant 0 : i32
    %dma_start3A_35 = tpu.memref_slice %arg11[%dma_start3A_33, %dma_start3A_34] : memref<32x512xf32, #tpu.memory_space<vmem>> -> memref<1x512xf32, #tpu.memory_space<vmem>>
    %dma_start3A_36 = tpu.memref_squeeze %dma_start3A_35 : memref<1x512xf32, #tpu.memory_space<vmem>> -> memref<512xf32, #tpu.memory_space<vmem>>
    %dma_start3A_37 = arith.constant 0 : i32
    %dma_start3A_38 = tpu.memref_slice %arg5[%dma_start3A_32, %dma_start3A_37] : memref<32x1000000xf32, #tpu.memory_space<hbm>> -> memref<1x1000000xf32, #tpu.memory_space<hbm>>
    %dma_start3A_39 = tpu.memref_squeeze %dma_start3A_38 : memref<1x1000000xf32, #tpu.memory_space<hbm>> -> memref<1000000xf32, #tpu.memory_space<hbm>>
    %dma_start3A_40 = arith.constant 0 : i32
    %dma_start3A_41 = tpu.memref_slice %dma_start3A_39[%dma_start3A_40] : memref<1000000xf32, #tpu.memory_space<hbm>> -> memref<1000000xf32, #tpu.memory_space<hbm>>
    tpu.enqueue_indirect_dma source(%dma_start3A_41 : memref<1000000xf32, #tpu.memory_space<hbm>>) target(%dma_start3A_36 : memref<512xf32, #tpu.memory_space<vmem>>) offsets(%arg9 : memref<512xi32, #tpu.memory_space<vmem>>) semaphore(%arg12 : memref<!tpu.dma_semaphore, #tpu.memory_space<semaphore_mem>>)
    %dma_start3A_42 = arith.constant 2 : i32
    %dma_start3A_43 = arith.constant 2 : i32
    %dma_start3A_44 = arith.constant 0 : i32
    %dma_start3A_45 = tpu.memref_slice %arg10[%dma_start3A_43, %dma_start3A_44] : memref<32x512xf32, #tpu.memory_space<vmem>> -> memref<1x512xf32, #tpu.memory_space<vmem>>
    %dma_start3A_46 = tpu.memref_squeeze %dma_start3A_45 : memref<1x512xf32, #tpu.memory_space<vmem>> -> memref<512xf32, #tpu.memory_space<vmem>>
    %dma_start3A_47 = arith.constant 0 : i32
    %dma_start3A_48 = tpu.memref_slice %arg4[%dma_start3A_42, %dma_start3A_47] : memref<32x100000xf32, #tpu.memory_space<hbm>> -> memref<1x100000xf32, #tpu.memory_space<hbm>>
    %dma_start3A_49 = tpu.memref_squeeze %dma_start3A_48 : memref<1x100000xf32, #tpu.memory_space<hbm>> -> memref<100000xf32, #tpu.memory_space<hbm>>
    %dma_start3A_50 = arith.constant 0 : i32
    %dma_start3A_51 = tpu.memref_slice %dma_start3A_49[%dma_start3A_50] : memref<100000xf32, #tpu.memory_space<hbm>> -> memref<100000xf32, #tpu.memory_space<hbm>>
    tpu.enqueue_indirect_dma source(%dma_start3A_51 : memref<100000xf32, #tpu.memory_space<hbm>>) target(%dma_start3A_46 : memref<512xf32, #tpu.memory_space<vmem>>) offsets(%arg8 : memref<512xi32, #tpu.memory_space<vmem>>) semaphore(%arg12 : memref<!tpu.dma_semaphore, #tpu.memory_space<semaphore_mem>>)
    %dma_start3A_52 = arith.constant 2 : i32
    %dma_start3A_53 = arith.constant 2 : i32
    %dma_start3A_54 = arith.constant 0 : i32
    %dma_start3A_55 = tpu.memref_slice %arg11[%dma_start3A_53, %dma_start3A_54] : memref<32x512xf32, #tpu.memory_space<vmem>> -> memref<1x512xf32, #tpu.memory_space<vmem>>
    %dma_start3A_56 = tpu.memref_squeeze %dma_start3A_55 : memref<1x512xf32, #tpu.memory_space<vmem>> -> memref<512xf32, #tpu.memory_space<vmem>>
    %dma_start3A_57 = arith.constant 0 : i32
    %dma_start3A_58 = tpu.memref_slice %arg5[%dma_start3A_52, %dma_start3A_57] : memref<32x1000000xf32, #tpu.memory_space<hbm>> -> memref<1x1000000xf32, #tpu.memory_space<hbm>>
    %dma_start3A_59 = tpu.memref_squeeze %dma_start3A_58 : memref<1x1000000xf32, #tpu.memory_space<hbm>> -> memref<1000000xf32, #tpu.memory_space<hbm>>
    %dma_start3A_60 = arith.constant 0 : i32
    %dma_start3A_61 = tpu.memref_slice %dma_start3A_59[%dma_start3A_60] : memref<1000000xf32, #tpu.memory_space<hbm>> -> memref<1000000xf32, #tpu.memory_space<hbm>>
    tpu.enqueue_indirect_dma source(%dma_start3A_61 : memref<1000000xf32, #tpu.memory_space<hbm>>) target(%dma_start3A_56 : memref<512xf32, #tpu.memory_space<vmem>>) offsets(%arg9 : memref<512xi32, #tpu.memory_space<vmem>>) semaphore(%arg12 : memref<!tpu.dma_semaphore, #tpu.memory_space<semaphore_mem>>)
    %dma_start3A_62 = arith.constant 3 : i32
    %dma_start3A_63 = arith.constant 3 : i32
    %dma_start3A_64 = arith.constant 0 : i32
    %dma_start3A_65 = tpu.memref_slice %arg10[%dma_start3A_63, %dma_start3A_64] : memref<32x512xf32, #tpu.memory_space<vmem>> -> memref<1x512xf32, #tpu.memory_space<vmem>>
    %dma_start3A_66 = tpu.memref_squeeze %dma_start3A_65 : memref<1x512xf32, #tpu.memory_space<vmem>> -> memref<512xf32, #tpu.memory_space<vmem>>
    %dma_start3A_67 = arith.constant 0 : i32
    %dma_start3A_68 = tpu.memref_slice %arg4[%dma_start3A_62, %dma_start3A_67] : memref<32x100000xf32, #tpu.memory_space<hbm>> -> memref<1x100000xf32, #tpu.memory_space<hbm>>
    %dma_start3A_69 = tpu.memref_squeeze %dma_start3A_68 : memref<1x100000xf32, #tpu.memory_space<hbm>> -> memref<100000xf32, #tpu.memory_space<hbm>>
    %dma_start3A_70 = arith.constant 0 : i32
    %dma_start3A_71 = tpu.memref_slice %dma_start3A_69[%dma_start3A_70] : memref<100000xf32, #tpu.memory_space<hbm>> -> memref<100000xf32, #tpu.memory_space<hbm>>
    tpu.enqueue_indirect_dma source(%dma_start3A_71 : memref<100000xf32, #tpu.memory_space<hbm>>) target(%dma_start3A_66 : memref<512xf32, #tpu.memory_space<vmem>>) offsets(%arg8 : memref<512xi32, #tpu.memory_space<vmem>>) semaphore(%arg12 : memref<!tpu.dma_semaphore, #tpu.memory_space<semaphore_mem>>)
    %dma_start3A_72 = arith.constant 3 : i32
    %dma_start3A_73 = arith.constant 3 : i32
    %dma_start3A_74 = arith.constant 0 : i32
    %dma_start3A_75 = tpu.memref_slice %arg11[%dma_start3A_73, %dma_start3A_74] : memref<32x512xf32, #tpu.memory_space<vmem>> -> memref<1x512xf32, #tpu.memory_space<vmem>>
    %dma_start3A_76 = tpu.memref_squeeze %dma_start3A_75 : memref<1x512xf32, #tpu.memory_space<vmem>> -> memref<512xf32, #tpu.memory_space<vmem>>
    %dma_start3A_77 = arith.constant 0 : i32
    %dma_start3A_78 = tpu.memref_slice %arg5[%dma_start3A_72, %dma_start3A_77] : memref<32x1000000xf32, #tpu.memory_space<hbm>> -> memref<1x1000000xf32, #tpu.memory_space<hbm>>
    %dma_start3A_79 = tpu.memref_squeeze %dma_start3A_78 : memref<1x1000000xf32, #tpu.memory_space<hbm>> -> memref<1000000xf32, #tpu.memory_space<hbm>>
    %dma_start3A_80 = arith.constant 0 : i32
    %dma_start3A_81 = tpu.memref_slice %dma_start3A_79[%dma_start3A_80] : memref<1000000xf32, #tpu.memory_space<hbm>> -> memref<1000000xf32, #tpu.memory_space<hbm>>
    tpu.enqueue_indirect_dma source(%dma_start3A_81 : memref<1000000xf32, #tpu.memory_space<hbm>>) target(%dma_start3A_76 : memref<512xf32, #tpu.memory_space<vmem>>) offsets(%arg9 : memref<512xi32, #tpu.memory_space<vmem>>) semaphore(%arg12 : memref<!tpu.dma_semaphore, #tpu.memory_space<semaphore_mem>>)
    %dma_start3A_82 = arith.constant 4 : i32
    %dma_start3A_83 = arith.constant 4 : i32
    %dma_start3A_84 = arith.constant 0 : i32
    %dma_start3A_85 = tpu.memref_slice %arg10[%dma_start3A_83, %dma_start3A_84] : memref<32x512xf32, #tpu.memory_space<vmem>> -> memref<1x512xf32, #tpu.memory_space<vmem>>
    %dma_start3A_86 = tpu.memref_squeeze %dma_start3A_85 : memref<1x512xf32, #tpu.memory_space<vmem>> -> memref<512xf32, #tpu.memory_space<vmem>>
    %dma_start3A_87 = arith.constant 0 : i32
    %dma_start3A_88 = tpu.memref_slice %arg4[%dma_start3A_82, %dma_start3A_87] : memref<32x100000xf32, #tpu.memory_space<hbm>> -> memref<1x100000xf32, #tpu.memory_space<hbm>>
    %dma_start3A_89 = tpu.memref_squeeze %dma_start3A_88 : memref<1x100000xf32, #tpu.memory_space<hbm>> -> memref<100000xf32, #tpu.memory_space<hbm>>
    %dma_start3A_90 = arith.constant 0 : i32
    %dma_start3A_91 = tpu.memref_slice %dma_start3A_89[%dma_start3A_90] : memref<100000xf32, #tpu.memory_space<hbm>> -> memref<100000xf32, #tpu.memory_space<hbm>>
    tpu.enqueue_indirect_dma source(%dma_start3A_91 : memref<100000xf32, #tpu.memory_space<hbm>>) target(%dma_start3A_86 : memref<512xf32, #tpu.memory_space<vmem>>) offsets(%arg8 : memref<512xi32, #tpu.memory_space<vmem>>) semaphore(%arg12 : memref<!tpu.dma_semaphore, #tpu.memory_space<semaphore_mem>>)
    %dma_start3A_92 = arith.constant 4 : i32
    %dma_start3A_93 = arith.constant 4 : i32
    %dma_start3A_94 = arith.constant 0 : i32
    %dma_start3A_95 = tpu.memref_slice %arg11[%dma_start3A_93, %dma_start3A_94] : memref<32x512xf32, #tpu.memory_space<vmem>> -> memref<1x512xf32, #tpu.memory_space<vmem>>
    %dma_start3A_96 = tpu.memref_squeeze %dma_start3A_95 : memref<1x512xf32, #tpu.memory_space<vmem>> -> memref<512xf32, #tpu.memory_space<vmem>>
    %dma_start3A_97 = arith.constant 0 : i32
    %dma_start3A_98 = tpu.memref_slice %arg5[%dma_start3A_92, %dma_start3A_97] : memref<32x1000000xf32, #tpu.memory_space<hbm>> -> memref<1x1000000xf32, #tpu.memory_space<hbm>>
    %dma_start3A_99 = tpu.memref_squeeze %dma_start3A_98 : memref<1x1000000xf32, #tpu.memory_space<hbm>> -> memref<1000000xf32, #tpu.memory_space<hbm>>
    %dma_start3A_100 = arith.constant 0 : i32
    %dma_start3A_101 = tpu.memref_slice %dma_start3A_99[%dma_start3A_100] : memref<1000000xf32, #tpu.memory_space<hbm>> -> memref<1000000xf32, #tpu.memory_space<hbm>>
    tpu.enqueue_indirect_dma source(%dma_start3A_101 : memref<1000000xf32, #tpu.memory_space<hbm>>) target(%dma_start3A_96 : memref<512xf32, #tpu.memory_space<vmem>>) offsets(%arg9 : memref<512xi32, #tpu.memory_space<vmem>>) semaphore(%arg12 : memref<!tpu.dma_semaphore, #tpu.memory_space<semaphore_mem>>)
    %dma_start3A_102 = arith.constant 5 : i32
    %dma_start3A_103 = arith.constant 5 : i32
    %dma_start3A_104 = arith.constant 0 : i32
    %dma_start3A_105 = tpu.memref_slice %arg10[%dma_start3A_103, %dma_start3A_104] : memref<32x512xf32, #tpu.memory_space<vmem>> -> memref<1x512xf32, #tpu.memory_space<vmem>>
    %dma_start3A_106 = tpu.memref_squeeze %dma_start3A_105 : memref<1x512xf32, #tpu.memory_space<vmem>> -> memref<512xf32, #tpu.memory_space<vmem>>
    %dma_start3A_107 = arith.constant 0 : i32
    %dma_start3A_108 = tpu.memref_slice %arg4[%dma_start3A_102, %dma_start3A_107] : memref<32x100000xf32, #tpu.memory_space<hbm>> -> memref<1x100000xf32, #tpu.memory_space<hbm>>
    %dma_start3A_109 = tpu.memref_squeeze %dma_start3A_108 : memref<1x100000xf32, #tpu.memory_space<hbm>> -> memref<100000xf32, #tpu.memory_space<hbm>>
    %dma_start3A_110 = arith.constant 0 : i32
    %dma_start3A_111 = tpu.memref_slice %dma_start3A_109[%dma_start3A_110] : memref<100000xf32, #tpu.memory_space<hbm>> -> memref<100000xf32, #tpu.memory_space<hbm>>
    tpu.enqueue_indirect_dma source(%dma_start3A_111 : memref<100000xf32, #tpu.memory_space<hbm>>) target(%dma_start3A_106 : memref<512xf32, #tpu.memory_space<vmem>>) offsets(%arg8 : memref<512xi32, #tpu.memory_space<vmem>>) semaphore(%arg12 : memref<!tpu.dma_semaphore, #tpu.memory_space<semaphore_mem>>)
    %dma_start3A_112 = arith.constant 5 : i32
    %dma_start3A_113 = arith.constant 5 : i32
    %dma_start3A_114 = arith.constant 0 : i32
    %dma_start3A_115 = tpu.memref_slice %arg11[%dma_start3A_113, %dma_start3A_114] : memref<32x512xf32, #tpu.memory_space<vmem>> -> memref<1x512xf32, #tpu.memory_space<vmem>>
    %dma_start3A_116 = tpu.memref_squeeze %dma_start3A_115 : memref<1x512xf32, #tpu.memory_space<vmem>> -> memref<512xf32, #tpu.memory_space<vmem>>
    %dma_start3A_117 = arith.constant 0 : i32
    %dma_start3A_118 = tpu.memref_slice %arg5[%dma_start3A_112, %dma_start3A_117] : memref<32x1000000xf32, #tpu.memory_space<hbm>> -> memref<1x1000000xf32, #tpu.memory_space<hbm>>
    %dma_start3A_119 = tpu.memref_squeeze %dma_start3A_118 : memref<1x1000000xf32, #tpu.memory_space<hbm>> -> memref<1000000xf32, #tpu.memory_space<hbm>>
    %dma_start3A_120 = arith.constant 0 : i32
    %dma_start3A_121 = tpu.memref_slice %dma_start3A_119[%dma_start3A_120] : memref<1000000xf32, #tpu.memory_space<hbm>> -> memref<1000000xf32, #tpu.memory_space<hbm>>
    tpu.enqueue_indirect_dma source(%dma_start3A_121 : memref<1000000xf32, #tpu.memory_space<hbm>>) target(%dma_start3A_116 : memref<512xf32, #tpu.memory_space<vmem>>) offsets(%arg9 : memref<512xi32, #tpu.memory_space<vmem>>) semaphore(%arg12 : memref<!tpu.dma_semaphore, #tpu.memory_space<semaphore_mem>>)
    %dma_start3A_122 = arith.constant 6 : i32
    %dma_start3A_123 = arith.constant 6 : i32
    %dma_start3A_124 = arith.constant 0 : i32
    %dma_start3A_125 = tpu.memref_slice %arg10[%dma_start3A_123, %dma_start3A_124] : memref<32x512xf32, #tpu.memory_space<vmem>> -> memref<1x512xf32, #tpu.memory_space<vmem>>
    %dma_start3A_126 = tpu.memref_squeeze %dma_start3A_125 : memref<1x512xf32, #tpu.memory_space<vmem>> -> memref<512xf32, #tpu.memory_space<vmem>>
    %dma_start3A_127 = arith.constant 0 : i32
    %dma_start3A_128 = tpu.memref_slice %arg4[%dma_start3A_122, %dma_start3A_127] : memref<32x100000xf32, #tpu.memory_space<hbm>> -> memref<1x100000xf32, #tpu.memory_space<hbm>>
    %dma_start3A_129 = tpu.memref_squeeze %dma_start3A_128 : memref<1x100000xf32, #tpu.memory_space<hbm>> -> memref<100000xf32, #tpu.memory_space<hbm>>
    %dma_start3A_130 = arith.constant 0 : i32
    %dma_start3A_131 = tpu.memref_slice %dma_start3A_129[%dma_start3A_130] : memref<100000xf32, #tpu.memory_space<hbm>> -> memref<100000xf32, #tpu.memory_space<hbm>>
    tpu.enqueue_indirect_dma source(%dma_start3A_131 : memref<100000xf32, #tpu.memory_space<hbm>>) target(%dma_start3A_126 : memref<512xf32, #tpu.memory_space<vmem>>) offsets(%arg8 : memref<512xi32, #tpu.memory_space<vmem>>) semaphore(%arg12 : memref<!tpu.dma_semaphore, #tpu.memory_space<semaphore_mem>>)
    %dma_start3A_132 = arith.constant 6 : i32
    %dma_start3A_133 = arith.constant 6 : i32
    %dma_start3A_134 = arith.constant 0 : i32
    %dma_start3A_135 = tpu.memref_slice %arg11[%dma_start3A_133, %dma_start3A_134] : memref<32x512xf32, #tpu.memory_space<vmem>> -> memref<1x512xf32, #tpu.memory_space<vmem>>
    %dma_start3A_136 = tpu.memref_squeeze %dma_start3A_135 : memref<1x512xf32, #tpu.memory_space<vmem>> -> memref<512xf32, #tpu.memory_space<vmem>>
    %dma_start3A_137 = arith.constant 0 : i32
    %dma_start3A_138 = tpu.memref_slice %arg5[%dma_start3A_132, %dma_start3A_137] : memref<32x1000000xf32, #tpu.memory_space<hbm>> -> memref<1x1000000xf32, #tpu.memory_space<hbm>>
    %dma_start3A_139 = tpu.memref_squeeze %dma_start3A_138 : memref<1x1000000xf32, #tpu.memory_space<hbm>> -> memref<1000000xf32, #tpu.memory_space<hbm>>
    %dma_start3A_140 = arith.constant 0 : i32
    %dma_start3A_141 = tpu.memref_slice %dma_start3A_139[%dma_start3A_140] : memref<1000000xf32, #tpu.memory_space<hbm>> -> memref<1000000xf32, #tpu.memory_space<hbm>>
    tpu.enqueue_indirect_dma source(%dma_start3A_141 : memref<1000000xf32, #tpu.memory_space<hbm>>) target(%dma_start3A_136 : memref<512xf32, #tpu.memory_space<vmem>>) offsets(%arg9 : memref<512xi32, #tpu.memory_space<vmem>>) semaphore(%arg12 : memref<!tpu.dma_semaphore, #tpu.memory_space<semaphore_mem>>)
    %dma_start3A_142 = arith.constant 7 : i32
    %dma_start3A_143 = arith.constant 7 : i32
    %dma_start3A_144 = arith.constant 0 : i32
    %dma_start3A_145 = tpu.memref_slice %arg10[%dma_start3A_143, %dma_start3A_144] : memref<32x512xf32, #tpu.memory_space<vmem>> -> memref<1x512xf32, #tpu.memory_space<vmem>>
    %dma_start3A_146 = tpu.memref_squeeze %dma_start3A_145 : memref<1x512xf32, #tpu.memory_space<vmem>> -> memref<512xf32, #tpu.memory_space<vmem>>
    %dma_start3A_147 = arith.constant 0 : i32
    %dma_start3A_148 = tpu.memref_slice %arg4[%dma_start3A_142, %dma_start3A_147] : memref<32x100000xf32, #tpu.memory_space<hbm>> -> memref<1x100000xf32, #tpu.memory_space<hbm>>
    %dma_start3A_149 = tpu.memref_squeeze %dma_start3A_148 : memref<1x100000xf32, #tpu.memory_space<hbm>> -> memref<100000xf32, #tpu.memory_space<hbm>>
    %dma_start3A_150 = arith.constant 0 : i32
    %dma_start3A_151 = tpu.memref_slice %dma_start3A_149[%dma_start3A_150] : memref<100000xf32, #tpu.memory_space<hbm>> -> memref<100000xf32, #tpu.memory_space<hbm>>
    tpu.enqueue_indirect_dma source(%dma_start3A_151 : memref<100000xf32, #tpu.memory_space<hbm>>) target(%dma_start3A_146 : memref<512xf32, #tpu.memory_space<vmem>>) offsets(%arg8 : memref<512xi32, #tpu.memory_space<vmem>>) semaphore(%arg12 : memref<!tpu.dma_semaphore, #tpu.memory_space<semaphore_mem>>)
    %dma_start3A_152 = arith.constant 7 : i32
    %dma_start3A_153 = arith.constant 7 : i32
    %dma_start3A_154 = arith.constant 0 : i32
    %dma_start3A_155 = tpu.memref_slice %arg11[%dma_start3A_153, %dma_start3A_154] : memref<32x512xf32, #tpu.memory_space<vmem>> -> memref<1x512xf32, #tpu.memory_space<vmem>>
    %dma_start3A_156 = tpu.memref_squeeze %dma_start3A_155 : memref<1x512xf32, #tpu.memory_space<vmem>> -> memref<512xf32, #tpu.memory_space<vmem>>
    %dma_start3A_157 = arith.constant 0 : i32
    %dma_start3A_158 = tpu.memref_slice %arg5[%dma_start3A_152, %dma_start3A_157] : memref<32x1000000xf32, #tpu.memory_space<hbm>> -> memref<1x1000000xf32, #tpu.memory_space<hbm>>
    %dma_start3A_159 = tpu.memref_squeeze %dma_start3A_158 : memref<1x1000000xf32, #tpu.memory_space<hbm>> -> memref<1000000xf32, #tpu.memory_space<hbm>>
    %dma_start3A_160 = arith.constant 0 : i32
    %dma_start3A_161 = tpu.memref_slice %dma_start3A_159[%dma_start3A_160] : memref<1000000xf32, #tpu.memory_space<hbm>> -> memref<1000000xf32, #tpu.memory_space<hbm>>
    tpu.enqueue_indirect_dma source(%dma_start3A_161 : memref<1000000xf32, #tpu.memory_space<hbm>>) target(%dma_start3A_156 : memref<512xf32, #tpu.memory_space<vmem>>) offsets(%arg9 : memref<512xi32, #tpu.memory_space<vmem>>) semaphore(%arg12 : memref<!tpu.dma_semaphore, #tpu.memory_space<semaphore_mem>>)
    %dma_start3A_162 = arith.constant 8 : i32
    %dma_start3A_163 = arith.constant 8 : i32
    %dma_start3A_164 = arith.constant 0 : i32
    %dma_start3A_165 = tpu.memref_slice %arg10[%dma_start3A_163, %dma_start3A_164] : memref<32x512xf32, #tpu.memory_space<vmem>> -> memref<1x512xf32, #tpu.memory_space<vmem>>
    %dma_start3A_166 = tpu.memref_squeeze %dma_start3A_165 : memref<1x512xf32, #tpu.memory_space<vmem>> -> memref<512xf32, #tpu.memory_space<vmem>>
    %dma_start3A_167 = arith.constant 0 : i32
    %dma_start3A_168 = tpu.memref_slice %arg4[%dma_start3A_162, %dma_start3A_167] : memref<32x100000xf32, #tpu.memory_space<hbm>> -> memref<1x100000xf32, #tpu.memory_space<hbm>>
    %dma_start3A_169 = tpu.memref_squeeze %dma_start3A_168 : memref<1x100000xf32, #tpu.memory_space<hbm>> -> memref<100000xf32, #tpu.memory_space<hbm>>
    %dma_start3A_170 = arith.constant 0 : i32
    %dma_start3A_171 = tpu.memref_slice %dma_start3A_169[%dma_start3A_170] : memref<100000xf32, #tpu.memory_space<hbm>> -> memref<100000xf32, #tpu.memory_space<hbm>>
    tpu.enqueue_indirect_dma source(%dma_start3A_171 : memref<100000xf32, #tpu.memory_space<hbm>>) target(%dma_start3A_166 : memref<512xf32, #tpu.memory_space<vmem>>) offsets(%arg8 : memref<512xi32, #tpu.memory_space<vmem>>) semaphore(%arg12 : memref<!tpu.dma_semaphore, #tpu.memory_space<semaphore_mem>>)
    %dma_start3A_172 = arith.constant 8 : i32
    %dma_start3A_173 = arith.constant 8 : i32
    %dma_start3A_174 = arith.constant 0 : i32
    %dma_start3A_175 = tpu.memref_slice %arg11[%dma_start3A_173, %dma_start3A_174] : memref<32x512xf32, #tpu.memory_space<vmem>> -> memref<1x512xf32, #tpu.memory_space<vmem>>
    %dma_start3A_176 = tpu.memref_squeeze %dma_start3A_175 : memref<1x512xf32, #tpu.memory_space<vmem>> -> memref<512xf32, #tpu.memory_space<vmem>>
    %dma_start3A_177 = arith.constant 0 : i32
    %dma_start3A_178 = tpu.memref_slice %arg5[%dma_start3A_172, %dma_start3A_177] : memref<32x1000000xf32, #tpu.memory_space<hbm>> -> memref<1x1000000xf32, #tpu.memory_space<hbm>>
    %dma_start3A_179 = tpu.memref_squeeze %dma_start3A_178 : memref<1x1000000xf32, #tpu.memory_space<hbm>> -> memref<1000000xf32, #tpu.memory_space<hbm>>
    %dma_start3A_180 = arith.constant 0 : i32
    %dma_start3A_181 = tpu.memref_slice %dma_start3A_179[%dma_start3A_180] : memref<1000000xf32, #tpu.memory_space<hbm>> -> memref<1000000xf32, #tpu.memory_space<hbm>>
    tpu.enqueue_indirect_dma source(%dma_start3A_181 : memref<1000000xf32, #tpu.memory_space<hbm>>) target(%dma_start3A_176 : memref<512xf32, #tpu.memory_space<vmem>>) offsets(%arg9 : memref<512xi32, #tpu.memory_space<vmem>>) semaphore(%arg12 : memref<!tpu.dma_semaphore, #tpu.memory_space<semaphore_mem>>)
    %dma_start3A_182 = arith.constant 9 : i32
    %dma_start3A_183 = arith.constant 9 : i32
    %dma_start3A_184 = arith.constant 0 : i32
    %dma_start3A_185 = tpu.memref_slice %arg10[%dma_start3A_183, %dma_start3A_184] : memref<32x512xf32, #tpu.memory_space<vmem>> -> memref<1x512xf32, #tpu.memory_space<vmem>>
    %dma_start3A_186 = tpu.memref_squeeze %dma_start3A_185 : memref<1x512xf32, #tpu.memory_space<vmem>> -> memref<512xf32, #tpu.memory_space<vmem>>
    %dma_start3A_187 = arith.constant 0 : i32
    %dma_start3A_188 = tpu.memref_slice %arg4[%dma_start3A_182, %dma_start3A_187] : memref<32x100000xf32, #tpu.memory_space<hbm>> -> memref<1x100000xf32, #tpu.memory_space<hbm>>
    %dma_start3A_189 = tpu.memref_squeeze %dma_start3A_188 : memref<1x100000xf32, #tpu.memory_space<hbm>> -> memref<100000xf32, #tpu.memory_space<hbm>>
    %dma_start3A_190 = arith.constant 0 : i32
    %dma_start3A_191 = tpu.memref_slice %dma_start3A_189[%dma_start3A_190] : memref<100000xf32, #tpu.memory_space<hbm>> -> memref<100000xf32, #tpu.memory_space<hbm>>
    tpu.enqueue_indirect_dma source(%dma_start3A_191 : memref<100000xf32, #tpu.memory_space<hbm>>) target(%dma_start3A_186 : memref<512xf32, #tpu.memory_space<vmem>>) offsets(%arg8 : memref<512xi32, #tpu.memory_space<vmem>>) semaphore(%arg12 : memref<!tpu.dma_semaphore, #tpu.memory_space<semaphore_mem>>)
    %dma_start3A_192 = arith.constant 9 : i32
    %dma_start3A_193 = arith.constant 9 : i32
    %dma_start3A_194 = arith.constant 0 : i32
    %dma_start3A_195 = tpu.memref_slice %arg11[%dma_start3A_193, %dma_start3A_194] : memref<32x512xf32, #tpu.memory_space<vmem>> -> memref<1x512xf32, #tpu.memory_space<vmem>>
    %dma_start3A_196 = tpu.memref_squeeze %dma_start3A_195 : memref<1x512xf32, #tpu.memory_space<vmem>> -> memref<512xf32, #tpu.memory_space<vmem>>
    %dma_start3A_197 = arith.constant 0 : i32
    %dma_start3A_198 = tpu.memref_slice %arg5[%dma_start3A_192, %dma_start3A_197] : memref<32x1000000xf32, #tpu.memory_space<hbm>> -> memref<1x1000000xf32, #tpu.memory_space<hbm>>
    %dma_start3A_199 = tpu.memref_squeeze %dma_start3A_198 : memref<1x1000000xf32, #tpu.memory_space<hbm>> -> memref<1000000xf32, #tpu.memory_space<hbm>>
    %dma_start3A_200 = arith.constant 0 : i32
    %dma_start3A_201 = tpu.memref_slice %dma_start3A_199[%dma_start3A_200] : memref<1000000xf32, #tpu.memory_space<hbm>> -> memref<1000000xf32, #tpu.memory_space<hbm>>
    tpu.enqueue_indirect_dma source(%dma_start3A_201 : memref<1000000xf32, #tpu.memory_space<hbm>>) target(%dma_start3A_196 : memref<512xf32, #tpu.memory_space<vmem>>) offsets(%arg9 : memref<512xi32, #tpu.memory_space<vmem>>) semaphore(%arg12 : memref<!tpu.dma_semaphore, #tpu.memory_space<semaphore_mem>>)
    %dma_start3A_202 = arith.constant 10 : i32
    %dma_start3A_203 = arith.constant 10 : i32
    %dma_start3A_204 = arith.constant 0 : i32
    %dma_start3A_205 = tpu.memref_slice %arg10[%dma_start3A_203, %dma_start3A_204] : memref<32x512xf32, #tpu.memory_space<vmem>> -> memref<1x512xf32, #tpu.memory_space<vmem>>
    %dma_start3A_206 = tpu.memref_squeeze %dma_start3A_205 : memref<1x512xf32, #tpu.memory_space<vmem>> -> memref<512xf32, #tpu.memory_space<vmem>>
    %dma_start3A_207 = arith.constant 0 : i32
    %dma_start3A_208 = tpu.memref_slice %arg4[%dma_start3A_202, %dma_start3A_207] : memref<32x100000xf32, #tpu.memory_space<hbm>> -> memref<1x100000xf32, #tpu.memory_space<hbm>>
    %dma_start3A_209 = tpu.memref_squeeze %dma_start3A_208 : memref<1x100000xf32, #tpu.memory_space<hbm>> -> memref<100000xf32, #tpu.memory_space<hbm>>
    %dma_start3A_210 = arith.constant 0 : i32
    %dma_start3A_211 = tpu.memref_slice %dma_start3A_209[%dma_start3A_210] : memref<100000xf32, #tpu.memory_space<hbm>> -> memref<100000xf32, #tpu.memory_space<hbm>>
    tpu.enqueue_indirect_dma source(%dma_start3A_211 : memref<100000xf32, #tpu.memory_space<hbm>>) target(%dma_start3A_206 : memref<512xf32, #tpu.memory_space<vmem>>) offsets(%arg8 : memref<512xi32, #tpu.memory_space<vmem>>) semaphore(%arg12 : memref<!tpu.dma_semaphore, #tpu.memory_space<semaphore_mem>>)
    %dma_start3A_212 = arith.constant 10 : i32
    %dma_start3A_213 = arith.constant 10 : i32
    %dma_start3A_214 = arith.constant 0 : i32
    %dma_start3A_215 = tpu.memref_slice %arg11[%dma_start3A_213, %dma_start3A_214] : memref<32x512xf32, #tpu.memory_space<vmem>> -> memref<1x512xf32, #tpu.memory_space<vmem>>
    %dma_start3A_216 = tpu.memref_squeeze %dma_start3A_215 : memref<1x512xf32, #tpu.memory_space<vmem>> -> memref<512xf32, #tpu.memory_space<vmem>>
    %dma_start3A_217 = arith.constant 0 : i32
    %dma_start3A_218 = tpu.memref_slice %arg5[%dma_start3A_212, %dma_start3A_217] : memref<32x1000000xf32, #tpu.memory_space<hbm>> -> memref<1x1000000xf32, #tpu.memory_space<hbm>>
    %dma_start3A_219 = tpu.memref_squeeze %dma_start3A_218 : memref<1x1000000xf32, #tpu.memory_space<hbm>> -> memref<1000000xf32, #tpu.memory_space<hbm>>
    %dma_start3A_220 = arith.constant 0 : i32
    %dma_start3A_221 = tpu.memref_slice %dma_start3A_219[%dma_start3A_220] : memref<1000000xf32, #tpu.memory_space<hbm>> -> memref<1000000xf32, #tpu.memory_space<hbm>>
    tpu.enqueue_indirect_dma source(%dma_start3A_221 : memref<1000000xf32, #tpu.memory_space<hbm>>) target(%dma_start3A_216 : memref<512xf32, #tpu.memory_space<vmem>>) offsets(%arg9 : memref<512xi32, #tpu.memory_space<vmem>>) semaphore(%arg12 : memref<!tpu.dma_semaphore, #tpu.memory_space<semaphore_mem>>)
    %dma_start3A_222 = arith.constant 11 : i32
    %dma_start3A_223 = arith.constant 11 : i32
    %dma_start3A_224 = arith.constant 0 : i32
    %dma_start3A_225 = tpu.memref_slice %arg10[%dma_start3A_223, %dma_start3A_224] : memref<32x512xf32, #tpu.memory_space<vmem>> -> memref<1x512xf32, #tpu.memory_space<vmem>>
    %dma_start3A_226 = tpu.memref_squeeze %dma_start3A_225 : memref<1x512xf32, #tpu.memory_space<vmem>> -> memref<512xf32, #tpu.memory_space<vmem>>
    %dma_start3A_227 = arith.constant 0 : i32
    %dma_start3A_228 = tpu.memref_slice %arg4[%dma_start3A_222, %dma_start3A_227] : memref<32x100000xf32, #tpu.memory_space<hbm>> -> memref<1x100000xf32, #tpu.memory_space<hbm>>
    %dma_start3A_229 = tpu.memref_squeeze %dma_start3A_228 : memref<1x100000xf32, #tpu.memory_space<hbm>> -> memref<100000xf32, #tpu.memory_space<hbm>>
    %dma_start3A_230 = arith.constant 0 : i32
    %dma_start3A_231 = tpu.memref_slice %dma_start3A_229[%dma_start3A_230] : memref<100000xf32, #tpu.memory_space<hbm>> -> memref<100000xf32, #tpu.memory_space<hbm>>
    tpu.enqueue_indirect_dma source(%dma_start3A_231 : memref<100000xf32, #tpu.memory_space<hbm>>) target(%dma_start3A_226 : memref<512xf32, #tpu.memory_space<vmem>>) offsets(%arg8 : memref<512xi32, #tpu.memory_space<vmem>>) semaphore(%arg12 : memref<!tpu.dma_semaphore, #tpu.memory_space<semaphore_mem>>)
    %dma_start3A_232 = arith.constant 11 : i32
    %dma_start3A_233 = arith.constant 11 : i32
    %dma_start3A_234 = arith.constant 0 : i32
    %dma_start3A_235 = tpu.memref_slice %arg11[%dma_start3A_233, %dma_start3A_234] : memref<32x512xf32, #tpu.memory_space<vmem>> -> memref<1x512xf32, #tpu.memory_space<vmem>>
    %dma_start3A_236 = tpu.memref_squeeze %dma_start3A_235 : memref<1x512xf32, #tpu.memory_space<vmem>> -> memref<512xf32, #tpu.memory_space<vmem>>
    %dma_start3A_237 = arith.constant 0 : i32
    %dma_start3A_238 = tpu.memref_slice %arg5[%dma_start3A_232, %dma_start3A_237] : memref<32x1000000xf32, #tpu.memory_space<hbm>> -> memref<1x1000000xf32, #tpu.memory_space<hbm>>
    %dma_start3A_239 = tpu.memref_squeeze %dma_start3A_238 : memref<1x1000000xf32, #tpu.memory_space<hbm>> -> memref<1000000xf32, #tpu.memory_space<hbm>>
    %dma_start3A_240 = arith.constant 0 : i32
    %dma_start3A_241 = tpu.memref_slice %dma_start3A_239[%dma_start3A_240] : memref<1000000xf32, #tpu.memory_space<hbm>> -> memref<1000000xf32, #tpu.memory_space<hbm>>
    tpu.enqueue_indirect_dma source(%dma_start3A_241 : memref<1000000xf32, #tpu.memory_space<hbm>>) target(%dma_start3A_236 : memref<512xf32, #tpu.memory_space<vmem>>) offsets(%arg9 : memref<512xi32, #tpu.memory_space<vmem>>) semaphore(%arg12 : memref<!tpu.dma_semaphore, #tpu.memory_space<semaphore_mem>>)
    %dma_start3A_242 = arith.constant 12 : i32
    %dma_start3A_243 = arith.constant 12 : i32
    %dma_start3A_244 = arith.constant 0 : i32
    %dma_start3A_245 = tpu.memref_slice %arg10[%dma_start3A_243, %dma_start3A_244] : memref<32x512xf32, #tpu.memory_space<vmem>> -> memref<1x512xf32, #tpu.memory_space<vmem>>
    %dma_start3A_246 = tpu.memref_squeeze %dma_start3A_245 : memref<1x512xf32, #tpu.memory_space<vmem>> -> memref<512xf32, #tpu.memory_space<vmem>>
    %dma_start3A_247 = arith.constant 0 : i32
    %dma_start3A_248 = tpu.memref_slice %arg4[%dma_start3A_242, %dma_start3A_247] : memref<32x100000xf32, #tpu.memory_space<hbm>> -> memref<1x100000xf32, #tpu.memory_space<hbm>>
    %dma_start3A_249 = tpu.memref_squeeze %dma_start3A_248 : memref<1x100000xf32, #tpu.memory_space<hbm>> -> memref<100000xf32, #tpu.memory_space<hbm>>
    %dma_start3A_250 = arith.constant 0 : i32
    %dma_start3A_251 = tpu.memref_slice %dma_start3A_249[%dma_start3A_250] : memref<100000xf32, #tpu.memory_space<hbm>> -> memref<100000xf32, #tpu.memory_space<hbm>>
    tpu.enqueue_indirect_dma source(%dma_start3A_251 : memref<100000xf32, #tpu.memory_space<hbm>>) target(%dma_start3A_246 : memref<512xf32, #tpu.memory_space<vmem>>) offsets(%arg8 : memref<512xi32, #tpu.memory_space<vmem>>) semaphore(%arg12 : memref<!tpu.dma_semaphore, #tpu.memory_space<semaphore_mem>>)
    %dma_start3A_252 = arith.constant 12 : i32
    %dma_start3A_253 = arith.constant 12 : i32
    %dma_start3A_254 = arith.constant 0 : i32
    %dma_start3A_255 = tpu.memref_slice %arg11[%dma_start3A_253, %dma_start3A_254] : memref<32x512xf32, #tpu.memory_space<vmem>> -> memref<1x512xf32, #tpu.memory_space<vmem>>
    %dma_start3A_256 = tpu.memref_squeeze %dma_start3A_255 : memref<1x512xf32, #tpu.memory_space<vmem>> -> memref<512xf32, #tpu.memory_space<vmem>>
    %dma_start3A_257 = arith.constant 0 : i32
    %dma_start3A_258 = tpu.memref_slice %arg5[%dma_start3A_252, %dma_start3A_257] : memref<32x1000000xf32, #tpu.memory_space<hbm>> -> memref<1x1000000xf32, #tpu.memory_space<hbm>>
    %dma_start3A_259 = tpu.memref_squeeze %dma_start3A_258 : memref<1x1000000xf32, #tpu.memory_space<hbm>> -> memref<1000000xf32, #tpu.memory_space<hbm>>
    %dma_start3A_260 = arith.constant 0 : i32
    %dma_start3A_261 = tpu.memref_slice %dma_start3A_259[%dma_start3A_260] : memref<1000000xf32, #tpu.memory_space<hbm>> -> memref<1000000xf32, #tpu.memory_space<hbm>>
    tpu.enqueue_indirect_dma source(%dma_start3A_261 : memref<1000000xf32, #tpu.memory_space<hbm>>) target(%dma_start3A_256 : memref<512xf32, #tpu.memory_space<vmem>>) offsets(%arg9 : memref<512xi32, #tpu.memory_space<vmem>>) semaphore(%arg12 : memref<!tpu.dma_semaphore, #tpu.memory_space<semaphore_mem>>)
    %dma_start3A_262 = arith.constant 13 : i32
    %dma_start3A_263 = arith.constant 13 : i32
    %dma_start3A_264 = arith.constant 0 : i32
    %dma_start3A_265 = tpu.memref_slice %arg10[%dma_start3A_263, %dma_start3A_264] : memref<32x512xf32, #tpu.memory_space<vmem>> -> memref<1x512xf32, #tpu.memory_space<vmem>>
    %dma_start3A_266 = tpu.memref_squeeze %dma_start3A_265 : memref<1x512xf32, #tpu.memory_space<vmem>> -> memref<512xf32, #tpu.memory_space<vmem>>
    %dma_start3A_267 = arith.constant 0 : i32
    %dma_start3A_268 = tpu.memref_slice %arg4[%dma_start3A_262, %dma_start3A_267] : memref<32x100000xf32, #tpu.memory_space<hbm>> -> memref<1x100000xf32, #tpu.memory_space<hbm>>
    %dma_start3A_269 = tpu.memref_squeeze %dma_start3A_268 : memref<1x100000xf32, #tpu.memory_space<hbm>> -> memref<100000xf32, #tpu.memory_space<hbm>>
    %dma_start3A_270 = arith.constant 0 : i32
    %dma_start3A_271 = tpu.memref_slice %dma_start3A_269[%dma_start3A_270] : memref<100000xf32, #tpu.memory_space<hbm>> -> memref<100000xf32, #tpu.memory_space<hbm>>
    tpu.enqueue_indirect_dma source(%dma_start3A_271 : memref<100000xf32, #tpu.memory_space<hbm>>) target(%dma_start3A_266 : memref<512xf32, #tpu.memory_space<vmem>>) offsets(%arg8 : memref<512xi32, #tpu.memory_space<vmem>>) semaphore(%arg12 : memref<!tpu.dma_semaphore, #tpu.memory_space<semaphore_mem>>)
    %dma_start3A_272 = arith.constant 13 : i32
    %dma_start3A_273 = arith.constant 13 : i32
    %dma_start3A_274 = arith.constant 0 : i32
    %dma_start3A_275 = tpu.memref_slice %arg11[%dma_start3A_273, %dma_start3A_274] : memref<32x512xf32, #tpu.memory_space<vmem>> -> memref<1x512xf32, #tpu.memory_space<vmem>>
    %dma_start3A_276 = tpu.memref_squeeze %dma_start3A_275 : memref<1x512xf32, #tpu.memory_space<vmem>> -> memref<512xf32, #tpu.memory_space<vmem>>
    %dma_start3A_277 = arith.constant 0 : i32
    %dma_start3A_278 = tpu.memref_slice %arg5[%dma_start3A_272, %dma_start3A_277] : memref<32x1000000xf32, #tpu.memory_space<hbm>> -> memref<1x1000000xf32, #tpu.memory_space<hbm>>
    %dma_start3A_279 = tpu.memref_squeeze %dma_start3A_278 : memref<1x1000000xf32, #tpu.memory_space<hbm>> -> memref<1000000xf32, #tpu.memory_space<hbm>>
    %dma_start3A_280 = arith.constant 0 : i32
    %dma_start3A_281 = tpu.memref_slice %dma_start3A_279[%dma_start3A_280] : memref<1000000xf32, #tpu.memory_space<hbm>> -> memref<1000000xf32, #tpu.memory_space<hbm>>
    tpu.enqueue_indirect_dma source(%dma_start3A_281 : memref<1000000xf32, #tpu.memory_space<hbm>>) target(%dma_start3A_276 : memref<512xf32, #tpu.memory_space<vmem>>) offsets(%arg9 : memref<512xi32, #tpu.memory_space<vmem>>) semaphore(%arg12 : memref<!tpu.dma_semaphore, #tpu.memory_space<semaphore_mem>>)
    %dma_start3A_282 = arith.constant 14 : i32
    %dma_start3A_283 = arith.constant 14 : i32
    %dma_start3A_284 = arith.constant 0 : i32
    %dma_start3A_285 = tpu.memref_slice %arg10[%dma_start3A_283, %dma_start3A_284] : memref<32x512xf32, #tpu.memory_space<vmem>> -> memref<1x512xf32, #tpu.memory_space<vmem>>
    %dma_start3A_286 = tpu.memref_squeeze %dma_start3A_285 : memref<1x512xf32, #tpu.memory_space<vmem>> -> memref<512xf32, #tpu.memory_space<vmem>>
    %dma_start3A_287 = arith.constant 0 : i32
    %dma_start3A_288 = tpu.memref_slice %arg4[%dma_start3A_282, %dma_start3A_287] : memref<32x100000xf32, #tpu.memory_space<hbm>> -> memref<1x100000xf32, #tpu.memory_space<hbm>>
    %dma_start3A_289 = tpu.memref_squeeze %dma_start3A_288 : memref<1x100000xf32, #tpu.memory_space<hbm>> -> memref<100000xf32, #tpu.memory_space<hbm>>
    %dma_start3A_290 = arith.constant 0 : i32
    %dma_start3A_291 = tpu.memref_slice %dma_start3A_289[%dma_start3A_290] : memref<100000xf32, #tpu.memory_space<hbm>> -> memref<100000xf32, #tpu.memory_space<hbm>>
    tpu.enqueue_indirect_dma source(%dma_start3A_291 : memref<100000xf32, #tpu.memory_space<hbm>>) target(%dma_start3A_286 : memref<512xf32, #tpu.memory_space<vmem>>) offsets(%arg8 : memref<512xi32, #tpu.memory_space<vmem>>) semaphore(%arg12 : memref<!tpu.dma_semaphore, #tpu.memory_space<semaphore_mem>>)
    %dma_start3A_292 = arith.constant 14 : i32
    %dma_start3A_293 = arith.constant 14 : i32
    %dma_start3A_294 = arith.constant 0 : i32
    %dma_start3A_295 = tpu.memref_slice %arg11[%dma_start3A_293, %dma_start3A_294] : memref<32x512xf32, #tpu.memory_space<vmem>> -> memref<1x512xf32, #tpu.memory_space<vmem>>
    %dma_start3A_296 = tpu.memref_squeeze %dma_start3A_295 : memref<1x512xf32, #tpu.memory_space<vmem>> -> memref<512xf32, #tpu.memory_space<vmem>>
    %dma_start3A_297 = arith.constant 0 : i32
    %dma_start3A_298 = tpu.memref_slice %arg5[%dma_start3A_292, %dma_start3A_297] : memref<32x1000000xf32, #tpu.memory_space<hbm>> -> memref<1x1000000xf32, #tpu.memory_space<hbm>>
    %dma_start3A_299 = tpu.memref_squeeze %dma_start3A_298 : memref<1x1000000xf32, #tpu.memory_space<hbm>> -> memref<1000000xf32, #tpu.memory_space<hbm>>
    %dma_start3A_300 = arith.constant 0 : i32
    %dma_start3A_301 = tpu.memref_slice %dma_start3A_299[%dma_start3A_300] : memref<1000000xf32, #tpu.memory_space<hbm>> -> memref<1000000xf32, #tpu.memory_space<hbm>>
    tpu.enqueue_indirect_dma source(%dma_start3A_301 : memref<1000000xf32, #tpu.memory_space<hbm>>) target(%dma_start3A_296 : memref<512xf32, #tpu.memory_space<vmem>>) offsets(%arg9 : memref<512xi32, #tpu.memory_space<vmem>>) semaphore(%arg12 : memref<!tpu.dma_semaphore, #tpu.memory_space<semaphore_mem>>)
    %dma_start3A_302 = arith.constant 15 : i32
    %dma_start3A_303 = arith.constant 15 : i32
    %dma_start3A_304 = arith.constant 0 : i32
    %dma_start3A_305 = tpu.memref_slice %arg10[%dma_start3A_303, %dma_start3A_304] : memref<32x512xf32, #tpu.memory_space<vmem>> -> memref<1x512xf32, #tpu.memory_space<vmem>>
    %dma_start3A_306 = tpu.memref_squeeze %dma_start3A_305 : memref<1x512xf32, #tpu.memory_space<vmem>> -> memref<512xf32, #tpu.memory_space<vmem>>
    %dma_start3A_307 = arith.constant 0 : i32
    %dma_start3A_308 = tpu.memref_slice %arg4[%dma_start3A_302, %dma_start3A_307] : memref<32x100000xf32, #tpu.memory_space<hbm>> -> memref<1x100000xf32, #tpu.memory_space<hbm>>
    %dma_start3A_309 = tpu.memref_squeeze %dma_start3A_308 : memref<1x100000xf32, #tpu.memory_space<hbm>> -> memref<100000xf32, #tpu.memory_space<hbm>>
    %dma_start3A_310 = arith.constant 0 : i32
    %dma_start3A_311 = tpu.memref_slice %dma_start3A_309[%dma_start3A_310] : memref<100000xf32, #tpu.memory_space<hbm>> -> memref<100000xf32, #tpu.memory_space<hbm>>
    tpu.enqueue_indirect_dma source(%dma_start3A_311 : memref<100000xf32, #tpu.memory_space<hbm>>) target(%dma_start3A_306 : memref<512xf32, #tpu.memory_space<vmem>>) offsets(%arg8 : memref<512xi32, #tpu.memory_space<vmem>>) semaphore(%arg12 : memref<!tpu.dma_semaphore, #tpu.memory_space<semaphore_mem>>)
    %dma_start3A_312 = arith.constant 15 : i32
    %dma_start3A_313 = arith.constant 15 : i32
    %dma_start3A_314 = arith.constant 0 : i32
    %dma_start3A_315 = tpu.memref_slice %arg11[%dma_start3A_313, %dma_start3A_314] : memref<32x512xf32, #tpu.memory_space<vmem>> -> memref<1x512xf32, #tpu.memory_space<vmem>>
    %dma_start3A_316 = tpu.memref_squeeze %dma_start3A_315 : memref<1x512xf32, #tpu.memory_space<vmem>> -> memref<512xf32, #tpu.memory_space<vmem>>
    %dma_start3A_317 = arith.constant 0 : i32
    %dma_start3A_318 = tpu.memref_slice %arg5[%dma_start3A_312, %dma_start3A_317] : memref<32x1000000xf32, #tpu.memory_space<hbm>> -> memref<1x1000000xf32, #tpu.memory_space<hbm>>
    %dma_start3A_319 = tpu.memref_squeeze %dma_start3A_318 : memref<1x1000000xf32, #tpu.memory_space<hbm>> -> memref<1000000xf32, #tpu.memory_space<hbm>>
    %dma_start3A_320 = arith.constant 0 : i32
    %dma_start3A_321 = tpu.memref_slice %dma_start3A_319[%dma_start3A_320] : memref<1000000xf32, #tpu.memory_space<hbm>> -> memref<1000000xf32, #tpu.memory_space<hbm>>
    tpu.enqueue_indirect_dma source(%dma_start3A_321 : memref<1000000xf32, #tpu.memory_space<hbm>>) target(%dma_start3A_316 : memref<512xf32, #tpu.memory_space<vmem>>) offsets(%arg9 : memref<512xi32, #tpu.memory_space<vmem>>) semaphore(%arg12 : memref<!tpu.dma_semaphore, #tpu.memory_space<semaphore_mem>>)
    %dma_start3A_322 = arith.constant 16 : i32
    %dma_start3A_323 = arith.constant 16 : i32
    %dma_start3A_324 = arith.constant 0 : i32
    %dma_start3A_325 = tpu.memref_slice %arg10[%dma_start3A_323, %dma_start3A_324] : memref<32x512xf32, #tpu.memory_space<vmem>> -> memref<1x512xf32, #tpu.memory_space<vmem>>
    %dma_start3A_326 = tpu.memref_squeeze %dma_start3A_325 : memref<1x512xf32, #tpu.memory_space<vmem>> -> memref<512xf32, #tpu.memory_space<vmem>>
    %dma_start3A_327 = arith.constant 0 : i32
    %dma_start3A_328 = tpu.memref_slice %arg4[%dma_start3A_322, %dma_start3A_327] : memref<32x100000xf32, #tpu.memory_space<hbm>> -> memref<1x100000xf32, #tpu.memory_space<hbm>>
    %dma_start3A_329 = tpu.memref_squeeze %dma_start3A_328 : memref<1x100000xf32, #tpu.memory_space<hbm>> -> memref<100000xf32, #tpu.memory_space<hbm>>
    %dma_start3A_330 = arith.constant 0 : i32
    %dma_start3A_331 = tpu.memref_slice %dma_start3A_329[%dma_start3A_330] : memref<100000xf32, #tpu.memory_space<hbm>> -> memref<100000xf32, #tpu.memory_space<hbm>>
    tpu.enqueue_indirect_dma source(%dma_start3A_331 : memref<100000xf32, #tpu.memory_space<hbm>>) target(%dma_start3A_326 : memref<512xf32, #tpu.memory_space<vmem>>) offsets(%arg8 : memref<512xi32, #tpu.memory_space<vmem>>) semaphore(%arg12 : memref<!tpu.dma_semaphore, #tpu.memory_space<semaphore_mem>>)
    %dma_start3A_332 = arith.constant 16 : i32
    %dma_start3A_333 = arith.constant 16 : i32
    %dma_start3A_334 = arith.constant 0 : i32
    %dma_start3A_335 = tpu.memref_slice %arg11[%dma_start3A_333, %dma_start3A_334] : memref<32x512xf32, #tpu.memory_space<vmem>> -> memref<1x512xf32, #tpu.memory_space<vmem>>
    %dma_start3A_336 = tpu.memref_squeeze %dma_start3A_335 : memref<1x512xf32, #tpu.memory_space<vmem>> -> memref<512xf32, #tpu.memory_space<vmem>>
    %dma_start3A_337 = arith.constant 0 : i32
    %dma_start3A_338 = tpu.memref_slice %arg5[%dma_start3A_332, %dma_start3A_337] : memref<32x1000000xf32, #tpu.memory_space<hbm>> -> memref<1x1000000xf32, #tpu.memory_space<hbm>>
    %dma_start3A_339 = tpu.memref_squeeze %dma_start3A_338 : memref<1x1000000xf32, #tpu.memory_space<hbm>> -> memref<1000000xf32, #tpu.memory_space<hbm>>
    %dma_start3A_340 = arith.constant 0 : i32
    %dma_start3A_341 = tpu.memref_slice %dma_start3A_339[%dma_start3A_340] : memref<1000000xf32, #tpu.memory_space<hbm>> -> memref<1000000xf32, #tpu.memory_space<hbm>>
    tpu.enqueue_indirect_dma source(%dma_start3A_341 : memref<1000000xf32, #tpu.memory_space<hbm>>) target(%dma_start3A_336 : memref<512xf32, #tpu.memory_space<vmem>>) offsets(%arg9 : memref<512xi32, #tpu.memory_space<vmem>>) semaphore(%arg12 : memref<!tpu.dma_semaphore, #tpu.memory_space<semaphore_mem>>)
    %dma_start3A_342 = arith.constant 17 : i32
    %dma_start3A_343 = arith.constant 17 : i32
    %dma_start3A_344 = arith.constant 0 : i32
    %dma_start3A_345 = tpu.memref_slice %arg10[%dma_start3A_343, %dma_start3A_344] : memref<32x512xf32, #tpu.memory_space<vmem>> -> memref<1x512xf32, #tpu.memory_space<vmem>>
    %dma_start3A_346 = tpu.memref_squeeze %dma_start3A_345 : memref<1x512xf32, #tpu.memory_space<vmem>> -> memref<512xf32, #tpu.memory_space<vmem>>
    %dma_start3A_347 = arith.constant 0 : i32
    %dma_start3A_348 = tpu.memref_slice %arg4[%dma_start3A_342, %dma_start3A_347] : memref<32x100000xf32, #tpu.memory_space<hbm>> -> memref<1x100000xf32, #tpu.memory_space<hbm>>
    %dma_start3A_349 = tpu.memref_squeeze %dma_start3A_348 : memref<1x100000xf32, #tpu.memory_space<hbm>> -> memref<100000xf32, #tpu.memory_space<hbm>>
    %dma_start3A_350 = arith.constant 0 : i32
    %dma_start3A_351 = tpu.memref_slice %dma_start3A_349[%dma_start3A_350] : memref<100000xf32, #tpu.memory_space<hbm>> -> memref<100000xf32, #tpu.memory_space<hbm>>
    tpu.enqueue_indirect_dma source(%dma_start3A_351 : memref<100000xf32, #tpu.memory_space<hbm>>) target(%dma_start3A_346 : memref<512xf32, #tpu.memory_space<vmem>>) offsets(%arg8 : memref<512xi32, #tpu.memory_space<vmem>>) semaphore(%arg12 : memref<!tpu.dma_semaphore, #tpu.memory_space<semaphore_mem>>)
    %dma_start3A_352 = arith.constant 17 : i32
    %dma_start3A_353 = arith.constant 17 : i32
    %dma_start3A_354 = arith.constant 0 : i32
    %dma_start3A_355 = tpu.memref_slice %arg11[%dma_start3A_353, %dma_start3A_354] : memref<32x512xf32, #tpu.memory_space<vmem>> -> memref<1x512xf32, #tpu.memory_space<vmem>>
    %dma_start3A_356 = tpu.memref_squeeze %dma_start3A_355 : memref<1x512xf32, #tpu.memory_space<vmem>> -> memref<512xf32, #tpu.memory_space<vmem>>
    %dma_start3A_357 = arith.constant 0 : i32
    %dma_start3A_358 = tpu.memref_slice %arg5[%dma_start3A_352, %dma_start3A_357] : memref<32x1000000xf32, #tpu.memory_space<hbm>> -> memref<1x1000000xf32, #tpu.memory_space<hbm>>
    %dma_start3A_359 = tpu.memref_squeeze %dma_start3A_358 : memref<1x1000000xf32, #tpu.memory_space<hbm>> -> memref<1000000xf32, #tpu.memory_space<hbm>>
    %dma_start3A_360 = arith.constant 0 : i32
    %dma_start3A_361 = tpu.memref_slice %dma_start3A_359[%dma_start3A_360] : memref<1000000xf32, #tpu.memory_space<hbm>> -> memref<1000000xf32, #tpu.memory_space<hbm>>
    tpu.enqueue_indirect_dma source(%dma_start3A_361 : memref<1000000xf32, #tpu.memory_space<hbm>>) target(%dma_start3A_356 : memref<512xf32, #tpu.memory_space<vmem>>) offsets(%arg9 : memref<512xi32, #tpu.memory_space<vmem>>) semaphore(%arg12 : memref<!tpu.dma_semaphore, #tpu.memory_space<semaphore_mem>>)
    %dma_start3A_362 = arith.constant 18 : i32
    %dma_start3A_363 = arith.constant 18 : i32
    %dma_start3A_364 = arith.constant 0 : i32
    %dma_start3A_365 = tpu.memref_slice %arg10[%dma_start3A_363, %dma_start3A_364] : memref<32x512xf32, #tpu.memory_space<vmem>> -> memref<1x512xf32, #tpu.memory_space<vmem>>
    %dma_start3A_366 = tpu.memref_squeeze %dma_start3A_365 : memref<1x512xf32, #tpu.memory_space<vmem>> -> memref<512xf32, #tpu.memory_space<vmem>>
    %dma_start3A_367 = arith.constant 0 : i32
    %dma_start3A_368 = tpu.memref_slice %arg4[%dma_start3A_362, %dma_start3A_367] : memref<32x100000xf32, #tpu.memory_space<hbm>> -> memref<1x100000xf32, #tpu.memory_space<hbm>>
    %dma_start3A_369 = tpu.memref_squeeze %dma_start3A_368 : memref<1x100000xf32, #tpu.memory_space<hbm>> -> memref<100000xf32, #tpu.memory_space<hbm>>
    %dma_start3A_370 = arith.constant 0 : i32
    %dma_start3A_371 = tpu.memref_slice %dma_start3A_369[%dma_start3A_370] : memref<100000xf32, #tpu.memory_space<hbm>> -> memref<100000xf32, #tpu.memory_space<hbm>>
    tpu.enqueue_indirect_dma source(%dma_start3A_371 : memref<100000xf32, #tpu.memory_space<hbm>>) target(%dma_start3A_366 : memref<512xf32, #tpu.memory_space<vmem>>) offsets(%arg8 : memref<512xi32, #tpu.memory_space<vmem>>) semaphore(%arg12 : memref<!tpu.dma_semaphore, #tpu.memory_space<semaphore_mem>>)
    %dma_start3A_372 = arith.constant 18 : i32
    %dma_start3A_373 = arith.constant 18 : i32
    %dma_start3A_374 = arith.constant 0 : i32
    %dma_start3A_375 = tpu.memref_slice %arg11[%dma_start3A_373, %dma_start3A_374] : memref<32x512xf32, #tpu.memory_space<vmem>> -> memref<1x512xf32, #tpu.memory_space<vmem>>
    %dma_start3A_376 = tpu.memref_squeeze %dma_start3A_375 : memref<1x512xf32, #tpu.memory_space<vmem>> -> memref<512xf32, #tpu.memory_space<vmem>>
    %dma_start3A_377 = arith.constant 0 : i32
    %dma_start3A_378 = tpu.memref_slice %arg5[%dma_start3A_372, %dma_start3A_377] : memref<32x1000000xf32, #tpu.memory_space<hbm>> -> memref<1x1000000xf32, #tpu.memory_space<hbm>>
    %dma_start3A_379 = tpu.memref_squeeze %dma_start3A_378 : memref<1x1000000xf32, #tpu.memory_space<hbm>> -> memref<1000000xf32, #tpu.memory_space<hbm>>
    %dma_start3A_380 = arith.constant 0 : i32
    %dma_start3A_381 = tpu.memref_slice %dma_start3A_379[%dma_start3A_380] : memref<1000000xf32, #tpu.memory_space<hbm>> -> memref<1000000xf32, #tpu.memory_space<hbm>>
    tpu.enqueue_indirect_dma source(%dma_start3A_381 : memref<1000000xf32, #tpu.memory_space<hbm>>) target(%dma_start3A_376 : memref<512xf32, #tpu.memory_space<vmem>>) offsets(%arg9 : memref<512xi32, #tpu.memory_space<vmem>>) semaphore(%arg12 : memref<!tpu.dma_semaphore, #tpu.memory_space<semaphore_mem>>)
    %dma_start3A_382 = arith.constant 19 : i32
    %dma_start3A_383 = arith.constant 19 : i32
    %dma_start3A_384 = arith.constant 0 : i32
    %dma_start3A_385 = tpu.memref_slice %arg10[%dma_start3A_383, %dma_start3A_384] : memref<32x512xf32, #tpu.memory_space<vmem>> -> memref<1x512xf32, #tpu.memory_space<vmem>>
    %dma_start3A_386 = tpu.memref_squeeze %dma_start3A_385 : memref<1x512xf32, #tpu.memory_space<vmem>> -> memref<512xf32, #tpu.memory_space<vmem>>
    %dma_start3A_387 = arith.constant 0 : i32
    %dma_start3A_388 = tpu.memref_slice %arg4[%dma_start3A_382, %dma_start3A_387] : memref<32x100000xf32, #tpu.memory_space<hbm>> -> memref<1x100000xf32, #tpu.memory_space<hbm>>
    %dma_start3A_389 = tpu.memref_squeeze %dma_start3A_388 : memref<1x100000xf32, #tpu.memory_space<hbm>> -> memref<100000xf32, #tpu.memory_space<hbm>>
    %dma_start3A_390 = arith.constant 0 : i32
    %dma_start3A_391 = tpu.memref_slice %dma_start3A_389[%dma_start3A_390] : memref<100000xf32, #tpu.memory_space<hbm>> -> memref<100000xf32, #tpu.memory_space<hbm>>
    tpu.enqueue_indirect_dma source(%dma_start3A_391 : memref<100000xf32, #tpu.memory_space<hbm>>) target(%dma_start3A_386 : memref<512xf32, #tpu.memory_space<vmem>>) offsets(%arg8 : memref<512xi32, #tpu.memory_space<vmem>>) semaphore(%arg12 : memref<!tpu.dma_semaphore, #tpu.memory_space<semaphore_mem>>)
    %dma_start3A_392 = arith.constant 19 : i32
    %dma_start3A_393 = arith.constant 19 : i32
    %dma_start3A_394 = arith.constant 0 : i32
    %dma_start3A_395 = tpu.memref_slice %arg11[%dma_start3A_393, %dma_start3A_394] : memref<32x512xf32, #tpu.memory_space<vmem>> -> memref<1x512xf32, #tpu.memory_space<vmem>>
    %dma_start3A_396 = tpu.memref_squeeze %dma_start3A_395 : memref<1x512xf32, #tpu.memory_space<vmem>> -> memref<512xf32, #tpu.memory_space<vmem>>
    %dma_start3A_397 = arith.constant 0 : i32
    %dma_start3A_398 = tpu.memref_slice %arg5[%dma_start3A_392, %dma_start3A_397] : memref<32x1000000xf32, #tpu.memory_space<hbm>> -> memref<1x1000000xf32, #tpu.memory_space<hbm>>
    %dma_start3A_399 = tpu.memref_squeeze %dma_start3A_398 : memref<1x1000000xf32, #tpu.memory_space<hbm>> -> memref<1000000xf32, #tpu.memory_space<hbm>>
    %dma_start3A_400 = arith.constant 0 : i32
    %dma_start3A_401 = tpu.memref_slice %dma_start3A_399[%dma_start3A_400] : memref<1000000xf32, #tpu.memory_space<hbm>> -> memref<1000000xf32, #tpu.memory_space<hbm>>
    tpu.enqueue_indirect_dma source(%dma_start3A_401 : memref<1000000xf32, #tpu.memory_space<hbm>>) target(%dma_start3A_396 : memref<512xf32, #tpu.memory_space<vmem>>) offsets(%arg9 : memref<512xi32, #tpu.memory_space<vmem>>) semaphore(%arg12 : memref<!tpu.dma_semaphore, #tpu.memory_space<semaphore_mem>>)
    %dma_start3A_402 = arith.constant 20 : i32
    %dma_start3A_403 = arith.constant 20 : i32
    %dma_start3A_404 = arith.constant 0 : i32
    %dma_start3A_405 = tpu.memref_slice %arg10[%dma_start3A_403, %dma_start3A_404] : memref<32x512xf32, #tpu.memory_space<vmem>> -> memref<1x512xf32, #tpu.memory_space<vmem>>
    %dma_start3A_406 = tpu.memref_squeeze %dma_start3A_405 : memref<1x512xf32, #tpu.memory_space<vmem>> -> memref<512xf32, #tpu.memory_space<vmem>>
    %dma_start3A_407 = arith.constant 0 : i32
    %dma_start3A_408 = tpu.memref_slice %arg4[%dma_start3A_402, %dma_start3A_407] : memref<32x100000xf32, #tpu.memory_space<hbm>> -> memref<1x100000xf32, #tpu.memory_space<hbm>>
    %dma_start3A_409 = tpu.memref_squeeze %dma_start3A_408 : memref<1x100000xf32, #tpu.memory_space<hbm>> -> memref<100000xf32, #tpu.memory_space<hbm>>
    %dma_start3A_410 = arith.constant 0 : i32
    %dma_start3A_411 = tpu.memref_slice %dma_start3A_409[%dma_start3A_410] : memref<100000xf32, #tpu.memory_space<hbm>> -> memref<100000xf32, #tpu.memory_space<hbm>>
    tpu.enqueue_indirect_dma source(%dma_start3A_411 : memref<100000xf32, #tpu.memory_space<hbm>>) target(%dma_start3A_406 : memref<512xf32, #tpu.memory_space<vmem>>) offsets(%arg8 : memref<512xi32, #tpu.memory_space<vmem>>) semaphore(%arg12 : memref<!tpu.dma_semaphore, #tpu.memory_space<semaphore_mem>>)
    %dma_start3A_412 = arith.constant 20 : i32
    %dma_start3A_413 = arith.constant 20 : i32
    %dma_start3A_414 = arith.constant 0 : i32
    %dma_start3A_415 = tpu.memref_slice %arg11[%dma_start3A_413, %dma_start3A_414] : memref<32x512xf32, #tpu.memory_space<vmem>> -> memref<1x512xf32, #tpu.memory_space<vmem>>
    %dma_start3A_416 = tpu.memref_squeeze %dma_start3A_415 : memref<1x512xf32, #tpu.memory_space<vmem>> -> memref<512xf32, #tpu.memory_space<vmem>>
    %dma_start3A_417 = arith.constant 0 : i32
    %dma_start3A_418 = tpu.memref_slice %arg5[%dma_start3A_412, %dma_start3A_417] : memref<32x1000000xf32, #tpu.memory_space<hbm>> -> memref<1x1000000xf32, #tpu.memory_space<hbm>>
    %dma_start3A_419 = tpu.memref_squeeze %dma_start3A_418 : memref<1x1000000xf32, #tpu.memory_space<hbm>> -> memref<1000000xf32, #tpu.memory_space<hbm>>
    %dma_start3A_420 = arith.constant 0 : i32
    %dma_start3A_421 = tpu.memref_slice %dma_start3A_419[%dma_start3A_420] : memref<1000000xf32, #tpu.memory_space<hbm>> -> memref<1000000xf32, #tpu.memory_space<hbm>>
    tpu.enqueue_indirect_dma source(%dma_start3A_421 : memref<1000000xf32, #tpu.memory_space<hbm>>) target(%dma_start3A_416 : memref<512xf32, #tpu.memory_space<vmem>>) offsets(%arg9 : memref<512xi32, #tpu.memory_space<vmem>>) semaphore(%arg12 : memref<!tpu.dma_semaphore, #tpu.memory_space<semaphore_mem>>)
    %dma_start3A_422 = arith.constant 21 : i32
    %dma_start3A_423 = arith.constant 21 : i32
    %dma_start3A_424 = arith.constant 0 : i32
    %dma_start3A_425 = tpu.memref_slice %arg10[%dma_start3A_423, %dma_start3A_424] : memref<32x512xf32, #tpu.memory_space<vmem>> -> memref<1x512xf32, #tpu.memory_space<vmem>>
    %dma_start3A_426 = tpu.memref_squeeze %dma_start3A_425 : memref<1x512xf32, #tpu.memory_space<vmem>> -> memref<512xf32, #tpu.memory_space<vmem>>
    %dma_start3A_427 = arith.constant 0 : i32
    %dma_start3A_428 = tpu.memref_slice %arg4[%dma_start3A_422, %dma_start3A_427] : memref<32x100000xf32, #tpu.memory_space<hbm>> -> memref<1x100000xf32, #tpu.memory_space<hbm>>
    %dma_start3A_429 = tpu.memref_squeeze %dma_start3A_428 : memref<1x100000xf32, #tpu.memory_space<hbm>> -> memref<100000xf32, #tpu.memory_space<hbm>>
    %dma_start3A_430 = arith.constant 0 : i32
    %dma_start3A_431 = tpu.memref_slice %dma_start3A_429[%dma_start3A_430] : memref<100000xf32, #tpu.memory_space<hbm>> -> memref<100000xf32, #tpu.memory_space<hbm>>
    tpu.enqueue_indirect_dma source(%dma_start3A_431 : memref<100000xf32, #tpu.memory_space<hbm>>) target(%dma_start3A_426 : memref<512xf32, #tpu.memory_space<vmem>>) offsets(%arg8 : memref<512xi32, #tpu.memory_space<vmem>>) semaphore(%arg12 : memref<!tpu.dma_semaphore, #tpu.memory_space<semaphore_mem>>)
    %dma_start3A_432 = arith.constant 21 : i32
    %dma_start3A_433 = arith.constant 21 : i32
    %dma_start3A_434 = arith.constant 0 : i32
    %dma_start3A_435 = tpu.memref_slice %arg11[%dma_start3A_433, %dma_start3A_434] : memref<32x512xf32, #tpu.memory_space<vmem>> -> memref<1x512xf32, #tpu.memory_space<vmem>>
    %dma_start3A_436 = tpu.memref_squeeze %dma_start3A_435 : memref<1x512xf32, #tpu.memory_space<vmem>> -> memref<512xf32, #tpu.memory_space<vmem>>
    %dma_start3A_437 = arith.constant 0 : i32
    %dma_start3A_438 = tpu.memref_slice %arg5[%dma_start3A_432, %dma_start3A_437] : memref<32x1000000xf32, #tpu.memory_space<hbm>> -> memref<1x1000000xf32, #tpu.memory_space<hbm>>
    %dma_start3A_439 = tpu.memref_squeeze %dma_start3A_438 : memref<1x1000000xf32, #tpu.memory_space<hbm>> -> memref<1000000xf32, #tpu.memory_space<hbm>>
    %dma_start3A_440 = arith.constant 0 : i32
    %dma_start3A_441 = tpu.memref_slice %dma_start3A_439[%dma_start3A_440] : memref<1000000xf32, #tpu.memory_space<hbm>> -> memref<1000000xf32, #tpu.memory_space<hbm>>
    tpu.enqueue_indirect_dma source(%dma_start3A_441 : memref<1000000xf32, #tpu.memory_space<hbm>>) target(%dma_start3A_436 : memref<512xf32, #tpu.memory_space<vmem>>) offsets(%arg9 : memref<512xi32, #tpu.memory_space<vmem>>) semaphore(%arg12 : memref<!tpu.dma_semaphore, #tpu.memory_space<semaphore_mem>>)
    %dma_start3A_442 = arith.constant 22 : i32
    %dma_start3A_443 = arith.constant 22 : i32
    %dma_start3A_444 = arith.constant 0 : i32
    %dma_start3A_445 = tpu.memref_slice %arg10[%dma_start3A_443, %dma_start3A_444] : memref<32x512xf32, #tpu.memory_space<vmem>> -> memref<1x512xf32, #tpu.memory_space<vmem>>
    %dma_start3A_446 = tpu.memref_squeeze %dma_start3A_445 : memref<1x512xf32, #tpu.memory_space<vmem>> -> memref<512xf32, #tpu.memory_space<vmem>>
    %dma_start3A_447 = arith.constant 0 : i32
    %dma_start3A_448 = tpu.memref_slice %arg4[%dma_start3A_442, %dma_start3A_447] : memref<32x100000xf32, #tpu.memory_space<hbm>> -> memref<1x100000xf32, #tpu.memory_space<hbm>>
    %dma_start3A_449 = tpu.memref_squeeze %dma_start3A_448 : memref<1x100000xf32, #tpu.memory_space<hbm>> -> memref<100000xf32, #tpu.memory_space<hbm>>
    %dma_start3A_450 = arith.constant 0 : i32
    %dma_start3A_451 = tpu.memref_slice %dma_start3A_449[%dma_start3A_450] : memref<100000xf32, #tpu.memory_space<hbm>> -> memref<100000xf32, #tpu.memory_space<hbm>>
    tpu.enqueue_indirect_dma source(%dma_start3A_451 : memref<100000xf32, #tpu.memory_space<hbm>>) target(%dma_start3A_446 : memref<512xf32, #tpu.memory_space<vmem>>) offsets(%arg8 : memref<512xi32, #tpu.memory_space<vmem>>) semaphore(%arg12 : memref<!tpu.dma_semaphore, #tpu.memory_space<semaphore_mem>>)
    %dma_start3A_452 = arith.constant 22 : i32
    %dma_start3A_453 = arith.constant 22 : i32
    %dma_start3A_454 = arith.constant 0 : i32
    %dma_start3A_455 = tpu.memref_slice %arg11[%dma_start3A_453, %dma_start3A_454] : memref<32x512xf32, #tpu.memory_space<vmem>> -> memref<1x512xf32, #tpu.memory_space<vmem>>
    %dma_start3A_456 = tpu.memref_squeeze %dma_start3A_455 : memref<1x512xf32, #tpu.memory_space<vmem>> -> memref<512xf32, #tpu.memory_space<vmem>>
    %dma_start3A_457 = arith.constant 0 : i32
    %dma_start3A_458 = tpu.memref_slice %arg5[%dma_start3A_452, %dma_start3A_457] : memref<32x1000000xf32, #tpu.memory_space<hbm>> -> memref<1x1000000xf32, #tpu.memory_space<hbm>>
    %dma_start3A_459 = tpu.memref_squeeze %dma_start3A_458 : memref<1x1000000xf32, #tpu.memory_space<hbm>> -> memref<1000000xf32, #tpu.memory_space<hbm>>
    %dma_start3A_460 = arith.constant 0 : i32
    %dma_start3A_461 = tpu.memref_slice %dma_start3A_459[%dma_start3A_460] : memref<1000000xf32, #tpu.memory_space<hbm>> -> memref<1000000xf32, #tpu.memory_space<hbm>>
    tpu.enqueue_indirect_dma source(%dma_start3A_461 : memref<1000000xf32, #tpu.memory_space<hbm>>) target(%dma_start3A_456 : memref<512xf32, #tpu.memory_space<vmem>>) offsets(%arg9 : memref<512xi32, #tpu.memory_space<vmem>>) semaphore(%arg12 : memref<!tpu.dma_semaphore, #tpu.memory_space<semaphore_mem>>)
    %dma_start3A_462 = arith.constant 23 : i32
    %dma_start3A_463 = arith.constant 23 : i32
    %dma_start3A_464 = arith.constant 0 : i32
    %dma_start3A_465 = tpu.memref_slice %arg10[%dma_start3A_463, %dma_start3A_464] : memref<32x512xf32, #tpu.memory_space<vmem>> -> memref<1x512xf32, #tpu.memory_space<vmem>>
    %dma_start3A_466 = tpu.memref_squeeze %dma_start3A_465 : memref<1x512xf32, #tpu.memory_space<vmem>> -> memref<512xf32, #tpu.memory_space<vmem>>
    %dma_start3A_467 = arith.constant 0 : i32
    %dma_start3A_468 = tpu.memref_slice %arg4[%dma_start3A_462, %dma_start3A_467] : memref<32x100000xf32, #tpu.memory_space<hbm>> -> memref<1x100000xf32, #tpu.memory_space<hbm>>
    %dma_start3A_469 = tpu.memref_squeeze %dma_start3A_468 : memref<1x100000xf32, #tpu.memory_space<hbm>> -> memref<100000xf32, #tpu.memory_space<hbm>>
    %dma_start3A_470 = arith.constant 0 : i32
    %dma_start3A_471 = tpu.memref_slice %dma_start3A_469[%dma_start3A_470] : memref<100000xf32, #tpu.memory_space<hbm>> -> memref<100000xf32, #tpu.memory_space<hbm>>
    tpu.enqueue_indirect_dma source(%dma_start3A_471 : memref<100000xf32, #tpu.memory_space<hbm>>) target(%dma_start3A_466 : memref<512xf32, #tpu.memory_space<vmem>>) offsets(%arg8 : memref<512xi32, #tpu.memory_space<vmem>>) semaphore(%arg12 : memref<!tpu.dma_semaphore, #tpu.memory_space<semaphore_mem>>)
    %dma_start3A_472 = arith.constant 23 : i32
    %dma_start3A_473 = arith.constant 23 : i32
    %dma_start3A_474 = arith.constant 0 : i32
    %dma_start3A_475 = tpu.memref_slice %arg11[%dma_start3A_473, %dma_start3A_474] : memref<32x512xf32, #tpu.memory_space<vmem>> -> memref<1x512xf32, #tpu.memory_space<vmem>>
    %dma_start3A_476 = tpu.memref_squeeze %dma_start3A_475 : memref<1x512xf32, #tpu.memory_space<vmem>> -> memref<512xf32, #tpu.memory_space<vmem>>
    %dma_start3A_477 = arith.constant 0 : i32
    %dma_start3A_478 = tpu.memref_slice %arg5[%dma_start3A_472, %dma_start3A_477] : memref<32x1000000xf32, #tpu.memory_space<hbm>> -> memref<1x1000000xf32, #tpu.memory_space<hbm>>
    %dma_start3A_479 = tpu.memref_squeeze %dma_start3A_478 : memref<1x1000000xf32, #tpu.memory_space<hbm>> -> memref<1000000xf32, #tpu.memory_space<hbm>>
    %dma_start3A_480 = arith.constant 0 : i32
    %dma_start3A_481 = tpu.memref_slice %dma_start3A_479[%dma_start3A_480] : memref<1000000xf32, #tpu.memory_space<hbm>> -> memref<1000000xf32, #tpu.memory_space<hbm>>
    tpu.enqueue_indirect_dma source(%dma_start3A_481 : memref<1000000xf32, #tpu.memory_space<hbm>>) target(%dma_start3A_476 : memref<512xf32, #tpu.memory_space<vmem>>) offsets(%arg9 : memref<512xi32, #tpu.memory_space<vmem>>) semaphore(%arg12 : memref<!tpu.dma_semaphore, #tpu.memory_space<semaphore_mem>>)
    %dma_start3A_482 = arith.constant 24 : i32
    %dma_start3A_483 = arith.constant 24 : i32
    %dma_start3A_484 = arith.constant 0 : i32
    %dma_start3A_485 = tpu.memref_slice %arg10[%dma_start3A_483, %dma_start3A_484] : memref<32x512xf32, #tpu.memory_space<vmem>> -> memref<1x512xf32, #tpu.memory_space<vmem>>
    %dma_start3A_486 = tpu.memref_squeeze %dma_start3A_485 : memref<1x512xf32, #tpu.memory_space<vmem>> -> memref<512xf32, #tpu.memory_space<vmem>>
    %dma_start3A_487 = arith.constant 0 : i32
    %dma_start3A_488 = tpu.memref_slice %arg4[%dma_start3A_482, %dma_start3A_487] : memref<32x100000xf32, #tpu.memory_space<hbm>> -> memref<1x100000xf32, #tpu.memory_space<hbm>>
    %dma_start3A_489 = tpu.memref_squeeze %dma_start3A_488 : memref<1x100000xf32, #tpu.memory_space<hbm>> -> memref<100000xf32, #tpu.memory_space<hbm>>
    %dma_start3A_490 = arith.constant 0 : i32
    %dma_start3A_491 = tpu.memref_slice %dma_start3A_489[%dma_start3A_490] : memref<100000xf32, #tpu.memory_space<hbm>> -> memref<100000xf32, #tpu.memory_space<hbm>>
    tpu.enqueue_indirect_dma source(%dma_start3A_491 : memref<100000xf32, #tpu.memory_space<hbm>>) target(%dma_start3A_486 : memref<512xf32, #tpu.memory_space<vmem>>) offsets(%arg8 : memref<512xi32, #tpu.memory_space<vmem>>) semaphore(%arg12 : memref<!tpu.dma_semaphore, #tpu.memory_space<semaphore_mem>>)
    %dma_start3A_492 = arith.constant 24 : i32
    %dma_start3A_493 = arith.constant 24 : i32
    %dma_start3A_494 = arith.constant 0 : i32
    %dma_start3A_495 = tpu.memref_slice %arg11[%dma_start3A_493, %dma_start3A_494] : memref<32x512xf32, #tpu.memory_space<vmem>> -> memref<1x512xf32, #tpu.memory_space<vmem>>
    %dma_start3A_496 = tpu.memref_squeeze %dma_start3A_495 : memref<1x512xf32, #tpu.memory_space<vmem>> -> memref<512xf32, #tpu.memory_space<vmem>>
    %dma_start3A_497 = arith.constant 0 : i32
    %dma_start3A_498 = tpu.memref_slice %arg5[%dma_start3A_492, %dma_start3A_497] : memref<32x1000000xf32, #tpu.memory_space<hbm>> -> memref<1x1000000xf32, #tpu.memory_space<hbm>>
    %dma_start3A_499 = tpu.memref_squeeze %dma_start3A_498 : memref<1x1000000xf32, #tpu.memory_space<hbm>> -> memref<1000000xf32, #tpu.memory_space<hbm>>
    %dma_start3A_500 = arith.constant 0 : i32
    %dma_start3A_501 = tpu.memref_slice %dma_start3A_499[%dma_start3A_500] : memref<1000000xf32, #tpu.memory_space<hbm>> -> memref<1000000xf32, #tpu.memory_space<hbm>>
    tpu.enqueue_indirect_dma source(%dma_start3A_501 : memref<1000000xf32, #tpu.memory_space<hbm>>) target(%dma_start3A_496 : memref<512xf32, #tpu.memory_space<vmem>>) offsets(%arg9 : memref<512xi32, #tpu.memory_space<vmem>>) semaphore(%arg12 : memref<!tpu.dma_semaphore, #tpu.memory_space<semaphore_mem>>)
    %dma_start3A_502 = arith.constant 25 : i32
    %dma_start3A_503 = arith.constant 25 : i32
    %dma_start3A_504 = arith.constant 0 : i32
    %dma_start3A_505 = tpu.memref_slice %arg10[%dma_start3A_503, %dma_start3A_504] : memref<32x512xf32, #tpu.memory_space<vmem>> -> memref<1x512xf32, #tpu.memory_space<vmem>>
    %dma_start3A_506 = tpu.memref_squeeze %dma_start3A_505 : memref<1x512xf32, #tpu.memory_space<vmem>> -> memref<512xf32, #tpu.memory_space<vmem>>
    %dma_start3A_507 = arith.constant 0 : i32
    %dma_start3A_508 = tpu.memref_slice %arg4[%dma_start3A_502, %dma_start3A_507] : memref<32x100000xf32, #tpu.memory_space<hbm>> -> memref<1x100000xf32, #tpu.memory_space<hbm>>
    %dma_start3A_509 = tpu.memref_squeeze %dma_start3A_508 : memref<1x100000xf32, #tpu.memory_space<hbm>> -> memref<100000xf32, #tpu.memory_space<hbm>>
    %dma_start3A_510 = arith.constant 0 : i32
    %dma_start3A_511 = tpu.memref_slice %dma_start3A_509[%dma_start3A_510] : memref<100000xf32, #tpu.memory_space<hbm>> -> memref<100000xf32, #tpu.memory_space<hbm>>
    tpu.enqueue_indirect_dma source(%dma_start3A_511 : memref<100000xf32, #tpu.memory_space<hbm>>) target(%dma_start3A_506 : memref<512xf32, #tpu.memory_space<vmem>>) offsets(%arg8 : memref<512xi32, #tpu.memory_space<vmem>>) semaphore(%arg12 : memref<!tpu.dma_semaphore, #tpu.memory_space<semaphore_mem>>)
    %dma_start3A_512 = arith.constant 25 : i32
    %dma_start3A_513 = arith.constant 25 : i32
    %dma_start3A_514 = arith.constant 0 : i32
    %dma_start3A_515 = tpu.memref_slice %arg11[%dma_start3A_513, %dma_start3A_514] : memref<32x512xf32, #tpu.memory_space<vmem>> -> memref<1x512xf32, #tpu.memory_space<vmem>>
    %dma_start3A_516 = tpu.memref_squeeze %dma_start3A_515 : memref<1x512xf32, #tpu.memory_space<vmem>> -> memref<512xf32, #tpu.memory_space<vmem>>
    %dma_start3A_517 = arith.constant 0 : i32
    %dma_start3A_518 = tpu.memref_slice %arg5[%dma_start3A_512, %dma_start3A_517] : memref<32x1000000xf32, #tpu.memory_space<hbm>> -> memref<1x1000000xf32, #tpu.memory_space<hbm>>
    %dma_start3A_519 = tpu.memref_squeeze %dma_start3A_518 : memref<1x1000000xf32, #tpu.memory_space<hbm>> -> memref<1000000xf32, #tpu.memory_space<hbm>>
    %dma_start3A_520 = arith.constant 0 : i32
    %dma_start3A_521 = tpu.memref_slice %dma_start3A_519[%dma_start3A_520] : memref<1000000xf32, #tpu.memory_space<hbm>> -> memref<1000000xf32, #tpu.memory_space<hbm>>
    tpu.enqueue_indirect_dma source(%dma_start3A_521 : memref<1000000xf32, #tpu.memory_space<hbm>>) target(%dma_start3A_516 : memref<512xf32, #tpu.memory_space<vmem>>) offsets(%arg9 : memref<512xi32, #tpu.memory_space<vmem>>) semaphore(%arg12 : memref<!tpu.dma_semaphore, #tpu.memory_space<semaphore_mem>>)
    %dma_start3A_522 = arith.constant 26 : i32
    %dma_start3A_523 = arith.constant 26 : i32
    %dma_start3A_524 = arith.constant 0 : i32
    %dma_start3A_525 = tpu.memref_slice %arg10[%dma_start3A_523, %dma_start3A_524] : memref<32x512xf32, #tpu.memory_space<vmem>> -> memref<1x512xf32, #tpu.memory_space<vmem>>
    %dma_start3A_526 = tpu.memref_squeeze %dma_start3A_525 : memref<1x512xf32, #tpu.memory_space<vmem>> -> memref<512xf32, #tpu.memory_space<vmem>>
    %dma_start3A_527 = arith.constant 0 : i32
    %dma_start3A_528 = tpu.memref_slice %arg4[%dma_start3A_522, %dma_start3A_527] : memref<32x100000xf32, #tpu.memory_space<hbm>> -> memref<1x100000xf32, #tpu.memory_space<hbm>>
    %dma_start3A_529 = tpu.memref_squeeze %dma_start3A_528 : memref<1x100000xf32, #tpu.memory_space<hbm>> -> memref<100000xf32, #tpu.memory_space<hbm>>
    %dma_start3A_530 = arith.constant 0 : i32
    %dma_start3A_531 = tpu.memref_slice %dma_start3A_529[%dma_start3A_530] : memref<100000xf32, #tpu.memory_space<hbm>> -> memref<100000xf32, #tpu.memory_space<hbm>>
    tpu.enqueue_indirect_dma source(%dma_start3A_531 : memref<100000xf32, #tpu.memory_space<hbm>>) target(%dma_start3A_526 : memref<512xf32, #tpu.memory_space<vmem>>) offsets(%arg8 : memref<512xi32, #tpu.memory_space<vmem>>) semaphore(%arg12 : memref<!tpu.dma_semaphore, #tpu.memory_space<semaphore_mem>>)
    %dma_start3A_532 = arith.constant 26 : i32
    %dma_start3A_533 = arith.constant 26 : i32
    %dma_start3A_534 = arith.constant 0 : i32
    %dma_start3A_535 = tpu.memref_slice %arg11[%dma_start3A_533, %dma_start3A_534] : memref<32x512xf32, #tpu.memory_space<vmem>> -> memref<1x512xf32, #tpu.memory_space<vmem>>
    %dma_start3A_536 = tpu.memref_squeeze %dma_start3A_535 : memref<1x512xf32, #tpu.memory_space<vmem>> -> memref<512xf32, #tpu.memory_space<vmem>>
    %dma_start3A_537 = arith.constant 0 : i32
    %dma_start3A_538 = tpu.memref_slice %arg5[%dma_start3A_532, %dma_start3A_537] : memref<32x1000000xf32, #tpu.memory_space<hbm>> -> memref<1x1000000xf32, #tpu.memory_space<hbm>>
    %dma_start3A_539 = tpu.memref_squeeze %dma_start3A_538 : memref<1x1000000xf32, #tpu.memory_space<hbm>> -> memref<1000000xf32, #tpu.memory_space<hbm>>
    %dma_start3A_540 = arith.constant 0 : i32
    %dma_start3A_541 = tpu.memref_slice %dma_start3A_539[%dma_start3A_540] : memref<1000000xf32, #tpu.memory_space<hbm>> -> memref<1000000xf32, #tpu.memory_space<hbm>>
    tpu.enqueue_indirect_dma source(%dma_start3A_541 : memref<1000000xf32, #tpu.memory_space<hbm>>) target(%dma_start3A_536 : memref<512xf32, #tpu.memory_space<vmem>>) offsets(%arg9 : memref<512xi32, #tpu.memory_space<vmem>>) semaphore(%arg12 : memref<!tpu.dma_semaphore, #tpu.memory_space<semaphore_mem>>)
    %dma_start3A_542 = arith.constant 27 : i32
    %dma_start3A_543 = arith.constant 27 : i32
    %dma_start3A_544 = arith.constant 0 : i32
    %dma_start3A_545 = tpu.memref_slice %arg10[%dma_start3A_543, %dma_start3A_544] : memref<32x512xf32, #tpu.memory_space<vmem>> -> memref<1x512xf32, #tpu.memory_space<vmem>>
    %dma_start3A_546 = tpu.memref_squeeze %dma_start3A_545 : memref<1x512xf32, #tpu.memory_space<vmem>> -> memref<512xf32, #tpu.memory_space<vmem>>
    %dma_start3A_547 = arith.constant 0 : i32
    %dma_start3A_548 = tpu.memref_slice %arg4[%dma_start3A_542, %dma_start3A_547] : memref<32x100000xf32, #tpu.memory_space<hbm>> -> memref<1x100000xf32, #tpu.memory_space<hbm>>
    %dma_start3A_549 = tpu.memref_squeeze %dma_start3A_548 : memref<1x100000xf32, #tpu.memory_space<hbm>> -> memref<100000xf32, #tpu.memory_space<hbm>>
    %dma_start3A_550 = arith.constant 0 : i32
    %dma_start3A_551 = tpu.memref_slice %dma_start3A_549[%dma_start3A_550] : memref<100000xf32, #tpu.memory_space<hbm>> -> memref<100000xf32, #tpu.memory_space<hbm>>
    tpu.enqueue_indirect_dma source(%dma_start3A_551 : memref<100000xf32, #tpu.memory_space<hbm>>) target(%dma_start3A_546 : memref<512xf32, #tpu.memory_space<vmem>>) offsets(%arg8 : memref<512xi32, #tpu.memory_space<vmem>>) semaphore(%arg12 : memref<!tpu.dma_semaphore, #tpu.memory_space<semaphore_mem>>)
    %dma_start3A_552 = arith.constant 27 : i32
    %dma_start3A_553 = arith.constant 27 : i32
    %dma_start3A_554 = arith.constant 0 : i32
    %dma_start3A_555 = tpu.memref_slice %arg11[%dma_start3A_553, %dma_start3A_554] : memref<32x512xf32, #tpu.memory_space<vmem>> -> memref<1x512xf32, #tpu.memory_space<vmem>>
    %dma_start3A_556 = tpu.memref_squeeze %dma_start3A_555 : memref<1x512xf32, #tpu.memory_space<vmem>> -> memref<512xf32, #tpu.memory_space<vmem>>
    %dma_start3A_557 = arith.constant 0 : i32
    %dma_start3A_558 = tpu.memref_slice %arg5[%dma_start3A_552, %dma_start3A_557] : memref<32x1000000xf32, #tpu.memory_space<hbm>> -> memref<1x1000000xf32, #tpu.memory_space<hbm>>
    %dma_start3A_559 = tpu.memref_squeeze %dma_start3A_558 : memref<1x1000000xf32, #tpu.memory_space<hbm>> -> memref<1000000xf32, #tpu.memory_space<hbm>>
    %dma_start3A_560 = arith.constant 0 : i32
    %dma_start3A_561 = tpu.memref_slice %dma_start3A_559[%dma_start3A_560] : memref<1000000xf32, #tpu.memory_space<hbm>> -> memref<1000000xf32, #tpu.memory_space<hbm>>
    tpu.enqueue_indirect_dma source(%dma_start3A_561 : memref<1000000xf32, #tpu.memory_space<hbm>>) target(%dma_start3A_556 : memref<512xf32, #tpu.memory_space<vmem>>) offsets(%arg9 : memref<512xi32, #tpu.memory_space<vmem>>) semaphore(%arg12 : memref<!tpu.dma_semaphore, #tpu.memory_space<semaphore_mem>>)
    %dma_start3A_562 = arith.constant 28 : i32
    %dma_start3A_563 = arith.constant 28 : i32
    %dma_start3A_564 = arith.constant 0 : i32
    %dma_start3A_565 = tpu.memref_slice %arg10[%dma_start3A_563, %dma_start3A_564] : memref<32x512xf32, #tpu.memory_space<vmem>> -> memref<1x512xf32, #tpu.memory_space<vmem>>
    %dma_start3A_566 = tpu.memref_squeeze %dma_start3A_565 : memref<1x512xf32, #tpu.memory_space<vmem>> -> memref<512xf32, #tpu.memory_space<vmem>>
    %dma_start3A_567 = arith.constant 0 : i32
    %dma_start3A_568 = tpu.memref_slice %arg4[%dma_start3A_562, %dma_start3A_567] : memref<32x100000xf32, #tpu.memory_space<hbm>> -> memref<1x100000xf32, #tpu.memory_space<hbm>>
    %dma_start3A_569 = tpu.memref_squeeze %dma_start3A_568 : memref<1x100000xf32, #tpu.memory_space<hbm>> -> memref<100000xf32, #tpu.memory_space<hbm>>
    %dma_start3A_570 = arith.constant 0 : i32
    %dma_start3A_571 = tpu.memref_slice %dma_start3A_569[%dma_start3A_570] : memref<100000xf32, #tpu.memory_space<hbm>> -> memref<100000xf32, #tpu.memory_space<hbm>>
    tpu.enqueue_indirect_dma source(%dma_start3A_571 : memref<100000xf32, #tpu.memory_space<hbm>>) target(%dma_start3A_566 : memref<512xf32, #tpu.memory_space<vmem>>) offsets(%arg8 : memref<512xi32, #tpu.memory_space<vmem>>) semaphore(%arg12 : memref<!tpu.dma_semaphore, #tpu.memory_space<semaphore_mem>>)
    %dma_start3A_572 = arith.constant 28 : i32
    %dma_start3A_573 = arith.constant 28 : i32
    %dma_start3A_574 = arith.constant 0 : i32
    %dma_start3A_575 = tpu.memref_slice %arg11[%dma_start3A_573, %dma_start3A_574] : memref<32x512xf32, #tpu.memory_space<vmem>> -> memref<1x512xf32, #tpu.memory_space<vmem>>
    %dma_start3A_576 = tpu.memref_squeeze %dma_start3A_575 : memref<1x512xf32, #tpu.memory_space<vmem>> -> memref<512xf32, #tpu.memory_space<vmem>>
    %dma_start3A_577 = arith.constant 0 : i32
    %dma_start3A_578 = tpu.memref_slice %arg5[%dma_start3A_572, %dma_start3A_577] : memref<32x1000000xf32, #tpu.memory_space<hbm>> -> memref<1x1000000xf32, #tpu.memory_space<hbm>>
    %dma_start3A_579 = tpu.memref_squeeze %dma_start3A_578 : memref<1x1000000xf32, #tpu.memory_space<hbm>> -> memref<1000000xf32, #tpu.memory_space<hbm>>
    %dma_start3A_580 = arith.constant 0 : i32
    %dma_start3A_581 = tpu.memref_slice %dma_start3A_579[%dma_start3A_580] : memref<1000000xf32, #tpu.memory_space<hbm>> -> memref<1000000xf32, #tpu.memory_space<hbm>>
    tpu.enqueue_indirect_dma source(%dma_start3A_581 : memref<1000000xf32, #tpu.memory_space<hbm>>) target(%dma_start3A_576 : memref<512xf32, #tpu.memory_space<vmem>>) offsets(%arg9 : memref<512xi32, #tpu.memory_space<vmem>>) semaphore(%arg12 : memref<!tpu.dma_semaphore, #tpu.memory_space<semaphore_mem>>)
    %dma_start3A_582 = arith.constant 29 : i32
    %dma_start3A_583 = arith.constant 29 : i32
    %dma_start3A_584 = arith.constant 0 : i32
    %dma_start3A_585 = tpu.memref_slice %arg10[%dma_start3A_583, %dma_start3A_584] : memref<32x512xf32, #tpu.memory_space<vmem>> -> memref<1x512xf32, #tpu.memory_space<vmem>>
    %dma_start3A_586 = tpu.memref_squeeze %dma_start3A_585 : memref<1x512xf32, #tpu.memory_space<vmem>> -> memref<512xf32, #tpu.memory_space<vmem>>
    %dma_start3A_587 = arith.constant 0 : i32
    %dma_start3A_588 = tpu.memref_slice %arg4[%dma_start3A_582, %dma_start3A_587] : memref<32x100000xf32, #tpu.memory_space<hbm>> -> memref<1x100000xf32, #tpu.memory_space<hbm>>
    %dma_start3A_589 = tpu.memref_squeeze %dma_start3A_588 : memref<1x100000xf32, #tpu.memory_space<hbm>> -> memref<100000xf32, #tpu.memory_space<hbm>>
    %dma_start3A_590 = arith.constant 0 : i32
    %dma_start3A_591 = tpu.memref_slice %dma_start3A_589[%dma_start3A_590] : memref<100000xf32, #tpu.memory_space<hbm>> -> memref<100000xf32, #tpu.memory_space<hbm>>
    tpu.enqueue_indirect_dma source(%dma_start3A_591 : memref<100000xf32, #tpu.memory_space<hbm>>) target(%dma_start3A_586 : memref<512xf32, #tpu.memory_space<vmem>>) offsets(%arg8 : memref<512xi32, #tpu.memory_space<vmem>>) semaphore(%arg12 : memref<!tpu.dma_semaphore, #tpu.memory_space<semaphore_mem>>)
    %dma_start3A_592 = arith.constant 29 : i32
    %dma_start3A_593 = arith.constant 29 : i32
    %dma_start3A_594 = arith.constant 0 : i32
    %dma_start3A_595 = tpu.memref_slice %arg11[%dma_start3A_593, %dma_start3A_594] : memref<32x512xf32, #tpu.memory_space<vmem>> -> memref<1x512xf32, #tpu.memory_space<vmem>>
    %dma_start3A_596 = tpu.memref_squeeze %dma_start3A_595 : memref<1x512xf32, #tpu.memory_space<vmem>> -> memref<512xf32, #tpu.memory_space<vmem>>
    %dma_start3A_597 = arith.constant 0 : i32
    %dma_start3A_598 = tpu.memref_slice %arg5[%dma_start3A_592, %dma_start3A_597] : memref<32x1000000xf32, #tpu.memory_space<hbm>> -> memref<1x1000000xf32, #tpu.memory_space<hbm>>
    %dma_start3A_599 = tpu.memref_squeeze %dma_start3A_598 : memref<1x1000000xf32, #tpu.memory_space<hbm>> -> memref<1000000xf32, #tpu.memory_space<hbm>>
    %dma_start3A_600 = arith.constant 0 : i32
    %dma_start3A_601 = tpu.memref_slice %dma_start3A_599[%dma_start3A_600] : memref<1000000xf32, #tpu.memory_space<hbm>> -> memref<1000000xf32, #tpu.memory_space<hbm>>
    tpu.enqueue_indirect_dma source(%dma_start3A_601 : memref<1000000xf32, #tpu.memory_space<hbm>>) target(%dma_start3A_596 : memref<512xf32, #tpu.memory_space<vmem>>) offsets(%arg9 : memref<512xi32, #tpu.memory_space<vmem>>) semaphore(%arg12 : memref<!tpu.dma_semaphore, #tpu.memory_space<semaphore_mem>>)
    %dma_start3A_602 = arith.constant 30 : i32
    %dma_start3A_603 = arith.constant 30 : i32
    %dma_start3A_604 = arith.constant 0 : i32
    %dma_start3A_605 = tpu.memref_slice %arg10[%dma_start3A_603, %dma_start3A_604] : memref<32x512xf32, #tpu.memory_space<vmem>> -> memref<1x512xf32, #tpu.memory_space<vmem>>
    %dma_start3A_606 = tpu.memref_squeeze %dma_start3A_605 : memref<1x512xf32, #tpu.memory_space<vmem>> -> memref<512xf32, #tpu.memory_space<vmem>>
    %dma_start3A_607 = arith.constant 0 : i32
    %dma_start3A_608 = tpu.memref_slice %arg4[%dma_start3A_602, %dma_start3A_607] : memref<32x100000xf32, #tpu.memory_space<hbm>> -> memref<1x100000xf32, #tpu.memory_space<hbm>>
    %dma_start3A_609 = tpu.memref_squeeze %dma_start3A_608 : memref<1x100000xf32, #tpu.memory_space<hbm>> -> memref<100000xf32, #tpu.memory_space<hbm>>
    %dma_start3A_610 = arith.constant 0 : i32
    %dma_start3A_611 = tpu.memref_slice %dma_start3A_609[%dma_start3A_610] : memref<100000xf32, #tpu.memory_space<hbm>> -> memref<100000xf32, #tpu.memory_space<hbm>>
    tpu.enqueue_indirect_dma source(%dma_start3A_611 : memref<100000xf32, #tpu.memory_space<hbm>>) target(%dma_start3A_606 : memref<512xf32, #tpu.memory_space<vmem>>) offsets(%arg8 : memref<512xi32, #tpu.memory_space<vmem>>) semaphore(%arg12 : memref<!tpu.dma_semaphore, #tpu.memory_space<semaphore_mem>>)
    %dma_start3A_612 = arith.constant 30 : i32
    %dma_start3A_613 = arith.constant 30 : i32
    %dma_start3A_614 = arith.constant 0 : i32
    %dma_start3A_615 = tpu.memref_slice %arg11[%dma_start3A_613, %dma_start3A_614] : memref<32x512xf32, #tpu.memory_space<vmem>> -> memref<1x512xf32, #tpu.memory_space<vmem>>
    %dma_start3A_616 = tpu.memref_squeeze %dma_start3A_615 : memref<1x512xf32, #tpu.memory_space<vmem>> -> memref<512xf32, #tpu.memory_space<vmem>>
    %dma_start3A_617 = arith.constant 0 : i32
    %dma_start3A_618 = tpu.memref_slice %arg5[%dma_start3A_612, %dma_start3A_617] : memref<32x1000000xf32, #tpu.memory_space<hbm>> -> memref<1x1000000xf32, #tpu.memory_space<hbm>>
    %dma_start3A_619 = tpu.memref_squeeze %dma_start3A_618 : memref<1x1000000xf32, #tpu.memory_space<hbm>> -> memref<1000000xf32, #tpu.memory_space<hbm>>
    %dma_start3A_620 = arith.constant 0 : i32
    %dma_start3A_621 = tpu.memref_slice %dma_start3A_619[%dma_start3A_620] : memref<1000000xf32, #tpu.memory_space<hbm>> -> memref<1000000xf32, #tpu.memory_space<hbm>>
    tpu.enqueue_indirect_dma source(%dma_start3A_621 : memref<1000000xf32, #tpu.memory_space<hbm>>) target(%dma_start3A_616 : memref<512xf32, #tpu.memory_space<vmem>>) offsets(%arg9 : memref<512xi32, #tpu.memory_space<vmem>>) semaphore(%arg12 : memref<!tpu.dma_semaphore, #tpu.memory_space<semaphore_mem>>)
    %dma_start3A_622 = arith.constant 31 : i32
    %dma_start3A_623 = arith.constant 31 : i32
    %dma_start3A_624 = arith.constant 0 : i32
    %dma_start3A_625 = tpu.memref_slice %arg10[%dma_start3A_623, %dma_start3A_624] : memref<32x512xf32, #tpu.memory_space<vmem>> -> memref<1x512xf32, #tpu.memory_space<vmem>>
    %dma_start3A_626 = tpu.memref_squeeze %dma_start3A_625 : memref<1x512xf32, #tpu.memory_space<vmem>> -> memref<512xf32, #tpu.memory_space<vmem>>
    %dma_start3A_627 = arith.constant 0 : i32
    %dma_start3A_628 = tpu.memref_slice %arg4[%dma_start3A_622, %dma_start3A_627] : memref<32x100000xf32, #tpu.memory_space<hbm>> -> memref<1x100000xf32, #tpu.memory_space<hbm>>
    %dma_start3A_629 = tpu.memref_squeeze %dma_start3A_628 : memref<1x100000xf32, #tpu.memory_space<hbm>> -> memref<100000xf32, #tpu.memory_space<hbm>>
    %dma_start3A_630 = arith.constant 0 : i32
    %dma_start3A_631 = tpu.memref_slice %dma_start3A_629[%dma_start3A_630] : memref<100000xf32, #tpu.memory_space<hbm>> -> memref<100000xf32, #tpu.memory_space<hbm>>
    tpu.enqueue_indirect_dma source(%dma_start3A_631 : memref<100000xf32, #tpu.memory_space<hbm>>) target(%dma_start3A_626 : memref<512xf32, #tpu.memory_space<vmem>>) offsets(%arg8 : memref<512xi32, #tpu.memory_space<vmem>>) semaphore(%arg12 : memref<!tpu.dma_semaphore, #tpu.memory_space<semaphore_mem>>)
    %dma_start3A_632 = arith.constant 31 : i32
    %dma_start3A_633 = arith.constant 31 : i32
    %dma_start3A_634 = arith.constant 0 : i32
    %dma_start3A_635 = tpu.memref_slice %arg11[%dma_start3A_633, %dma_start3A_634] : memref<32x512xf32, #tpu.memory_space<vmem>> -> memref<1x512xf32, #tpu.memory_space<vmem>>
    %dma_start3A_636 = tpu.memref_squeeze %dma_start3A_635 : memref<1x512xf32, #tpu.memory_space<vmem>> -> memref<512xf32, #tpu.memory_space<vmem>>
    %dma_start3A_637 = arith.constant 0 : i32
    %dma_start3A_638 = tpu.memref_slice %arg5[%dma_start3A_632, %dma_start3A_637] : memref<32x1000000xf32, #tpu.memory_space<hbm>> -> memref<1x1000000xf32, #tpu.memory_space<hbm>>
    %dma_start3A_639 = tpu.memref_squeeze %dma_start3A_638 : memref<1x1000000xf32, #tpu.memory_space<hbm>> -> memref<1000000xf32, #tpu.memory_space<hbm>>
    %dma_start3A_640 = arith.constant 0 : i32
    %dma_start3A_641 = tpu.memref_slice %dma_start3A_639[%dma_start3A_640] : memref<1000000xf32, #tpu.memory_space<hbm>> -> memref<1000000xf32, #tpu.memory_space<hbm>>
    tpu.enqueue_indirect_dma source(%dma_start3A_641 : memref<1000000xf32, #tpu.memory_space<hbm>>) target(%dma_start3A_636 : memref<512xf32, #tpu.memory_space<vmem>>) offsets(%arg9 : memref<512xi32, #tpu.memory_space<vmem>>) semaphore(%arg12 : memref<!tpu.dma_semaphore, #tpu.memory_space<semaphore_mem>>)
    %dma_wait3A = arith.constant 0 : i32
    %dma_wait3A_642 = arith.constant 0 : i32
    %dma_wait3A_643 = arith.constant 0 : i32
    %dma_wait3A_644 = tpu.memref_slice %arg10[%dma_wait3A_642, %dma_wait3A_643] : memref<32x512xf32, #tpu.memory_space<vmem>> -> memref<1x512xf32, #tpu.memory_space<vmem>>
    %dma_wait3A_645 = tpu.memref_squeeze %dma_wait3A_644 : memref<1x512xf32, #tpu.memory_space<vmem>> -> memref<512xf32, #tpu.memory_space<vmem>>
    %dma_wait3A_646 = arith.constant 0 : i32
    %dma_wait3A_647 = tpu.memref_slice %arg4[%dma_wait3A, %dma_wait3A_646] : memref<32x100000xf32, #tpu.memory_space<hbm>> -> memref<1x100000xf32, #tpu.memory_space<hbm>>
    %dma_wait3A_648 = tpu.memref_squeeze %dma_wait3A_647 : memref<1x100000xf32, #tpu.memory_space<hbm>> -> memref<100000xf32, #tpu.memory_space<hbm>>
    %dma_wait3A_649 = arith.constant 0 : i32
    %dma_wait3A_650 = tpu.memref_slice %dma_wait3A_648[%dma_wait3A_649] : memref<100000xf32, #tpu.memory_space<hbm>> -> memref<100000xf32, #tpu.memory_space<hbm>>
    tpu.wait_indirect_dma semaphore(%arg12 : memref<!tpu.dma_semaphore, #tpu.memory_space<semaphore_mem>>) src(%dma_wait3A_650 : memref<100000xf32, #tpu.memory_space<hbm>>) dst(%dma_wait3A_645 : memref<512xf32, #tpu.memory_space<vmem>>)
    %dma_wait3A_651 = arith.constant 0 : i32
    %dma_wait3A_652 = arith.constant 0 : i32
    %dma_wait3A_653 = arith.constant 0 : i32
    %dma_wait3A_654 = tpu.memref_slice %arg11[%dma_wait3A_652, %dma_wait3A_653] : memref<32x512xf32, #tpu.memory_space<vmem>> -> memref<1x512xf32, #tpu.memory_space<vmem>>
    %dma_wait3A_655 = tpu.memref_squeeze %dma_wait3A_654 : memref<1x512xf32, #tpu.memory_space<vmem>> -> memref<512xf32, #tpu.memory_space<vmem>>
    %dma_wait3A_656 = arith.constant 0 : i32
    %dma_wait3A_657 = tpu.memref_slice %arg5[%dma_wait3A_651, %dma_wait3A_656] : memref<32x1000000xf32, #tpu.memory_space<hbm>> -> memref<1x1000000xf32, #tpu.memory_space<hbm>>
    %dma_wait3A_658 = tpu.memref_squeeze %dma_wait3A_657 : memref<1x1000000xf32, #tpu.memory_space<hbm>> -> memref<1000000xf32, #tpu.memory_space<hbm>>
    %dma_wait3A_659 = arith.constant 0 : i32
    %dma_wait3A_660 = tpu.memref_slice %dma_wait3A_658[%dma_wait3A_659] : memref<1000000xf32, #tpu.memory_space<hbm>> -> memref<1000000xf32, #tpu.memory_space<hbm>>
    tpu.wait_indirect_dma semaphore(%arg12 : memref<!tpu.dma_semaphore, #tpu.memory_space<semaphore_mem>>) src(%dma_wait3A_660 : memref<1000000xf32, #tpu.memory_space<hbm>>) dst(%dma_wait3A_655 : memref<512xf32, #tpu.memory_space<vmem>>)
    %dma_wait3A_661 = arith.constant 1 : i32
    %dma_wait3A_662 = arith.constant 1 : i32
    %dma_wait3A_663 = arith.constant 0 : i32
    %dma_wait3A_664 = tpu.memref_slice %arg10[%dma_wait3A_662, %dma_wait3A_663] : memref<32x512xf32, #tpu.memory_space<vmem>> -> memref<1x512xf32, #tpu.memory_space<vmem>>
    %dma_wait3A_665 = tpu.memref_squeeze %dma_wait3A_664 : memref<1x512xf32, #tpu.memory_space<vmem>> -> memref<512xf32, #tpu.memory_space<vmem>>
    %dma_wait3A_666 = arith.constant 0 : i32
    %dma_wait3A_667 = tpu.memref_slice %arg4[%dma_wait3A_661, %dma_wait3A_666] : memref<32x100000xf32, #tpu.memory_space<hbm>> -> memref<1x100000xf32, #tpu.memory_space<hbm>>
    %dma_wait3A_668 = tpu.memref_squeeze %dma_wait3A_667 : memref<1x100000xf32, #tpu.memory_space<hbm>> -> memref<100000xf32, #tpu.memory_space<hbm>>
    %dma_wait3A_669 = arith.constant 0 : i32
    %dma_wait3A_670 = tpu.memref_slice %dma_wait3A_668[%dma_wait3A_669] : memref<100000xf32, #tpu.memory_space<hbm>> -> memref<100000xf32, #tpu.memory_space<hbm>>
    tpu.wait_indirect_dma semaphore(%arg12 : memref<!tpu.dma_semaphore, #tpu.memory_space<semaphore_mem>>) src(%dma_wait3A_670 : memref<100000xf32, #tpu.memory_space<hbm>>) dst(%dma_wait3A_665 : memref<512xf32, #tpu.memory_space<vmem>>)
    %dma_wait3A_671 = arith.constant 1 : i32
    %dma_wait3A_672 = arith.constant 1 : i32
    %dma_wait3A_673 = arith.constant 0 : i32
    %dma_wait3A_674 = tpu.memref_slice %arg11[%dma_wait3A_672, %dma_wait3A_673] : memref<32x512xf32, #tpu.memory_space<vmem>> -> memref<1x512xf32, #tpu.memory_space<vmem>>
    %dma_wait3A_675 = tpu.memref_squeeze %dma_wait3A_674 : memref<1x512xf32, #tpu.memory_space<vmem>> -> memref<512xf32, #tpu.memory_space<vmem>>
    %dma_wait3A_676 = arith.constant 0 : i32
    %dma_wait3A_677 = tpu.memref_slice %arg5[%dma_wait3A_671, %dma_wait3A_676] : memref<32x1000000xf32, #tpu.memory_space<hbm>> -> memref<1x1000000xf32, #tpu.memory_space<hbm>>
    %dma_wait3A_678 = tpu.memref_squeeze %dma_wait3A_677 : memref<1x1000000xf32, #tpu.memory_space<hbm>> -> memref<1000000xf32, #tpu.memory_space<hbm>>
    %dma_wait3A_679 = arith.constant 0 : i32
    %dma_wait3A_680 = tpu.memref_slice %dma_wait3A_678[%dma_wait3A_679] : memref<1000000xf32, #tpu.memory_space<hbm>> -> memref<1000000xf32, #tpu.memory_space<hbm>>
    tpu.wait_indirect_dma semaphore(%arg12 : memref<!tpu.dma_semaphore, #tpu.memory_space<semaphore_mem>>) src(%dma_wait3A_680 : memref<1000000xf32, #tpu.memory_space<hbm>>) dst(%dma_wait3A_675 : memref<512xf32, #tpu.memory_space<vmem>>)
    %dma_wait3A_681 = arith.constant 2 : i32
    %dma_wait3A_682 = arith.constant 2 : i32
    %dma_wait3A_683 = arith.constant 0 : i32
    %dma_wait3A_684 = tpu.memref_slice %arg10[%dma_wait3A_682, %dma_wait3A_683] : memref<32x512xf32, #tpu.memory_space<vmem>> -> memref<1x512xf32, #tpu.memory_space<vmem>>
    %dma_wait3A_685 = tpu.memref_squeeze %dma_wait3A_684 : memref<1x512xf32, #tpu.memory_space<vmem>> -> memref<512xf32, #tpu.memory_space<vmem>>
    %dma_wait3A_686 = arith.constant 0 : i32
    %dma_wait3A_687 = tpu.memref_slice %arg4[%dma_wait3A_681, %dma_wait3A_686] : memref<32x100000xf32, #tpu.memory_space<hbm>> -> memref<1x100000xf32, #tpu.memory_space<hbm>>
    %dma_wait3A_688 = tpu.memref_squeeze %dma_wait3A_687 : memref<1x100000xf32, #tpu.memory_space<hbm>> -> memref<100000xf32, #tpu.memory_space<hbm>>
    %dma_wait3A_689 = arith.constant 0 : i32
    %dma_wait3A_690 = tpu.memref_slice %dma_wait3A_688[%dma_wait3A_689] : memref<100000xf32, #tpu.memory_space<hbm>> -> memref<100000xf32, #tpu.memory_space<hbm>>
    tpu.wait_indirect_dma semaphore(%arg12 : memref<!tpu.dma_semaphore, #tpu.memory_space<semaphore_mem>>) src(%dma_wait3A_690 : memref<100000xf32, #tpu.memory_space<hbm>>) dst(%dma_wait3A_685 : memref<512xf32, #tpu.memory_space<vmem>>)
    %dma_wait3A_691 = arith.constant 2 : i32
    %dma_wait3A_692 = arith.constant 2 : i32
    %dma_wait3A_693 = arith.constant 0 : i32
    %dma_wait3A_694 = tpu.memref_slice %arg11[%dma_wait3A_692, %dma_wait3A_693] : memref<32x512xf32, #tpu.memory_space<vmem>> -> memref<1x512xf32, #tpu.memory_space<vmem>>
    %dma_wait3A_695 = tpu.memref_squeeze %dma_wait3A_694 : memref<1x512xf32, #tpu.memory_space<vmem>> -> memref<512xf32, #tpu.memory_space<vmem>>
    %dma_wait3A_696 = arith.constant 0 : i32
    %dma_wait3A_697 = tpu.memref_slice %arg5[%dma_wait3A_691, %dma_wait3A_696] : memref<32x1000000xf32, #tpu.memory_space<hbm>> -> memref<1x1000000xf32, #tpu.memory_space<hbm>>
    %dma_wait3A_698 = tpu.memref_squeeze %dma_wait3A_697 : memref<1x1000000xf32, #tpu.memory_space<hbm>> -> memref<1000000xf32, #tpu.memory_space<hbm>>
    %dma_wait3A_699 = arith.constant 0 : i32
    %dma_wait3A_700 = tpu.memref_slice %dma_wait3A_698[%dma_wait3A_699] : memref<1000000xf32, #tpu.memory_space<hbm>> -> memref<1000000xf32, #tpu.memory_space<hbm>>
    tpu.wait_indirect_dma semaphore(%arg12 : memref<!tpu.dma_semaphore, #tpu.memory_space<semaphore_mem>>) src(%dma_wait3A_700 : memref<1000000xf32, #tpu.memory_space<hbm>>) dst(%dma_wait3A_695 : memref<512xf32, #tpu.memory_space<vmem>>)
    %dma_wait3A_701 = arith.constant 3 : i32
    %dma_wait3A_702 = arith.constant 3 : i32
    %dma_wait3A_703 = arith.constant 0 : i32
    %dma_wait3A_704 = tpu.memref_slice %arg10[%dma_wait3A_702, %dma_wait3A_703] : memref<32x512xf32, #tpu.memory_space<vmem>> -> memref<1x512xf32, #tpu.memory_space<vmem>>
    %dma_wait3A_705 = tpu.memref_squeeze %dma_wait3A_704 : memref<1x512xf32, #tpu.memory_space<vmem>> -> memref<512xf32, #tpu.memory_space<vmem>>
    %dma_wait3A_706 = arith.constant 0 : i32
    %dma_wait3A_707 = tpu.memref_slice %arg4[%dma_wait3A_701, %dma_wait3A_706] : memref<32x100000xf32, #tpu.memory_space<hbm>> -> memref<1x100000xf32, #tpu.memory_space<hbm>>
    %dma_wait3A_708 = tpu.memref_squeeze %dma_wait3A_707 : memref<1x100000xf32, #tpu.memory_space<hbm>> -> memref<100000xf32, #tpu.memory_space<hbm>>
    %dma_wait3A_709 = arith.constant 0 : i32
    %dma_wait3A_710 = tpu.memref_slice %dma_wait3A_708[%dma_wait3A_709] : memref<100000xf32, #tpu.memory_space<hbm>> -> memref<100000xf32, #tpu.memory_space<hbm>>
    tpu.wait_indirect_dma semaphore(%arg12 : memref<!tpu.dma_semaphore, #tpu.memory_space<semaphore_mem>>) src(%dma_wait3A_710 : memref<100000xf32, #tpu.memory_space<hbm>>) dst(%dma_wait3A_705 : memref<512xf32, #tpu.memory_space<vmem>>)
    %dma_wait3A_711 = arith.constant 3 : i32
    %dma_wait3A_712 = arith.constant 3 : i32
    %dma_wait3A_713 = arith.constant 0 : i32
    %dma_wait3A_714 = tpu.memref_slice %arg11[%dma_wait3A_712, %dma_wait3A_713] : memref<32x512xf32, #tpu.memory_space<vmem>> -> memref<1x512xf32, #tpu.memory_space<vmem>>
    %dma_wait3A_715 = tpu.memref_squeeze %dma_wait3A_714 : memref<1x512xf32, #tpu.memory_space<vmem>> -> memref<512xf32, #tpu.memory_space<vmem>>
    %dma_wait3A_716 = arith.constant 0 : i32
    %dma_wait3A_717 = tpu.memref_slice %arg5[%dma_wait3A_711, %dma_wait3A_716] : memref<32x1000000xf32, #tpu.memory_space<hbm>> -> memref<1x1000000xf32, #tpu.memory_space<hbm>>
    %dma_wait3A_718 = tpu.memref_squeeze %dma_wait3A_717 : memref<1x1000000xf32, #tpu.memory_space<hbm>> -> memref<1000000xf32, #tpu.memory_space<hbm>>
    %dma_wait3A_719 = arith.constant 0 : i32
    %dma_wait3A_720 = tpu.memref_slice %dma_wait3A_718[%dma_wait3A_719] : memref<1000000xf32, #tpu.memory_space<hbm>> -> memref<1000000xf32, #tpu.memory_space<hbm>>
    tpu.wait_indirect_dma semaphore(%arg12 : memref<!tpu.dma_semaphore, #tpu.memory_space<semaphore_mem>>) src(%dma_wait3A_720 : memref<1000000xf32, #tpu.memory_space<hbm>>) dst(%dma_wait3A_715 : memref<512xf32, #tpu.memory_space<vmem>>)
    %dma_wait3A_721 = arith.constant 4 : i32
    %dma_wait3A_722 = arith.constant 4 : i32
    %dma_wait3A_723 = arith.constant 0 : i32
    %dma_wait3A_724 = tpu.memref_slice %arg10[%dma_wait3A_722, %dma_wait3A_723] : memref<32x512xf32, #tpu.memory_space<vmem>> -> memref<1x512xf32, #tpu.memory_space<vmem>>
    %dma_wait3A_725 = tpu.memref_squeeze %dma_wait3A_724 : memref<1x512xf32, #tpu.memory_space<vmem>> -> memref<512xf32, #tpu.memory_space<vmem>>
    %dma_wait3A_726 = arith.constant 0 : i32
    %dma_wait3A_727 = tpu.memref_slice %arg4[%dma_wait3A_721, %dma_wait3A_726] : memref<32x100000xf32, #tpu.memory_space<hbm>> -> memref<1x100000xf32, #tpu.memory_space<hbm>>
    %dma_wait3A_728 = tpu.memref_squeeze %dma_wait3A_727 : memref<1x100000xf32, #tpu.memory_space<hbm>> -> memref<100000xf32, #tpu.memory_space<hbm>>
    %dma_wait3A_729 = arith.constant 0 : i32
    %dma_wait3A_730 = tpu.memref_slice %dma_wait3A_728[%dma_wait3A_729] : memref<100000xf32, #tpu.memory_space<hbm>> -> memref<100000xf32, #tpu.memory_space<hbm>>
    tpu.wait_indirect_dma semaphore(%arg12 : memref<!tpu.dma_semaphore, #tpu.memory_space<semaphore_mem>>) src(%dma_wait3A_730 : memref<100000xf32, #tpu.memory_space<hbm>>) dst(%dma_wait3A_725 : memref<512xf32, #tpu.memory_space<vmem>>)
    %dma_wait3A_731 = arith.constant 4 : i32
    %dma_wait3A_732 = arith.constant 4 : i32
    %dma_wait3A_733 = arith.constant 0 : i32
    %dma_wait3A_734 = tpu.memref_slice %arg11[%dma_wait3A_732, %dma_wait3A_733] : memref<32x512xf32, #tpu.memory_space<vmem>> -> memref<1x512xf32, #tpu.memory_space<vmem>>
    %dma_wait3A_735 = tpu.memref_squeeze %dma_wait3A_734 : memref<1x512xf32, #tpu.memory_space<vmem>> -> memref<512xf32, #tpu.memory_space<vmem>>
    %dma_wait3A_736 = arith.constant 0 : i32
    %dma_wait3A_737 = tpu.memref_slice %arg5[%dma_wait3A_731, %dma_wait3A_736] : memref<32x1000000xf32, #tpu.memory_space<hbm>> -> memref<1x1000000xf32, #tpu.memory_space<hbm>>
    %dma_wait3A_738 = tpu.memref_squeeze %dma_wait3A_737 : memref<1x1000000xf32, #tpu.memory_space<hbm>> -> memref<1000000xf32, #tpu.memory_space<hbm>>
    %dma_wait3A_739 = arith.constant 0 : i32
    %dma_wait3A_740 = tpu.memref_slice %dma_wait3A_738[%dma_wait3A_739] : memref<1000000xf32, #tpu.memory_space<hbm>> -> memref<1000000xf32, #tpu.memory_space<hbm>>
    tpu.wait_indirect_dma semaphore(%arg12 : memref<!tpu.dma_semaphore, #tpu.memory_space<semaphore_mem>>) src(%dma_wait3A_740 : memref<1000000xf32, #tpu.memory_space<hbm>>) dst(%dma_wait3A_735 : memref<512xf32, #tpu.memory_space<vmem>>)
    %dma_wait3A_741 = arith.constant 5 : i32
    %dma_wait3A_742 = arith.constant 5 : i32
    %dma_wait3A_743 = arith.constant 0 : i32
    %dma_wait3A_744 = tpu.memref_slice %arg10[%dma_wait3A_742, %dma_wait3A_743] : memref<32x512xf32, #tpu.memory_space<vmem>> -> memref<1x512xf32, #tpu.memory_space<vmem>>
    %dma_wait3A_745 = tpu.memref_squeeze %dma_wait3A_744 : memref<1x512xf32, #tpu.memory_space<vmem>> -> memref<512xf32, #tpu.memory_space<vmem>>
    %dma_wait3A_746 = arith.constant 0 : i32
    %dma_wait3A_747 = tpu.memref_slice %arg4[%dma_wait3A_741, %dma_wait3A_746] : memref<32x100000xf32, #tpu.memory_space<hbm>> -> memref<1x100000xf32, #tpu.memory_space<hbm>>
    %dma_wait3A_748 = tpu.memref_squeeze %dma_wait3A_747 : memref<1x100000xf32, #tpu.memory_space<hbm>> -> memref<100000xf32, #tpu.memory_space<hbm>>
    %dma_wait3A_749 = arith.constant 0 : i32
    %dma_wait3A_750 = tpu.memref_slice %dma_wait3A_748[%dma_wait3A_749] : memref<100000xf32, #tpu.memory_space<hbm>> -> memref<100000xf32, #tpu.memory_space<hbm>>
    tpu.wait_indirect_dma semaphore(%arg12 : memref<!tpu.dma_semaphore, #tpu.memory_space<semaphore_mem>>) src(%dma_wait3A_750 : memref<100000xf32, #tpu.memory_space<hbm>>) dst(%dma_wait3A_745 : memref<512xf32, #tpu.memory_space<vmem>>)
    %dma_wait3A_751 = arith.constant 5 : i32
    %dma_wait3A_752 = arith.constant 5 : i32
    %dma_wait3A_753 = arith.constant 0 : i32
    %dma_wait3A_754 = tpu.memref_slice %arg11[%dma_wait3A_752, %dma_wait3A_753] : memref<32x512xf32, #tpu.memory_space<vmem>> -> memref<1x512xf32, #tpu.memory_space<vmem>>
    %dma_wait3A_755 = tpu.memref_squeeze %dma_wait3A_754 : memref<1x512xf32, #tpu.memory_space<vmem>> -> memref<512xf32, #tpu.memory_space<vmem>>
    %dma_wait3A_756 = arith.constant 0 : i32
    %dma_wait3A_757 = tpu.memref_slice %arg5[%dma_wait3A_751, %dma_wait3A_756] : memref<32x1000000xf32, #tpu.memory_space<hbm>> -> memref<1x1000000xf32, #tpu.memory_space<hbm>>
    %dma_wait3A_758 = tpu.memref_squeeze %dma_wait3A_757 : memref<1x1000000xf32, #tpu.memory_space<hbm>> -> memref<1000000xf32, #tpu.memory_space<hbm>>
    %dma_wait3A_759 = arith.constant 0 : i32
    %dma_wait3A_760 = tpu.memref_slice %dma_wait3A_758[%dma_wait3A_759] : memref<1000000xf32, #tpu.memory_space<hbm>> -> memref<1000000xf32, #tpu.memory_space<hbm>>
    tpu.wait_indirect_dma semaphore(%arg12 : memref<!tpu.dma_semaphore, #tpu.memory_space<semaphore_mem>>) src(%dma_wait3A_760 : memref<1000000xf32, #tpu.memory_space<hbm>>) dst(%dma_wait3A_755 : memref<512xf32, #tpu.memory_space<vmem>>)
    %dma_wait3A_761 = arith.constant 6 : i32
    %dma_wait3A_762 = arith.constant 6 : i32
    %dma_wait3A_763 = arith.constant 0 : i32
    %dma_wait3A_764 = tpu.memref_slice %arg10[%dma_wait3A_762, %dma_wait3A_763] : memref<32x512xf32, #tpu.memory_space<vmem>> -> memref<1x512xf32, #tpu.memory_space<vmem>>
    %dma_wait3A_765 = tpu.memref_squeeze %dma_wait3A_764 : memref<1x512xf32, #tpu.memory_space<vmem>> -> memref<512xf32, #tpu.memory_space<vmem>>
    %dma_wait3A_766 = arith.constant 0 : i32
    %dma_wait3A_767 = tpu.memref_slice %arg4[%dma_wait3A_761, %dma_wait3A_766] : memref<32x100000xf32, #tpu.memory_space<hbm>> -> memref<1x100000xf32, #tpu.memory_space<hbm>>
    %dma_wait3A_768 = tpu.memref_squeeze %dma_wait3A_767 : memref<1x100000xf32, #tpu.memory_space<hbm>> -> memref<100000xf32, #tpu.memory_space<hbm>>
    %dma_wait3A_769 = arith.constant 0 : i32
    %dma_wait3A_770 = tpu.memref_slice %dma_wait3A_768[%dma_wait3A_769] : memref<100000xf32, #tpu.memory_space<hbm>> -> memref<100000xf32, #tpu.memory_space<hbm>>
    tpu.wait_indirect_dma semaphore(%arg12 : memref<!tpu.dma_semaphore, #tpu.memory_space<semaphore_mem>>) src(%dma_wait3A_770 : memref<100000xf32, #tpu.memory_space<hbm>>) dst(%dma_wait3A_765 : memref<512xf32, #tpu.memory_space<vmem>>)
    %dma_wait3A_771 = arith.constant 6 : i32
    %dma_wait3A_772 = arith.constant 6 : i32
    %dma_wait3A_773 = arith.constant 0 : i32
    %dma_wait3A_774 = tpu.memref_slice %arg11[%dma_wait3A_772, %dma_wait3A_773] : memref<32x512xf32, #tpu.memory_space<vmem>> -> memref<1x512xf32, #tpu.memory_space<vmem>>
    %dma_wait3A_775 = tpu.memref_squeeze %dma_wait3A_774 : memref<1x512xf32, #tpu.memory_space<vmem>> -> memref<512xf32, #tpu.memory_space<vmem>>
    %dma_wait3A_776 = arith.constant 0 : i32
    %dma_wait3A_777 = tpu.memref_slice %arg5[%dma_wait3A_771, %dma_wait3A_776] : memref<32x1000000xf32, #tpu.memory_space<hbm>> -> memref<1x1000000xf32, #tpu.memory_space<hbm>>
    %dma_wait3A_778 = tpu.memref_squeeze %dma_wait3A_777 : memref<1x1000000xf32, #tpu.memory_space<hbm>> -> memref<1000000xf32, #tpu.memory_space<hbm>>
    %dma_wait3A_779 = arith.constant 0 : i32
    %dma_wait3A_780 = tpu.memref_slice %dma_wait3A_778[%dma_wait3A_779] : memref<1000000xf32, #tpu.memory_space<hbm>> -> memref<1000000xf32, #tpu.memory_space<hbm>>
    tpu.wait_indirect_dma semaphore(%arg12 : memref<!tpu.dma_semaphore, #tpu.memory_space<semaphore_mem>>) src(%dma_wait3A_780 : memref<1000000xf32, #tpu.memory_space<hbm>>) dst(%dma_wait3A_775 : memref<512xf32, #tpu.memory_space<vmem>>)
    %dma_wait3A_781 = arith.constant 7 : i32
    %dma_wait3A_782 = arith.constant 7 : i32
    %dma_wait3A_783 = arith.constant 0 : i32
    %dma_wait3A_784 = tpu.memref_slice %arg10[%dma_wait3A_782, %dma_wait3A_783] : memref<32x512xf32, #tpu.memory_space<vmem>> -> memref<1x512xf32, #tpu.memory_space<vmem>>
    %dma_wait3A_785 = tpu.memref_squeeze %dma_wait3A_784 : memref<1x512xf32, #tpu.memory_space<vmem>> -> memref<512xf32, #tpu.memory_space<vmem>>
    %dma_wait3A_786 = arith.constant 0 : i32
    %dma_wait3A_787 = tpu.memref_slice %arg4[%dma_wait3A_781, %dma_wait3A_786] : memref<32x100000xf32, #tpu.memory_space<hbm>> -> memref<1x100000xf32, #tpu.memory_space<hbm>>
    %dma_wait3A_788 = tpu.memref_squeeze %dma_wait3A_787 : memref<1x100000xf32, #tpu.memory_space<hbm>> -> memref<100000xf32, #tpu.memory_space<hbm>>
    %dma_wait3A_789 = arith.constant 0 : i32
    %dma_wait3A_790 = tpu.memref_slice %dma_wait3A_788[%dma_wait3A_789] : memref<100000xf32, #tpu.memory_space<hbm>> -> memref<100000xf32, #tpu.memory_space<hbm>>
    tpu.wait_indirect_dma semaphore(%arg12 : memref<!tpu.dma_semaphore, #tpu.memory_space<semaphore_mem>>) src(%dma_wait3A_790 : memref<100000xf32, #tpu.memory_space<hbm>>) dst(%dma_wait3A_785 : memref<512xf32, #tpu.memory_space<vmem>>)
    %dma_wait3A_791 = arith.constant 7 : i32
    %dma_wait3A_792 = arith.constant 7 : i32
    %dma_wait3A_793 = arith.constant 0 : i32
    %dma_wait3A_794 = tpu.memref_slice %arg11[%dma_wait3A_792, %dma_wait3A_793] : memref<32x512xf32, #tpu.memory_space<vmem>> -> memref<1x512xf32, #tpu.memory_space<vmem>>
    %dma_wait3A_795 = tpu.memref_squeeze %dma_wait3A_794 : memref<1x512xf32, #tpu.memory_space<vmem>> -> memref<512xf32, #tpu.memory_space<vmem>>
    %dma_wait3A_796 = arith.constant 0 : i32
    %dma_wait3A_797 = tpu.memref_slice %arg5[%dma_wait3A_791, %dma_wait3A_796] : memref<32x1000000xf32, #tpu.memory_space<hbm>> -> memref<1x1000000xf32, #tpu.memory_space<hbm>>
    %dma_wait3A_798 = tpu.memref_squeeze %dma_wait3A_797 : memref<1x1000000xf32, #tpu.memory_space<hbm>> -> memref<1000000xf32, #tpu.memory_space<hbm>>
    %dma_wait3A_799 = arith.constant 0 : i32
    %dma_wait3A_800 = tpu.memref_slice %dma_wait3A_798[%dma_wait3A_799] : memref<1000000xf32, #tpu.memory_space<hbm>> -> memref<1000000xf32, #tpu.memory_space<hbm>>
    tpu.wait_indirect_dma semaphore(%arg12 : memref<!tpu.dma_semaphore, #tpu.memory_space<semaphore_mem>>) src(%dma_wait3A_800 : memref<1000000xf32, #tpu.memory_space<hbm>>) dst(%dma_wait3A_795 : memref<512xf32, #tpu.memory_space<vmem>>)
    %dma_wait3A_801 = arith.constant 8 : i32
    %dma_wait3A_802 = arith.constant 8 : i32
    %dma_wait3A_803 = arith.constant 0 : i32
    %dma_wait3A_804 = tpu.memref_slice %arg10[%dma_wait3A_802, %dma_wait3A_803] : memref<32x512xf32, #tpu.memory_space<vmem>> -> memref<1x512xf32, #tpu.memory_space<vmem>>
    %dma_wait3A_805 = tpu.memref_squeeze %dma_wait3A_804 : memref<1x512xf32, #tpu.memory_space<vmem>> -> memref<512xf32, #tpu.memory_space<vmem>>
    %dma_wait3A_806 = arith.constant 0 : i32
    %dma_wait3A_807 = tpu.memref_slice %arg4[%dma_wait3A_801, %dma_wait3A_806] : memref<32x100000xf32, #tpu.memory_space<hbm>> -> memref<1x100000xf32, #tpu.memory_space<hbm>>
    %dma_wait3A_808 = tpu.memref_squeeze %dma_wait3A_807 : memref<1x100000xf32, #tpu.memory_space<hbm>> -> memref<100000xf32, #tpu.memory_space<hbm>>
    %dma_wait3A_809 = arith.constant 0 : i32
    %dma_wait3A_810 = tpu.memref_slice %dma_wait3A_808[%dma_wait3A_809] : memref<100000xf32, #tpu.memory_space<hbm>> -> memref<100000xf32, #tpu.memory_space<hbm>>
    tpu.wait_indirect_dma semaphore(%arg12 : memref<!tpu.dma_semaphore, #tpu.memory_space<semaphore_mem>>) src(%dma_wait3A_810 : memref<100000xf32, #tpu.memory_space<hbm>>) dst(%dma_wait3A_805 : memref<512xf32, #tpu.memory_space<vmem>>)
    %dma_wait3A_811 = arith.constant 8 : i32
    %dma_wait3A_812 = arith.constant 8 : i32
    %dma_wait3A_813 = arith.constant 0 : i32
    %dma_wait3A_814 = tpu.memref_slice %arg11[%dma_wait3A_812, %dma_wait3A_813] : memref<32x512xf32, #tpu.memory_space<vmem>> -> memref<1x512xf32, #tpu.memory_space<vmem>>
    %dma_wait3A_815 = tpu.memref_squeeze %dma_wait3A_814 : memref<1x512xf32, #tpu.memory_space<vmem>> -> memref<512xf32, #tpu.memory_space<vmem>>
    %dma_wait3A_816 = arith.constant 0 : i32
    %dma_wait3A_817 = tpu.memref_slice %arg5[%dma_wait3A_811, %dma_wait3A_816] : memref<32x1000000xf32, #tpu.memory_space<hbm>> -> memref<1x1000000xf32, #tpu.memory_space<hbm>>
    %dma_wait3A_818 = tpu.memref_squeeze %dma_wait3A_817 : memref<1x1000000xf32, #tpu.memory_space<hbm>> -> memref<1000000xf32, #tpu.memory_space<hbm>>
    %dma_wait3A_819 = arith.constant 0 : i32
    %dma_wait3A_820 = tpu.memref_slice %dma_wait3A_818[%dma_wait3A_819] : memref<1000000xf32, #tpu.memory_space<hbm>> -> memref<1000000xf32, #tpu.memory_space<hbm>>
    tpu.wait_indirect_dma semaphore(%arg12 : memref<!tpu.dma_semaphore, #tpu.memory_space<semaphore_mem>>) src(%dma_wait3A_820 : memref<1000000xf32, #tpu.memory_space<hbm>>) dst(%dma_wait3A_815 : memref<512xf32, #tpu.memory_space<vmem>>)
    %dma_wait3A_821 = arith.constant 9 : i32
    %dma_wait3A_822 = arith.constant 9 : i32
    %dma_wait3A_823 = arith.constant 0 : i32
    %dma_wait3A_824 = tpu.memref_slice %arg10[%dma_wait3A_822, %dma_wait3A_823] : memref<32x512xf32, #tpu.memory_space<vmem>> -> memref<1x512xf32, #tpu.memory_space<vmem>>
    %dma_wait3A_825 = tpu.memref_squeeze %dma_wait3A_824 : memref<1x512xf32, #tpu.memory_space<vmem>> -> memref<512xf32, #tpu.memory_space<vmem>>
    %dma_wait3A_826 = arith.constant 0 : i32
    %dma_wait3A_827 = tpu.memref_slice %arg4[%dma_wait3A_821, %dma_wait3A_826] : memref<32x100000xf32, #tpu.memory_space<hbm>> -> memref<1x100000xf32, #tpu.memory_space<hbm>>
    %dma_wait3A_828 = tpu.memref_squeeze %dma_wait3A_827 : memref<1x100000xf32, #tpu.memory_space<hbm>> -> memref<100000xf32, #tpu.memory_space<hbm>>
    %dma_wait3A_829 = arith.constant 0 : i32
    %dma_wait3A_830 = tpu.memref_slice %dma_wait3A_828[%dma_wait3A_829] : memref<100000xf32, #tpu.memory_space<hbm>> -> memref<100000xf32, #tpu.memory_space<hbm>>
    tpu.wait_indirect_dma semaphore(%arg12 : memref<!tpu.dma_semaphore, #tpu.memory_space<semaphore_mem>>) src(%dma_wait3A_830 : memref<100000xf32, #tpu.memory_space<hbm>>) dst(%dma_wait3A_825 : memref<512xf32, #tpu.memory_space<vmem>>)
    %dma_wait3A_831 = arith.constant 9 : i32
    %dma_wait3A_832 = arith.constant 9 : i32
    %dma_wait3A_833 = arith.constant 0 : i32
    %dma_wait3A_834 = tpu.memref_slice %arg11[%dma_wait3A_832, %dma_wait3A_833] : memref<32x512xf32, #tpu.memory_space<vmem>> -> memref<1x512xf32, #tpu.memory_space<vmem>>
    %dma_wait3A_835 = tpu.memref_squeeze %dma_wait3A_834 : memref<1x512xf32, #tpu.memory_space<vmem>> -> memref<512xf32, #tpu.memory_space<vmem>>
    %dma_wait3A_836 = arith.constant 0 : i32
    %dma_wait3A_837 = tpu.memref_slice %arg5[%dma_wait3A_831, %dma_wait3A_836] : memref<32x1000000xf32, #tpu.memory_space<hbm>> -> memref<1x1000000xf32, #tpu.memory_space<hbm>>
    %dma_wait3A_838 = tpu.memref_squeeze %dma_wait3A_837 : memref<1x1000000xf32, #tpu.memory_space<hbm>> -> memref<1000000xf32, #tpu.memory_space<hbm>>
    %dma_wait3A_839 = arith.constant 0 : i32
    %dma_wait3A_840 = tpu.memref_slice %dma_wait3A_838[%dma_wait3A_839] : memref<1000000xf32, #tpu.memory_space<hbm>> -> memref<1000000xf32, #tpu.memory_space<hbm>>
    tpu.wait_indirect_dma semaphore(%arg12 : memref<!tpu.dma_semaphore, #tpu.memory_space<semaphore_mem>>) src(%dma_wait3A_840 : memref<1000000xf32, #tpu.memory_space<hbm>>) dst(%dma_wait3A_835 : memref<512xf32, #tpu.memory_space<vmem>>)
    %dma_wait3A_841 = arith.constant 10 : i32
    %dma_wait3A_842 = arith.constant 10 : i32
    %dma_wait3A_843 = arith.constant 0 : i32
    %dma_wait3A_844 = tpu.memref_slice %arg10[%dma_wait3A_842, %dma_wait3A_843] : memref<32x512xf32, #tpu.memory_space<vmem>> -> memref<1x512xf32, #tpu.memory_space<vmem>>
    %dma_wait3A_845 = tpu.memref_squeeze %dma_wait3A_844 : memref<1x512xf32, #tpu.memory_space<vmem>> -> memref<512xf32, #tpu.memory_space<vmem>>
    %dma_wait3A_846 = arith.constant 0 : i32
    %dma_wait3A_847 = tpu.memref_slice %arg4[%dma_wait3A_841, %dma_wait3A_846] : memref<32x100000xf32, #tpu.memory_space<hbm>> -> memref<1x100000xf32, #tpu.memory_space<hbm>>
    %dma_wait3A_848 = tpu.memref_squeeze %dma_wait3A_847 : memref<1x100000xf32, #tpu.memory_space<hbm>> -> memref<100000xf32, #tpu.memory_space<hbm>>
    %dma_wait3A_849 = arith.constant 0 : i32
    %dma_wait3A_850 = tpu.memref_slice %dma_wait3A_848[%dma_wait3A_849] : memref<100000xf32, #tpu.memory_space<hbm>> -> memref<100000xf32, #tpu.memory_space<hbm>>
    tpu.wait_indirect_dma semaphore(%arg12 : memref<!tpu.dma_semaphore, #tpu.memory_space<semaphore_mem>>) src(%dma_wait3A_850 : memref<100000xf32, #tpu.memory_space<hbm>>) dst(%dma_wait3A_845 : memref<512xf32, #tpu.memory_space<vmem>>)
    %dma_wait3A_851 = arith.constant 10 : i32
    %dma_wait3A_852 = arith.constant 10 : i32
    %dma_wait3A_853 = arith.constant 0 : i32
    %dma_wait3A_854 = tpu.memref_slice %arg11[%dma_wait3A_852, %dma_wait3A_853] : memref<32x512xf32, #tpu.memory_space<vmem>> -> memref<1x512xf32, #tpu.memory_space<vmem>>
    %dma_wait3A_855 = tpu.memref_squeeze %dma_wait3A_854 : memref<1x512xf32, #tpu.memory_space<vmem>> -> memref<512xf32, #tpu.memory_space<vmem>>
    %dma_wait3A_856 = arith.constant 0 : i32
    %dma_wait3A_857 = tpu.memref_slice %arg5[%dma_wait3A_851, %dma_wait3A_856] : memref<32x1000000xf32, #tpu.memory_space<hbm>> -> memref<1x1000000xf32, #tpu.memory_space<hbm>>
    %dma_wait3A_858 = tpu.memref_squeeze %dma_wait3A_857 : memref<1x1000000xf32, #tpu.memory_space<hbm>> -> memref<1000000xf32, #tpu.memory_space<hbm>>
    %dma_wait3A_859 = arith.constant 0 : i32
    %dma_wait3A_860 = tpu.memref_slice %dma_wait3A_858[%dma_wait3A_859] : memref<1000000xf32, #tpu.memory_space<hbm>> -> memref<1000000xf32, #tpu.memory_space<hbm>>
    tpu.wait_indirect_dma semaphore(%arg12 : memref<!tpu.dma_semaphore, #tpu.memory_space<semaphore_mem>>) src(%dma_wait3A_860 : memref<1000000xf32, #tpu.memory_space<hbm>>) dst(%dma_wait3A_855 : memref<512xf32, #tpu.memory_space<vmem>>)
    %dma_wait3A_861 = arith.constant 11 : i32
    %dma_wait3A_862 = arith.constant 11 : i32
    %dma_wait3A_863 = arith.constant 0 : i32
    %dma_wait3A_864 = tpu.memref_slice %arg10[%dma_wait3A_862, %dma_wait3A_863] : memref<32x512xf32, #tpu.memory_space<vmem>> -> memref<1x512xf32, #tpu.memory_space<vmem>>
    %dma_wait3A_865 = tpu.memref_squeeze %dma_wait3A_864 : memref<1x512xf32, #tpu.memory_space<vmem>> -> memref<512xf32, #tpu.memory_space<vmem>>
    %dma_wait3A_866 = arith.constant 0 : i32
    %dma_wait3A_867 = tpu.memref_slice %arg4[%dma_wait3A_861, %dma_wait3A_866] : memref<32x100000xf32, #tpu.memory_space<hbm>> -> memref<1x100000xf32, #tpu.memory_space<hbm>>
    %dma_wait3A_868 = tpu.memref_squeeze %dma_wait3A_867 : memref<1x100000xf32, #tpu.memory_space<hbm>> -> memref<100000xf32, #tpu.memory_space<hbm>>
    %dma_wait3A_869 = arith.constant 0 : i32
    %dma_wait3A_870 = tpu.memref_slice %dma_wait3A_868[%dma_wait3A_869] : memref<100000xf32, #tpu.memory_space<hbm>> -> memref<100000xf32, #tpu.memory_space<hbm>>
    tpu.wait_indirect_dma semaphore(%arg12 : memref<!tpu.dma_semaphore, #tpu.memory_space<semaphore_mem>>) src(%dma_wait3A_870 : memref<100000xf32, #tpu.memory_space<hbm>>) dst(%dma_wait3A_865 : memref<512xf32, #tpu.memory_space<vmem>>)
    %dma_wait3A_871 = arith.constant 11 : i32
    %dma_wait3A_872 = arith.constant 11 : i32
    %dma_wait3A_873 = arith.constant 0 : i32
    %dma_wait3A_874 = tpu.memref_slice %arg11[%dma_wait3A_872, %dma_wait3A_873] : memref<32x512xf32, #tpu.memory_space<vmem>> -> memref<1x512xf32, #tpu.memory_space<vmem>>
    %dma_wait3A_875 = tpu.memref_squeeze %dma_wait3A_874 : memref<1x512xf32, #tpu.memory_space<vmem>> -> memref<512xf32, #tpu.memory_space<vmem>>
    %dma_wait3A_876 = arith.constant 0 : i32
    %dma_wait3A_877 = tpu.memref_slice %arg5[%dma_wait3A_871, %dma_wait3A_876] : memref<32x1000000xf32, #tpu.memory_space<hbm>> -> memref<1x1000000xf32, #tpu.memory_space<hbm>>
    %dma_wait3A_878 = tpu.memref_squeeze %dma_wait3A_877 : memref<1x1000000xf32, #tpu.memory_space<hbm>> -> memref<1000000xf32, #tpu.memory_space<hbm>>
    %dma_wait3A_879 = arith.constant 0 : i32
    %dma_wait3A_880 = tpu.memref_slice %dma_wait3A_878[%dma_wait3A_879] : memref<1000000xf32, #tpu.memory_space<hbm>> -> memref<1000000xf32, #tpu.memory_space<hbm>>
    tpu.wait_indirect_dma semaphore(%arg12 : memref<!tpu.dma_semaphore, #tpu.memory_space<semaphore_mem>>) src(%dma_wait3A_880 : memref<1000000xf32, #tpu.memory_space<hbm>>) dst(%dma_wait3A_875 : memref<512xf32, #tpu.memory_space<vmem>>)
    %dma_wait3A_881 = arith.constant 12 : i32
    %dma_wait3A_882 = arith.constant 12 : i32
    %dma_wait3A_883 = arith.constant 0 : i32
    %dma_wait3A_884 = tpu.memref_slice %arg10[%dma_wait3A_882, %dma_wait3A_883] : memref<32x512xf32, #tpu.memory_space<vmem>> -> memref<1x512xf32, #tpu.memory_space<vmem>>
    %dma_wait3A_885 = tpu.memref_squeeze %dma_wait3A_884 : memref<1x512xf32, #tpu.memory_space<vmem>> -> memref<512xf32, #tpu.memory_space<vmem>>
    %dma_wait3A_886 = arith.constant 0 : i32
    %dma_wait3A_887 = tpu.memref_slice %arg4[%dma_wait3A_881, %dma_wait3A_886] : memref<32x100000xf32, #tpu.memory_space<hbm>> -> memref<1x100000xf32, #tpu.memory_space<hbm>>
    %dma_wait3A_888 = tpu.memref_squeeze %dma_wait3A_887 : memref<1x100000xf32, #tpu.memory_space<hbm>> -> memref<100000xf32, #tpu.memory_space<hbm>>
    %dma_wait3A_889 = arith.constant 0 : i32
    %dma_wait3A_890 = tpu.memref_slice %dma_wait3A_888[%dma_wait3A_889] : memref<100000xf32, #tpu.memory_space<hbm>> -> memref<100000xf32, #tpu.memory_space<hbm>>
    tpu.wait_indirect_dma semaphore(%arg12 : memref<!tpu.dma_semaphore, #tpu.memory_space<semaphore_mem>>) src(%dma_wait3A_890 : memref<100000xf32, #tpu.memory_space<hbm>>) dst(%dma_wait3A_885 : memref<512xf32, #tpu.memory_space<vmem>>)
    %dma_wait3A_891 = arith.constant 12 : i32
    %dma_wait3A_892 = arith.constant 12 : i32
    %dma_wait3A_893 = arith.constant 0 : i32
    %dma_wait3A_894 = tpu.memref_slice %arg11[%dma_wait3A_892, %dma_wait3A_893] : memref<32x512xf32, #tpu.memory_space<vmem>> -> memref<1x512xf32, #tpu.memory_space<vmem>>
    %dma_wait3A_895 = tpu.memref_squeeze %dma_wait3A_894 : memref<1x512xf32, #tpu.memory_space<vmem>> -> memref<512xf32, #tpu.memory_space<vmem>>
    %dma_wait3A_896 = arith.constant 0 : i32
    %dma_wait3A_897 = tpu.memref_slice %arg5[%dma_wait3A_891, %dma_wait3A_896] : memref<32x1000000xf32, #tpu.memory_space<hbm>> -> memref<1x1000000xf32, #tpu.memory_space<hbm>>
    %dma_wait3A_898 = tpu.memref_squeeze %dma_wait3A_897 : memref<1x1000000xf32, #tpu.memory_space<hbm>> -> memref<1000000xf32, #tpu.memory_space<hbm>>
    %dma_wait3A_899 = arith.constant 0 : i32
    %dma_wait3A_900 = tpu.memref_slice %dma_wait3A_898[%dma_wait3A_899] : memref<1000000xf32, #tpu.memory_space<hbm>> -> memref<1000000xf32, #tpu.memory_space<hbm>>
    tpu.wait_indirect_dma semaphore(%arg12 : memref<!tpu.dma_semaphore, #tpu.memory_space<semaphore_mem>>) src(%dma_wait3A_900 : memref<1000000xf32, #tpu.memory_space<hbm>>) dst(%dma_wait3A_895 : memref<512xf32, #tpu.memory_space<vmem>>)
    %dma_wait3A_901 = arith.constant 13 : i32
    %dma_wait3A_902 = arith.constant 13 : i32
    %dma_wait3A_903 = arith.constant 0 : i32
    %dma_wait3A_904 = tpu.memref_slice %arg10[%dma_wait3A_902, %dma_wait3A_903] : memref<32x512xf32, #tpu.memory_space<vmem>> -> memref<1x512xf32, #tpu.memory_space<vmem>>
    %dma_wait3A_905 = tpu.memref_squeeze %dma_wait3A_904 : memref<1x512xf32, #tpu.memory_space<vmem>> -> memref<512xf32, #tpu.memory_space<vmem>>
    %dma_wait3A_906 = arith.constant 0 : i32
    %dma_wait3A_907 = tpu.memref_slice %arg4[%dma_wait3A_901, %dma_wait3A_906] : memref<32x100000xf32, #tpu.memory_space<hbm>> -> memref<1x100000xf32, #tpu.memory_space<hbm>>
    %dma_wait3A_908 = tpu.memref_squeeze %dma_wait3A_907 : memref<1x100000xf32, #tpu.memory_space<hbm>> -> memref<100000xf32, #tpu.memory_space<hbm>>
    %dma_wait3A_909 = arith.constant 0 : i32
    %dma_wait3A_910 = tpu.memref_slice %dma_wait3A_908[%dma_wait3A_909] : memref<100000xf32, #tpu.memory_space<hbm>> -> memref<100000xf32, #tpu.memory_space<hbm>>
    tpu.wait_indirect_dma semaphore(%arg12 : memref<!tpu.dma_semaphore, #tpu.memory_space<semaphore_mem>>) src(%dma_wait3A_910 : memref<100000xf32, #tpu.memory_space<hbm>>) dst(%dma_wait3A_905 : memref<512xf32, #tpu.memory_space<vmem>>)
    %dma_wait3A_911 = arith.constant 13 : i32
    %dma_wait3A_912 = arith.constant 13 : i32
    %dma_wait3A_913 = arith.constant 0 : i32
    %dma_wait3A_914 = tpu.memref_slice %arg11[%dma_wait3A_912, %dma_wait3A_913] : memref<32x512xf32, #tpu.memory_space<vmem>> -> memref<1x512xf32, #tpu.memory_space<vmem>>
    %dma_wait3A_915 = tpu.memref_squeeze %dma_wait3A_914 : memref<1x512xf32, #tpu.memory_space<vmem>> -> memref<512xf32, #tpu.memory_space<vmem>>
    %dma_wait3A_916 = arith.constant 0 : i32
    %dma_wait3A_917 = tpu.memref_slice %arg5[%dma_wait3A_911, %dma_wait3A_916] : memref<32x1000000xf32, #tpu.memory_space<hbm>> -> memref<1x1000000xf32, #tpu.memory_space<hbm>>
    %dma_wait3A_918 = tpu.memref_squeeze %dma_wait3A_917 : memref<1x1000000xf32, #tpu.memory_space<hbm>> -> memref<1000000xf32, #tpu.memory_space<hbm>>
    %dma_wait3A_919 = arith.constant 0 : i32
    %dma_wait3A_920 = tpu.memref_slice %dma_wait3A_918[%dma_wait3A_919] : memref<1000000xf32, #tpu.memory_space<hbm>> -> memref<1000000xf32, #tpu.memory_space<hbm>>
    tpu.wait_indirect_dma semaphore(%arg12 : memref<!tpu.dma_semaphore, #tpu.memory_space<semaphore_mem>>) src(%dma_wait3A_920 : memref<1000000xf32, #tpu.memory_space<hbm>>) dst(%dma_wait3A_915 : memref<512xf32, #tpu.memory_space<vmem>>)
    %dma_wait3A_921 = arith.constant 14 : i32
    %dma_wait3A_922 = arith.constant 14 : i32
    %dma_wait3A_923 = arith.constant 0 : i32
    %dma_wait3A_924 = tpu.memref_slice %arg10[%dma_wait3A_922, %dma_wait3A_923] : memref<32x512xf32, #tpu.memory_space<vmem>> -> memref<1x512xf32, #tpu.memory_space<vmem>>
    %dma_wait3A_925 = tpu.memref_squeeze %dma_wait3A_924 : memref<1x512xf32, #tpu.memory_space<vmem>> -> memref<512xf32, #tpu.memory_space<vmem>>
    %dma_wait3A_926 = arith.constant 0 : i32
    %dma_wait3A_927 = tpu.memref_slice %arg4[%dma_wait3A_921, %dma_wait3A_926] : memref<32x100000xf32, #tpu.memory_space<hbm>> -> memref<1x100000xf32, #tpu.memory_space<hbm>>
    %dma_wait3A_928 = tpu.memref_squeeze %dma_wait3A_927 : memref<1x100000xf32, #tpu.memory_space<hbm>> -> memref<100000xf32, #tpu.memory_space<hbm>>
    %dma_wait3A_929 = arith.constant 0 : i32
    %dma_wait3A_930 = tpu.memref_slice %dma_wait3A_928[%dma_wait3A_929] : memref<100000xf32, #tpu.memory_space<hbm>> -> memref<100000xf32, #tpu.memory_space<hbm>>
    tpu.wait_indirect_dma semaphore(%arg12 : memref<!tpu.dma_semaphore, #tpu.memory_space<semaphore_mem>>) src(%dma_wait3A_930 : memref<100000xf32, #tpu.memory_space<hbm>>) dst(%dma_wait3A_925 : memref<512xf32, #tpu.memory_space<vmem>>)
    %dma_wait3A_931 = arith.constant 14 : i32
    %dma_wait3A_932 = arith.constant 14 : i32
    %dma_wait3A_933 = arith.constant 0 : i32
    %dma_wait3A_934 = tpu.memref_slice %arg11[%dma_wait3A_932, %dma_wait3A_933] : memref<32x512xf32, #tpu.memory_space<vmem>> -> memref<1x512xf32, #tpu.memory_space<vmem>>
    %dma_wait3A_935 = tpu.memref_squeeze %dma_wait3A_934 : memref<1x512xf32, #tpu.memory_space<vmem>> -> memref<512xf32, #tpu.memory_space<vmem>>
    %dma_wait3A_936 = arith.constant 0 : i32
    %dma_wait3A_937 = tpu.memref_slice %arg5[%dma_wait3A_931, %dma_wait3A_936] : memref<32x1000000xf32, #tpu.memory_space<hbm>> -> memref<1x1000000xf32, #tpu.memory_space<hbm>>
    %dma_wait3A_938 = tpu.memref_squeeze %dma_wait3A_937 : memref<1x1000000xf32, #tpu.memory_space<hbm>> -> memref<1000000xf32, #tpu.memory_space<hbm>>
    %dma_wait3A_939 = arith.constant 0 : i32
    %dma_wait3A_940 = tpu.memref_slice %dma_wait3A_938[%dma_wait3A_939] : memref<1000000xf32, #tpu.memory_space<hbm>> -> memref<1000000xf32, #tpu.memory_space<hbm>>
    tpu.wait_indirect_dma semaphore(%arg12 : memref<!tpu.dma_semaphore, #tpu.memory_space<semaphore_mem>>) src(%dma_wait3A_940 : memref<1000000xf32, #tpu.memory_space<hbm>>) dst(%dma_wait3A_935 : memref<512xf32, #tpu.memory_space<vmem>>)
    %dma_wait3A_941 = arith.constant 15 : i32
    %dma_wait3A_942 = arith.constant 15 : i32
    %dma_wait3A_943 = arith.constant 0 : i32
    %dma_wait3A_944 = tpu.memref_slice %arg10[%dma_wait3A_942, %dma_wait3A_943] : memref<32x512xf32, #tpu.memory_space<vmem>> -> memref<1x512xf32, #tpu.memory_space<vmem>>
    %dma_wait3A_945 = tpu.memref_squeeze %dma_wait3A_944 : memref<1x512xf32, #tpu.memory_space<vmem>> -> memref<512xf32, #tpu.memory_space<vmem>>
    %dma_wait3A_946 = arith.constant 0 : i32
    %dma_wait3A_947 = tpu.memref_slice %arg4[%dma_wait3A_941, %dma_wait3A_946] : memref<32x100000xf32, #tpu.memory_space<hbm>> -> memref<1x100000xf32, #tpu.memory_space<hbm>>
    %dma_wait3A_948 = tpu.memref_squeeze %dma_wait3A_947 : memref<1x100000xf32, #tpu.memory_space<hbm>> -> memref<100000xf32, #tpu.memory_space<hbm>>
    %dma_wait3A_949 = arith.constant 0 : i32
    %dma_wait3A_950 = tpu.memref_slice %dma_wait3A_948[%dma_wait3A_949] : memref<100000xf32, #tpu.memory_space<hbm>> -> memref<100000xf32, #tpu.memory_space<hbm>>
    tpu.wait_indirect_dma semaphore(%arg12 : memref<!tpu.dma_semaphore, #tpu.memory_space<semaphore_mem>>) src(%dma_wait3A_950 : memref<100000xf32, #tpu.memory_space<hbm>>) dst(%dma_wait3A_945 : memref<512xf32, #tpu.memory_space<vmem>>)
    %dma_wait3A_951 = arith.constant 15 : i32
    %dma_wait3A_952 = arith.constant 15 : i32
    %dma_wait3A_953 = arith.constant 0 : i32
    %dma_wait3A_954 = tpu.memref_slice %arg11[%dma_wait3A_952, %dma_wait3A_953] : memref<32x512xf32, #tpu.memory_space<vmem>> -> memref<1x512xf32, #tpu.memory_space<vmem>>
    %dma_wait3A_955 = tpu.memref_squeeze %dma_wait3A_954 : memref<1x512xf32, #tpu.memory_space<vmem>> -> memref<512xf32, #tpu.memory_space<vmem>>
    %dma_wait3A_956 = arith.constant 0 : i32
    %dma_wait3A_957 = tpu.memref_slice %arg5[%dma_wait3A_951, %dma_wait3A_956] : memref<32x1000000xf32, #tpu.memory_space<hbm>> -> memref<1x1000000xf32, #tpu.memory_space<hbm>>
    %dma_wait3A_958 = tpu.memref_squeeze %dma_wait3A_957 : memref<1x1000000xf32, #tpu.memory_space<hbm>> -> memref<1000000xf32, #tpu.memory_space<hbm>>
    %dma_wait3A_959 = arith.constant 0 : i32
    %dma_wait3A_960 = tpu.memref_slice %dma_wait3A_958[%dma_wait3A_959] : memref<1000000xf32, #tpu.memory_space<hbm>> -> memref<1000000xf32, #tpu.memory_space<hbm>>
    tpu.wait_indirect_dma semaphore(%arg12 : memref<!tpu.dma_semaphore, #tpu.memory_space<semaphore_mem>>) src(%dma_wait3A_960 : memref<1000000xf32, #tpu.memory_space<hbm>>) dst(%dma_wait3A_955 : memref<512xf32, #tpu.memory_space<vmem>>)
    %dma_wait3A_961 = arith.constant 16 : i32
    %dma_wait3A_962 = arith.constant 16 : i32
    %dma_wait3A_963 = arith.constant 0 : i32
    %dma_wait3A_964 = tpu.memref_slice %arg10[%dma_wait3A_962, %dma_wait3A_963] : memref<32x512xf32, #tpu.memory_space<vmem>> -> memref<1x512xf32, #tpu.memory_space<vmem>>
    %dma_wait3A_965 = tpu.memref_squeeze %dma_wait3A_964 : memref<1x512xf32, #tpu.memory_space<vmem>> -> memref<512xf32, #tpu.memory_space<vmem>>
    %dma_wait3A_966 = arith.constant 0 : i32
    %dma_wait3A_967 = tpu.memref_slice %arg4[%dma_wait3A_961, %dma_wait3A_966] : memref<32x100000xf32, #tpu.memory_space<hbm>> -> memref<1x100000xf32, #tpu.memory_space<hbm>>
    %dma_wait3A_968 = tpu.memref_squeeze %dma_wait3A_967 : memref<1x100000xf32, #tpu.memory_space<hbm>> -> memref<100000xf32, #tpu.memory_space<hbm>>
    %dma_wait3A_969 = arith.constant 0 : i32
    %dma_wait3A_970 = tpu.memref_slice %dma_wait3A_968[%dma_wait3A_969] : memref<100000xf32, #tpu.memory_space<hbm>> -> memref<100000xf32, #tpu.memory_space<hbm>>
    tpu.wait_indirect_dma semaphore(%arg12 : memref<!tpu.dma_semaphore, #tpu.memory_space<semaphore_mem>>) src(%dma_wait3A_970 : memref<100000xf32, #tpu.memory_space<hbm>>) dst(%dma_wait3A_965 : memref<512xf32, #tpu.memory_space<vmem>>)
    %dma_wait3A_971 = arith.constant 16 : i32
    %dma_wait3A_972 = arith.constant 16 : i32
    %dma_wait3A_973 = arith.constant 0 : i32
    %dma_wait3A_974 = tpu.memref_slice %arg11[%dma_wait3A_972, %dma_wait3A_973] : memref<32x512xf32, #tpu.memory_space<vmem>> -> memref<1x512xf32, #tpu.memory_space<vmem>>
    %dma_wait3A_975 = tpu.memref_squeeze %dma_wait3A_974 : memref<1x512xf32, #tpu.memory_space<vmem>> -> memref<512xf32, #tpu.memory_space<vmem>>
    %dma_wait3A_976 = arith.constant 0 : i32
    %dma_wait3A_977 = tpu.memref_slice %arg5[%dma_wait3A_971, %dma_wait3A_976] : memref<32x1000000xf32, #tpu.memory_space<hbm>> -> memref<1x1000000xf32, #tpu.memory_space<hbm>>
    %dma_wait3A_978 = tpu.memref_squeeze %dma_wait3A_977 : memref<1x1000000xf32, #tpu.memory_space<hbm>> -> memref<1000000xf32, #tpu.memory_space<hbm>>
    %dma_wait3A_979 = arith.constant 0 : i32
    %dma_wait3A_980 = tpu.memref_slice %dma_wait3A_978[%dma_wait3A_979] : memref<1000000xf32, #tpu.memory_space<hbm>> -> memref<1000000xf32, #tpu.memory_space<hbm>>
    tpu.wait_indirect_dma semaphore(%arg12 : memref<!tpu.dma_semaphore, #tpu.memory_space<semaphore_mem>>) src(%dma_wait3A_980 : memref<1000000xf32, #tpu.memory_space<hbm>>) dst(%dma_wait3A_975 : memref<512xf32, #tpu.memory_space<vmem>>)
    %dma_wait3A_981 = arith.constant 17 : i32
    %dma_wait3A_982 = arith.constant 17 : i32
    %dma_wait3A_983 = arith.constant 0 : i32
    %dma_wait3A_984 = tpu.memref_slice %arg10[%dma_wait3A_982, %dma_wait3A_983] : memref<32x512xf32, #tpu.memory_space<vmem>> -> memref<1x512xf32, #tpu.memory_space<vmem>>
    %dma_wait3A_985 = tpu.memref_squeeze %dma_wait3A_984 : memref<1x512xf32, #tpu.memory_space<vmem>> -> memref<512xf32, #tpu.memory_space<vmem>>
    %dma_wait3A_986 = arith.constant 0 : i32
    %dma_wait3A_987 = tpu.memref_slice %arg4[%dma_wait3A_981, %dma_wait3A_986] : memref<32x100000xf32, #tpu.memory_space<hbm>> -> memref<1x100000xf32, #tpu.memory_space<hbm>>
    %dma_wait3A_988 = tpu.memref_squeeze %dma_wait3A_987 : memref<1x100000xf32, #tpu.memory_space<hbm>> -> memref<100000xf32, #tpu.memory_space<hbm>>
    %dma_wait3A_989 = arith.constant 0 : i32
    %dma_wait3A_990 = tpu.memref_slice %dma_wait3A_988[%dma_wait3A_989] : memref<100000xf32, #tpu.memory_space<hbm>> -> memref<100000xf32, #tpu.memory_space<hbm>>
    tpu.wait_indirect_dma semaphore(%arg12 : memref<!tpu.dma_semaphore, #tpu.memory_space<semaphore_mem>>) src(%dma_wait3A_990 : memref<100000xf32, #tpu.memory_space<hbm>>) dst(%dma_wait3A_985 : memref<512xf32, #tpu.memory_space<vmem>>)
    %dma_wait3A_991 = arith.constant 17 : i32
    %dma_wait3A_992 = arith.constant 17 : i32
    %dma_wait3A_993 = arith.constant 0 : i32
    %dma_wait3A_994 = tpu.memref_slice %arg11[%dma_wait3A_992, %dma_wait3A_993] : memref<32x512xf32, #tpu.memory_space<vmem>> -> memref<1x512xf32, #tpu.memory_space<vmem>>
    %dma_wait3A_995 = tpu.memref_squeeze %dma_wait3A_994 : memref<1x512xf32, #tpu.memory_space<vmem>> -> memref<512xf32, #tpu.memory_space<vmem>>
    %dma_wait3A_996 = arith.constant 0 : i32
    %dma_wait3A_997 = tpu.memref_slice %arg5[%dma_wait3A_991, %dma_wait3A_996] : memref<32x1000000xf32, #tpu.memory_space<hbm>> -> memref<1x1000000xf32, #tpu.memory_space<hbm>>
    %dma_wait3A_998 = tpu.memref_squeeze %dma_wait3A_997 : memref<1x1000000xf32, #tpu.memory_space<hbm>> -> memref<1000000xf32, #tpu.memory_space<hbm>>
    %dma_wait3A_999 = arith.constant 0 : i32
    %dma_wait3A_1000 = tpu.memref_slice %dma_wait3A_998[%dma_wait3A_999] : memref<1000000xf32, #tpu.memory_space<hbm>> -> memref<1000000xf32, #tpu.memory_space<hbm>>
    tpu.wait_indirect_dma semaphore(%arg12 : memref<!tpu.dma_semaphore, #tpu.memory_space<semaphore_mem>>) src(%dma_wait3A_1000 : memref<1000000xf32, #tpu.memory_space<hbm>>) dst(%dma_wait3A_995 : memref<512xf32, #tpu.memory_space<vmem>>)
    %dma_wait3A_1001 = arith.constant 18 : i32
    %dma_wait3A_1002 = arith.constant 18 : i32
    %dma_wait3A_1003 = arith.constant 0 : i32
    %dma_wait3A_1004 = tpu.memref_slice %arg10[%dma_wait3A_1002, %dma_wait3A_1003] : memref<32x512xf32, #tpu.memory_space<vmem>> -> memref<1x512xf32, #tpu.memory_space<vmem>>
    %dma_wait3A_1005 = tpu.memref_squeeze %dma_wait3A_1004 : memref<1x512xf32, #tpu.memory_space<vmem>> -> memref<512xf32, #tpu.memory_space<vmem>>
    %dma_wait3A_1006 = arith.constant 0 : i32
    %dma_wait3A_1007 = tpu.memref_slice %arg4[%dma_wait3A_1001, %dma_wait3A_1006] : memref<32x100000xf32, #tpu.memory_space<hbm>> -> memref<1x100000xf32, #tpu.memory_space<hbm>>
    %dma_wait3A_1008 = tpu.memref_squeeze %dma_wait3A_1007 : memref<1x100000xf32, #tpu.memory_space<hbm>> -> memref<100000xf32, #tpu.memory_space<hbm>>
    %dma_wait3A_1009 = arith.constant 0 : i32
    %dma_wait3A_1010 = tpu.memref_slice %dma_wait3A_1008[%dma_wait3A_1009] : memref<100000xf32, #tpu.memory_space<hbm>> -> memref<100000xf32, #tpu.memory_space<hbm>>
    tpu.wait_indirect_dma semaphore(%arg12 : memref<!tpu.dma_semaphore, #tpu.memory_space<semaphore_mem>>) src(%dma_wait3A_1010 : memref<100000xf32, #tpu.memory_space<hbm>>) dst(%dma_wait3A_1005 : memref<512xf32, #tpu.memory_space<vmem>>)
    %dma_wait3A_1011 = arith.constant 18 : i32
    %dma_wait3A_1012 = arith.constant 18 : i32
    %dma_wait3A_1013 = arith.constant 0 : i32
    %dma_wait3A_1014 = tpu.memref_slice %arg11[%dma_wait3A_1012, %dma_wait3A_1013] : memref<32x512xf32, #tpu.memory_space<vmem>> -> memref<1x512xf32, #tpu.memory_space<vmem>>
    %dma_wait3A_1015 = tpu.memref_squeeze %dma_wait3A_1014 : memref<1x512xf32, #tpu.memory_space<vmem>> -> memref<512xf32, #tpu.memory_space<vmem>>
    %dma_wait3A_1016 = arith.constant 0 : i32
    %dma_wait3A_1017 = tpu.memref_slice %arg5[%dma_wait3A_1011, %dma_wait3A_1016] : memref<32x1000000xf32, #tpu.memory_space<hbm>> -> memref<1x1000000xf32, #tpu.memory_space<hbm>>
    %dma_wait3A_1018 = tpu.memref_squeeze %dma_wait3A_1017 : memref<1x1000000xf32, #tpu.memory_space<hbm>> -> memref<1000000xf32, #tpu.memory_space<hbm>>
    %dma_wait3A_1019 = arith.constant 0 : i32
    %dma_wait3A_1020 = tpu.memref_slice %dma_wait3A_1018[%dma_wait3A_1019] : memref<1000000xf32, #tpu.memory_space<hbm>> -> memref<1000000xf32, #tpu.memory_space<hbm>>
    tpu.wait_indirect_dma semaphore(%arg12 : memref<!tpu.dma_semaphore, #tpu.memory_space<semaphore_mem>>) src(%dma_wait3A_1020 : memref<1000000xf32, #tpu.memory_space<hbm>>) dst(%dma_wait3A_1015 : memref<512xf32, #tpu.memory_space<vmem>>)
    %dma_wait3A_1021 = arith.constant 19 : i32
    %dma_wait3A_1022 = arith.constant 19 : i32
    %dma_wait3A_1023 = arith.constant 0 : i32
    %dma_wait3A_1024 = tpu.memref_slice %arg10[%dma_wait3A_1022, %dma_wait3A_1023] : memref<32x512xf32, #tpu.memory_space<vmem>> -> memref<1x512xf32, #tpu.memory_space<vmem>>
    %dma_wait3A_1025 = tpu.memref_squeeze %dma_wait3A_1024 : memref<1x512xf32, #tpu.memory_space<vmem>> -> memref<512xf32, #tpu.memory_space<vmem>>
    %dma_wait3A_1026 = arith.constant 0 : i32
    %dma_wait3A_1027 = tpu.memref_slice %arg4[%dma_wait3A_1021, %dma_wait3A_1026] : memref<32x100000xf32, #tpu.memory_space<hbm>> -> memref<1x100000xf32, #tpu.memory_space<hbm>>
    %dma_wait3A_1028 = tpu.memref_squeeze %dma_wait3A_1027 : memref<1x100000xf32, #tpu.memory_space<hbm>> -> memref<100000xf32, #tpu.memory_space<hbm>>
    %dma_wait3A_1029 = arith.constant 0 : i32
    %dma_wait3A_1030 = tpu.memref_slice %dma_wait3A_1028[%dma_wait3A_1029] : memref<100000xf32, #tpu.memory_space<hbm>> -> memref<100000xf32, #tpu.memory_space<hbm>>
    tpu.wait_indirect_dma semaphore(%arg12 : memref<!tpu.dma_semaphore, #tpu.memory_space<semaphore_mem>>) src(%dma_wait3A_1030 : memref<100000xf32, #tpu.memory_space<hbm>>) dst(%dma_wait3A_1025 : memref<512xf32, #tpu.memory_space<vmem>>)
    %dma_wait3A_1031 = arith.constant 19 : i32
    %dma_wait3A_1032 = arith.constant 19 : i32
    %dma_wait3A_1033 = arith.constant 0 : i32
    %dma_wait3A_1034 = tpu.memref_slice %arg11[%dma_wait3A_1032, %dma_wait3A_1033] : memref<32x512xf32, #tpu.memory_space<vmem>> -> memref<1x512xf32, #tpu.memory_space<vmem>>
    %dma_wait3A_1035 = tpu.memref_squeeze %dma_wait3A_1034 : memref<1x512xf32, #tpu.memory_space<vmem>> -> memref<512xf32, #tpu.memory_space<vmem>>
    %dma_wait3A_1036 = arith.constant 0 : i32
    %dma_wait3A_1037 = tpu.memref_slice %arg5[%dma_wait3A_1031, %dma_wait3A_1036] : memref<32x1000000xf32, #tpu.memory_space<hbm>> -> memref<1x1000000xf32, #tpu.memory_space<hbm>>
    %dma_wait3A_1038 = tpu.memref_squeeze %dma_wait3A_1037 : memref<1x1000000xf32, #tpu.memory_space<hbm>> -> memref<1000000xf32, #tpu.memory_space<hbm>>
    %dma_wait3A_1039 = arith.constant 0 : i32
    %dma_wait3A_1040 = tpu.memref_slice %dma_wait3A_1038[%dma_wait3A_1039] : memref<1000000xf32, #tpu.memory_space<hbm>> -> memref<1000000xf32, #tpu.memory_space<hbm>>
    tpu.wait_indirect_dma semaphore(%arg12 : memref<!tpu.dma_semaphore, #tpu.memory_space<semaphore_mem>>) src(%dma_wait3A_1040 : memref<1000000xf32, #tpu.memory_space<hbm>>) dst(%dma_wait3A_1035 : memref<512xf32, #tpu.memory_space<vmem>>)
    %dma_wait3A_1041 = arith.constant 20 : i32
    %dma_wait3A_1042 = arith.constant 20 : i32
    %dma_wait3A_1043 = arith.constant 0 : i32
    %dma_wait3A_1044 = tpu.memref_slice %arg10[%dma_wait3A_1042, %dma_wait3A_1043] : memref<32x512xf32, #tpu.memory_space<vmem>> -> memref<1x512xf32, #tpu.memory_space<vmem>>
    %dma_wait3A_1045 = tpu.memref_squeeze %dma_wait3A_1044 : memref<1x512xf32, #tpu.memory_space<vmem>> -> memref<512xf32, #tpu.memory_space<vmem>>
    %dma_wait3A_1046 = arith.constant 0 : i32
    %dma_wait3A_1047 = tpu.memref_slice %arg4[%dma_wait3A_1041, %dma_wait3A_1046] : memref<32x100000xf32, #tpu.memory_space<hbm>> -> memref<1x100000xf32, #tpu.memory_space<hbm>>
    %dma_wait3A_1048 = tpu.memref_squeeze %dma_wait3A_1047 : memref<1x100000xf32, #tpu.memory_space<hbm>> -> memref<100000xf32, #tpu.memory_space<hbm>>
    %dma_wait3A_1049 = arith.constant 0 : i32
    %dma_wait3A_1050 = tpu.memref_slice %dma_wait3A_1048[%dma_wait3A_1049] : memref<100000xf32, #tpu.memory_space<hbm>> -> memref<100000xf32, #tpu.memory_space<hbm>>
    tpu.wait_indirect_dma semaphore(%arg12 : memref<!tpu.dma_semaphore, #tpu.memory_space<semaphore_mem>>) src(%dma_wait3A_1050 : memref<100000xf32, #tpu.memory_space<hbm>>) dst(%dma_wait3A_1045 : memref<512xf32, #tpu.memory_space<vmem>>)
    %dma_wait3A_1051 = arith.constant 20 : i32
    %dma_wait3A_1052 = arith.constant 20 : i32
    %dma_wait3A_1053 = arith.constant 0 : i32
    %dma_wait3A_1054 = tpu.memref_slice %arg11[%dma_wait3A_1052, %dma_wait3A_1053] : memref<32x512xf32, #tpu.memory_space<vmem>> -> memref<1x512xf32, #tpu.memory_space<vmem>>
    %dma_wait3A_1055 = tpu.memref_squeeze %dma_wait3A_1054 : memref<1x512xf32, #tpu.memory_space<vmem>> -> memref<512xf32, #tpu.memory_space<vmem>>
    %dma_wait3A_1056 = arith.constant 0 : i32
    %dma_wait3A_1057 = tpu.memref_slice %arg5[%dma_wait3A_1051, %dma_wait3A_1056] : memref<32x1000000xf32, #tpu.memory_space<hbm>> -> memref<1x1000000xf32, #tpu.memory_space<hbm>>
    %dma_wait3A_1058 = tpu.memref_squeeze %dma_wait3A_1057 : memref<1x1000000xf32, #tpu.memory_space<hbm>> -> memref<1000000xf32, #tpu.memory_space<hbm>>
    %dma_wait3A_1059 = arith.constant 0 : i32
    %dma_wait3A_1060 = tpu.memref_slice %dma_wait3A_1058[%dma_wait3A_1059] : memref<1000000xf32, #tpu.memory_space<hbm>> -> memref<1000000xf32, #tpu.memory_space<hbm>>
    tpu.wait_indirect_dma semaphore(%arg12 : memref<!tpu.dma_semaphore, #tpu.memory_space<semaphore_mem>>) src(%dma_wait3A_1060 : memref<1000000xf32, #tpu.memory_space<hbm>>) dst(%dma_wait3A_1055 : memref<512xf32, #tpu.memory_space<vmem>>)
    %dma_wait3A_1061 = arith.constant 21 : i32
    %dma_wait3A_1062 = arith.constant 21 : i32
    %dma_wait3A_1063 = arith.constant 0 : i32
    %dma_wait3A_1064 = tpu.memref_slice %arg10[%dma_wait3A_1062, %dma_wait3A_1063] : memref<32x512xf32, #tpu.memory_space<vmem>> -> memref<1x512xf32, #tpu.memory_space<vmem>>
    %dma_wait3A_1065 = tpu.memref_squeeze %dma_wait3A_1064 : memref<1x512xf32, #tpu.memory_space<vmem>> -> memref<512xf32, #tpu.memory_space<vmem>>
    %dma_wait3A_1066 = arith.constant 0 : i32
    %dma_wait3A_1067 = tpu.memref_slice %arg4[%dma_wait3A_1061, %dma_wait3A_1066] : memref<32x100000xf32, #tpu.memory_space<hbm>> -> memref<1x100000xf32, #tpu.memory_space<hbm>>
    %dma_wait3A_1068 = tpu.memref_squeeze %dma_wait3A_1067 : memref<1x100000xf32, #tpu.memory_space<hbm>> -> memref<100000xf32, #tpu.memory_space<hbm>>
    %dma_wait3A_1069 = arith.constant 0 : i32
    %dma_wait3A_1070 = tpu.memref_slice %dma_wait3A_1068[%dma_wait3A_1069] : memref<100000xf32, #tpu.memory_space<hbm>> -> memref<100000xf32, #tpu.memory_space<hbm>>
    tpu.wait_indirect_dma semaphore(%arg12 : memref<!tpu.dma_semaphore, #tpu.memory_space<semaphore_mem>>) src(%dma_wait3A_1070 : memref<100000xf32, #tpu.memory_space<hbm>>) dst(%dma_wait3A_1065 : memref<512xf32, #tpu.memory_space<vmem>>)
    %dma_wait3A_1071 = arith.constant 21 : i32
    %dma_wait3A_1072 = arith.constant 21 : i32
    %dma_wait3A_1073 = arith.constant 0 : i32
    %dma_wait3A_1074 = tpu.memref_slice %arg11[%dma_wait3A_1072, %dma_wait3A_1073] : memref<32x512xf32, #tpu.memory_space<vmem>> -> memref<1x512xf32, #tpu.memory_space<vmem>>
    %dma_wait3A_1075 = tpu.memref_squeeze %dma_wait3A_1074 : memref<1x512xf32, #tpu.memory_space<vmem>> -> memref<512xf32, #tpu.memory_space<vmem>>
    %dma_wait3A_1076 = arith.constant 0 : i32
    %dma_wait3A_1077 = tpu.memref_slice %arg5[%dma_wait3A_1071, %dma_wait3A_1076] : memref<32x1000000xf32, #tpu.memory_space<hbm>> -> memref<1x1000000xf32, #tpu.memory_space<hbm>>
    %dma_wait3A_1078 = tpu.memref_squeeze %dma_wait3A_1077 : memref<1x1000000xf32, #tpu.memory_space<hbm>> -> memref<1000000xf32, #tpu.memory_space<hbm>>
    %dma_wait3A_1079 = arith.constant 0 : i32
    %dma_wait3A_1080 = tpu.memref_slice %dma_wait3A_1078[%dma_wait3A_1079] : memref<1000000xf32, #tpu.memory_space<hbm>> -> memref<1000000xf32, #tpu.memory_space<hbm>>
    tpu.wait_indirect_dma semaphore(%arg12 : memref<!tpu.dma_semaphore, #tpu.memory_space<semaphore_mem>>) src(%dma_wait3A_1080 : memref<1000000xf32, #tpu.memory_space<hbm>>) dst(%dma_wait3A_1075 : memref<512xf32, #tpu.memory_space<vmem>>)
    %dma_wait3A_1081 = arith.constant 22 : i32
    %dma_wait3A_1082 = arith.constant 22 : i32
    %dma_wait3A_1083 = arith.constant 0 : i32
    %dma_wait3A_1084 = tpu.memref_slice %arg10[%dma_wait3A_1082, %dma_wait3A_1083] : memref<32x512xf32, #tpu.memory_space<vmem>> -> memref<1x512xf32, #tpu.memory_space<vmem>>
    %dma_wait3A_1085 = tpu.memref_squeeze %dma_wait3A_1084 : memref<1x512xf32, #tpu.memory_space<vmem>> -> memref<512xf32, #tpu.memory_space<vmem>>
    %dma_wait3A_1086 = arith.constant 0 : i32
    %dma_wait3A_1087 = tpu.memref_slice %arg4[%dma_wait3A_1081, %dma_wait3A_1086] : memref<32x100000xf32, #tpu.memory_space<hbm>> -> memref<1x100000xf32, #tpu.memory_space<hbm>>
    %dma_wait3A_1088 = tpu.memref_squeeze %dma_wait3A_1087 : memref<1x100000xf32, #tpu.memory_space<hbm>> -> memref<100000xf32, #tpu.memory_space<hbm>>
    %dma_wait3A_1089 = arith.constant 0 : i32
    %dma_wait3A_1090 = tpu.memref_slice %dma_wait3A_1088[%dma_wait3A_1089] : memref<100000xf32, #tpu.memory_space<hbm>> -> memref<100000xf32, #tpu.memory_space<hbm>>
    tpu.wait_indirect_dma semaphore(%arg12 : memref<!tpu.dma_semaphore, #tpu.memory_space<semaphore_mem>>) src(%dma_wait3A_1090 : memref<100000xf32, #tpu.memory_space<hbm>>) dst(%dma_wait3A_1085 : memref<512xf32, #tpu.memory_space<vmem>>)
    %dma_wait3A_1091 = arith.constant 22 : i32
    %dma_wait3A_1092 = arith.constant 22 : i32
    %dma_wait3A_1093 = arith.constant 0 : i32
    %dma_wait3A_1094 = tpu.memref_slice %arg11[%dma_wait3A_1092, %dma_wait3A_1093] : memref<32x512xf32, #tpu.memory_space<vmem>> -> memref<1x512xf32, #tpu.memory_space<vmem>>
    %dma_wait3A_1095 = tpu.memref_squeeze %dma_wait3A_1094 : memref<1x512xf32, #tpu.memory_space<vmem>> -> memref<512xf32, #tpu.memory_space<vmem>>
    %dma_wait3A_1096 = arith.constant 0 : i32
    %dma_wait3A_1097 = tpu.memref_slice %arg5[%dma_wait3A_1091, %dma_wait3A_1096] : memref<32x1000000xf32, #tpu.memory_space<hbm>> -> memref<1x1000000xf32, #tpu.memory_space<hbm>>
    %dma_wait3A_1098 = tpu.memref_squeeze %dma_wait3A_1097 : memref<1x1000000xf32, #tpu.memory_space<hbm>> -> memref<1000000xf32, #tpu.memory_space<hbm>>
    %dma_wait3A_1099 = arith.constant 0 : i32
    %dma_wait3A_1100 = tpu.memref_slice %dma_wait3A_1098[%dma_wait3A_1099] : memref<1000000xf32, #tpu.memory_space<hbm>> -> memref<1000000xf32, #tpu.memory_space<hbm>>
    tpu.wait_indirect_dma semaphore(%arg12 : memref<!tpu.dma_semaphore, #tpu.memory_space<semaphore_mem>>) src(%dma_wait3A_1100 : memref<1000000xf32, #tpu.memory_space<hbm>>) dst(%dma_wait3A_1095 : memref<512xf32, #tpu.memory_space<vmem>>)
    %dma_wait3A_1101 = arith.constant 23 : i32
    %dma_wait3A_1102 = arith.constant 23 : i32
    %dma_wait3A_1103 = arith.constant 0 : i32
    %dma_wait3A_1104 = tpu.memref_slice %arg10[%dma_wait3A_1102, %dma_wait3A_1103] : memref<32x512xf32, #tpu.memory_space<vmem>> -> memref<1x512xf32, #tpu.memory_space<vmem>>
    %dma_wait3A_1105 = tpu.memref_squeeze %dma_wait3A_1104 : memref<1x512xf32, #tpu.memory_space<vmem>> -> memref<512xf32, #tpu.memory_space<vmem>>
    %dma_wait3A_1106 = arith.constant 0 : i32
    %dma_wait3A_1107 = tpu.memref_slice %arg4[%dma_wait3A_1101, %dma_wait3A_1106] : memref<32x100000xf32, #tpu.memory_space<hbm>> -> memref<1x100000xf32, #tpu.memory_space<hbm>>
    %dma_wait3A_1108 = tpu.memref_squeeze %dma_wait3A_1107 : memref<1x100000xf32, #tpu.memory_space<hbm>> -> memref<100000xf32, #tpu.memory_space<hbm>>
    %dma_wait3A_1109 = arith.constant 0 : i32
    %dma_wait3A_1110 = tpu.memref_slice %dma_wait3A_1108[%dma_wait3A_1109] : memref<100000xf32, #tpu.memory_space<hbm>> -> memref<100000xf32, #tpu.memory_space<hbm>>
    tpu.wait_indirect_dma semaphore(%arg12 : memref<!tpu.dma_semaphore, #tpu.memory_space<semaphore_mem>>) src(%dma_wait3A_1110 : memref<100000xf32, #tpu.memory_space<hbm>>) dst(%dma_wait3A_1105 : memref<512xf32, #tpu.memory_space<vmem>>)
    %dma_wait3A_1111 = arith.constant 23 : i32
    %dma_wait3A_1112 = arith.constant 23 : i32
    %dma_wait3A_1113 = arith.constant 0 : i32
    %dma_wait3A_1114 = tpu.memref_slice %arg11[%dma_wait3A_1112, %dma_wait3A_1113] : memref<32x512xf32, #tpu.memory_space<vmem>> -> memref<1x512xf32, #tpu.memory_space<vmem>>
    %dma_wait3A_1115 = tpu.memref_squeeze %dma_wait3A_1114 : memref<1x512xf32, #tpu.memory_space<vmem>> -> memref<512xf32, #tpu.memory_space<vmem>>
    %dma_wait3A_1116 = arith.constant 0 : i32
    %dma_wait3A_1117 = tpu.memref_slice %arg5[%dma_wait3A_1111, %dma_wait3A_1116] : memref<32x1000000xf32, #tpu.memory_space<hbm>> -> memref<1x1000000xf32, #tpu.memory_space<hbm>>
    %dma_wait3A_1118 = tpu.memref_squeeze %dma_wait3A_1117 : memref<1x1000000xf32, #tpu.memory_space<hbm>> -> memref<1000000xf32, #tpu.memory_space<hbm>>
    %dma_wait3A_1119 = arith.constant 0 : i32
    %dma_wait3A_1120 = tpu.memref_slice %dma_wait3A_1118[%dma_wait3A_1119] : memref<1000000xf32, #tpu.memory_space<hbm>> -> memref<1000000xf32, #tpu.memory_space<hbm>>
    tpu.wait_indirect_dma semaphore(%arg12 : memref<!tpu.dma_semaphore, #tpu.memory_space<semaphore_mem>>) src(%dma_wait3A_1120 : memref<1000000xf32, #tpu.memory_space<hbm>>) dst(%dma_wait3A_1115 : memref<512xf32, #tpu.memory_space<vmem>>)
    %dma_wait3A_1121 = arith.constant 24 : i32
    %dma_wait3A_1122 = arith.constant 24 : i32
    %dma_wait3A_1123 = arith.constant 0 : i32
    %dma_wait3A_1124 = tpu.memref_slice %arg10[%dma_wait3A_1122, %dma_wait3A_1123] : memref<32x512xf32, #tpu.memory_space<vmem>> -> memref<1x512xf32, #tpu.memory_space<vmem>>
    %dma_wait3A_1125 = tpu.memref_squeeze %dma_wait3A_1124 : memref<1x512xf32, #tpu.memory_space<vmem>> -> memref<512xf32, #tpu.memory_space<vmem>>
    %dma_wait3A_1126 = arith.constant 0 : i32
    %dma_wait3A_1127 = tpu.memref_slice %arg4[%dma_wait3A_1121, %dma_wait3A_1126] : memref<32x100000xf32, #tpu.memory_space<hbm>> -> memref<1x100000xf32, #tpu.memory_space<hbm>>
    %dma_wait3A_1128 = tpu.memref_squeeze %dma_wait3A_1127 : memref<1x100000xf32, #tpu.memory_space<hbm>> -> memref<100000xf32, #tpu.memory_space<hbm>>
    %dma_wait3A_1129 = arith.constant 0 : i32
    %dma_wait3A_1130 = tpu.memref_slice %dma_wait3A_1128[%dma_wait3A_1129] : memref<100000xf32, #tpu.memory_space<hbm>> -> memref<100000xf32, #tpu.memory_space<hbm>>
    tpu.wait_indirect_dma semaphore(%arg12 : memref<!tpu.dma_semaphore, #tpu.memory_space<semaphore_mem>>) src(%dma_wait3A_1130 : memref<100000xf32, #tpu.memory_space<hbm>>) dst(%dma_wait3A_1125 : memref<512xf32, #tpu.memory_space<vmem>>)
    %dma_wait3A_1131 = arith.constant 24 : i32
    %dma_wait3A_1132 = arith.constant 24 : i32
    %dma_wait3A_1133 = arith.constant 0 : i32
    %dma_wait3A_1134 = tpu.memref_slice %arg11[%dma_wait3A_1132, %dma_wait3A_1133] : memref<32x512xf32, #tpu.memory_space<vmem>> -> memref<1x512xf32, #tpu.memory_space<vmem>>
    %dma_wait3A_1135 = tpu.memref_squeeze %dma_wait3A_1134 : memref<1x512xf32, #tpu.memory_space<vmem>> -> memref<512xf32, #tpu.memory_space<vmem>>
    %dma_wait3A_1136 = arith.constant 0 : i32
    %dma_wait3A_1137 = tpu.memref_slice %arg5[%dma_wait3A_1131, %dma_wait3A_1136] : memref<32x1000000xf32, #tpu.memory_space<hbm>> -> memref<1x1000000xf32, #tpu.memory_space<hbm>>
    %dma_wait3A_1138 = tpu.memref_squeeze %dma_wait3A_1137 : memref<1x1000000xf32, #tpu.memory_space<hbm>> -> memref<1000000xf32, #tpu.memory_space<hbm>>
    %dma_wait3A_1139 = arith.constant 0 : i32
    %dma_wait3A_1140 = tpu.memref_slice %dma_wait3A_1138[%dma_wait3A_1139] : memref<1000000xf32, #tpu.memory_space<hbm>> -> memref<1000000xf32, #tpu.memory_space<hbm>>
    tpu.wait_indirect_dma semaphore(%arg12 : memref<!tpu.dma_semaphore, #tpu.memory_space<semaphore_mem>>) src(%dma_wait3A_1140 : memref<1000000xf32, #tpu.memory_space<hbm>>) dst(%dma_wait3A_1135 : memref<512xf32, #tpu.memory_space<vmem>>)
    %dma_wait3A_1141 = arith.constant 25 : i32
    %dma_wait3A_1142 = arith.constant 25 : i32
    %dma_wait3A_1143 = arith.constant 0 : i32
    %dma_wait3A_1144 = tpu.memref_slice %arg10[%dma_wait3A_1142, %dma_wait3A_1143] : memref<32x512xf32, #tpu.memory_space<vmem>> -> memref<1x512xf32, #tpu.memory_space<vmem>>
    %dma_wait3A_1145 = tpu.memref_squeeze %dma_wait3A_1144 : memref<1x512xf32, #tpu.memory_space<vmem>> -> memref<512xf32, #tpu.memory_space<vmem>>
    %dma_wait3A_1146 = arith.constant 0 : i32
    %dma_wait3A_1147 = tpu.memref_slice %arg4[%dma_wait3A_1141, %dma_wait3A_1146] : memref<32x100000xf32, #tpu.memory_space<hbm>> -> memref<1x100000xf32, #tpu.memory_space<hbm>>
    %dma_wait3A_1148 = tpu.memref_squeeze %dma_wait3A_1147 : memref<1x100000xf32, #tpu.memory_space<hbm>> -> memref<100000xf32, #tpu.memory_space<hbm>>
    %dma_wait3A_1149 = arith.constant 0 : i32
    %dma_wait3A_1150 = tpu.memref_slice %dma_wait3A_1148[%dma_wait3A_1149] : memref<100000xf32, #tpu.memory_space<hbm>> -> memref<100000xf32, #tpu.memory_space<hbm>>
    tpu.wait_indirect_dma semaphore(%arg12 : memref<!tpu.dma_semaphore, #tpu.memory_space<semaphore_mem>>) src(%dma_wait3A_1150 : memref<100000xf32, #tpu.memory_space<hbm>>) dst(%dma_wait3A_1145 : memref<512xf32, #tpu.memory_space<vmem>>)
    %dma_wait3A_1151 = arith.constant 25 : i32
    %dma_wait3A_1152 = arith.constant 25 : i32
    %dma_wait3A_1153 = arith.constant 0 : i32
    %dma_wait3A_1154 = tpu.memref_slice %arg11[%dma_wait3A_1152, %dma_wait3A_1153] : memref<32x512xf32, #tpu.memory_space<vmem>> -> memref<1x512xf32, #tpu.memory_space<vmem>>
    %dma_wait3A_1155 = tpu.memref_squeeze %dma_wait3A_1154 : memref<1x512xf32, #tpu.memory_space<vmem>> -> memref<512xf32, #tpu.memory_space<vmem>>
    %dma_wait3A_1156 = arith.constant 0 : i32
    %dma_wait3A_1157 = tpu.memref_slice %arg5[%dma_wait3A_1151, %dma_wait3A_1156] : memref<32x1000000xf32, #tpu.memory_space<hbm>> -> memref<1x1000000xf32, #tpu.memory_space<hbm>>
    %dma_wait3A_1158 = tpu.memref_squeeze %dma_wait3A_1157 : memref<1x1000000xf32, #tpu.memory_space<hbm>> -> memref<1000000xf32, #tpu.memory_space<hbm>>
    %dma_wait3A_1159 = arith.constant 0 : i32
    %dma_wait3A_1160 = tpu.memref_slice %dma_wait3A_1158[%dma_wait3A_1159] : memref<1000000xf32, #tpu.memory_space<hbm>> -> memref<1000000xf32, #tpu.memory_space<hbm>>
    tpu.wait_indirect_dma semaphore(%arg12 : memref<!tpu.dma_semaphore, #tpu.memory_space<semaphore_mem>>) src(%dma_wait3A_1160 : memref<1000000xf32, #tpu.memory_space<hbm>>) dst(%dma_wait3A_1155 : memref<512xf32, #tpu.memory_space<vmem>>)
    %dma_wait3A_1161 = arith.constant 26 : i32
    %dma_wait3A_1162 = arith.constant 26 : i32
    %dma_wait3A_1163 = arith.constant 0 : i32
    %dma_wait3A_1164 = tpu.memref_slice %arg10[%dma_wait3A_1162, %dma_wait3A_1163] : memref<32x512xf32, #tpu.memory_space<vmem>> -> memref<1x512xf32, #tpu.memory_space<vmem>>
    %dma_wait3A_1165 = tpu.memref_squeeze %dma_wait3A_1164 : memref<1x512xf32, #tpu.memory_space<vmem>> -> memref<512xf32, #tpu.memory_space<vmem>>
    %dma_wait3A_1166 = arith.constant 0 : i32
    %dma_wait3A_1167 = tpu.memref_slice %arg4[%dma_wait3A_1161, %dma_wait3A_1166] : memref<32x100000xf32, #tpu.memory_space<hbm>> -> memref<1x100000xf32, #tpu.memory_space<hbm>>
    %dma_wait3A_1168 = tpu.memref_squeeze %dma_wait3A_1167 : memref<1x100000xf32, #tpu.memory_space<hbm>> -> memref<100000xf32, #tpu.memory_space<hbm>>
    %dma_wait3A_1169 = arith.constant 0 : i32
    %dma_wait3A_1170 = tpu.memref_slice %dma_wait3A_1168[%dma_wait3A_1169] : memref<100000xf32, #tpu.memory_space<hbm>> -> memref<100000xf32, #tpu.memory_space<hbm>>
    tpu.wait_indirect_dma semaphore(%arg12 : memref<!tpu.dma_semaphore, #tpu.memory_space<semaphore_mem>>) src(%dma_wait3A_1170 : memref<100000xf32, #tpu.memory_space<hbm>>) dst(%dma_wait3A_1165 : memref<512xf32, #tpu.memory_space<vmem>>)
    %dma_wait3A_1171 = arith.constant 26 : i32
    %dma_wait3A_1172 = arith.constant 26 : i32
    %dma_wait3A_1173 = arith.constant 0 : i32
    %dma_wait3A_1174 = tpu.memref_slice %arg11[%dma_wait3A_1172, %dma_wait3A_1173] : memref<32x512xf32, #tpu.memory_space<vmem>> -> memref<1x512xf32, #tpu.memory_space<vmem>>
    %dma_wait3A_1175 = tpu.memref_squeeze %dma_wait3A_1174 : memref<1x512xf32, #tpu.memory_space<vmem>> -> memref<512xf32, #tpu.memory_space<vmem>>
    %dma_wait3A_1176 = arith.constant 0 : i32
    %dma_wait3A_1177 = tpu.memref_slice %arg5[%dma_wait3A_1171, %dma_wait3A_1176] : memref<32x1000000xf32, #tpu.memory_space<hbm>> -> memref<1x1000000xf32, #tpu.memory_space<hbm>>
    %dma_wait3A_1178 = tpu.memref_squeeze %dma_wait3A_1177 : memref<1x1000000xf32, #tpu.memory_space<hbm>> -> memref<1000000xf32, #tpu.memory_space<hbm>>
    %dma_wait3A_1179 = arith.constant 0 : i32
    %dma_wait3A_1180 = tpu.memref_slice %dma_wait3A_1178[%dma_wait3A_1179] : memref<1000000xf32, #tpu.memory_space<hbm>> -> memref<1000000xf32, #tpu.memory_space<hbm>>
    tpu.wait_indirect_dma semaphore(%arg12 : memref<!tpu.dma_semaphore, #tpu.memory_space<semaphore_mem>>) src(%dma_wait3A_1180 : memref<1000000xf32, #tpu.memory_space<hbm>>) dst(%dma_wait3A_1175 : memref<512xf32, #tpu.memory_space<vmem>>)
    %dma_wait3A_1181 = arith.constant 27 : i32
    %dma_wait3A_1182 = arith.constant 27 : i32
    %dma_wait3A_1183 = arith.constant 0 : i32
    %dma_wait3A_1184 = tpu.memref_slice %arg10[%dma_wait3A_1182, %dma_wait3A_1183] : memref<32x512xf32, #tpu.memory_space<vmem>> -> memref<1x512xf32, #tpu.memory_space<vmem>>
    %dma_wait3A_1185 = tpu.memref_squeeze %dma_wait3A_1184 : memref<1x512xf32, #tpu.memory_space<vmem>> -> memref<512xf32, #tpu.memory_space<vmem>>
    %dma_wait3A_1186 = arith.constant 0 : i32
    %dma_wait3A_1187 = tpu.memref_slice %arg4[%dma_wait3A_1181, %dma_wait3A_1186] : memref<32x100000xf32, #tpu.memory_space<hbm>> -> memref<1x100000xf32, #tpu.memory_space<hbm>>
    %dma_wait3A_1188 = tpu.memref_squeeze %dma_wait3A_1187 : memref<1x100000xf32, #tpu.memory_space<hbm>> -> memref<100000xf32, #tpu.memory_space<hbm>>
    %dma_wait3A_1189 = arith.constant 0 : i32
    %dma_wait3A_1190 = tpu.memref_slice %dma_wait3A_1188[%dma_wait3A_1189] : memref<100000xf32, #tpu.memory_space<hbm>> -> memref<100000xf32, #tpu.memory_space<hbm>>
    tpu.wait_indirect_dma semaphore(%arg12 : memref<!tpu.dma_semaphore, #tpu.memory_space<semaphore_mem>>) src(%dma_wait3A_1190 : memref<100000xf32, #tpu.memory_space<hbm>>) dst(%dma_wait3A_1185 : memref<512xf32, #tpu.memory_space<vmem>>)
    %dma_wait3A_1191 = arith.constant 27 : i32
    %dma_wait3A_1192 = arith.constant 27 : i32
    %dma_wait3A_1193 = arith.constant 0 : i32
    %dma_wait3A_1194 = tpu.memref_slice %arg11[%dma_wait3A_1192, %dma_wait3A_1193] : memref<32x512xf32, #tpu.memory_space<vmem>> -> memref<1x512xf32, #tpu.memory_space<vmem>>
    %dma_wait3A_1195 = tpu.memref_squeeze %dma_wait3A_1194 : memref<1x512xf32, #tpu.memory_space<vmem>> -> memref<512xf32, #tpu.memory_space<vmem>>
    %dma_wait3A_1196 = arith.constant 0 : i32
    %dma_wait3A_1197 = tpu.memref_slice %arg5[%dma_wait3A_1191, %dma_wait3A_1196] : memref<32x1000000xf32, #tpu.memory_space<hbm>> -> memref<1x1000000xf32, #tpu.memory_space<hbm>>
    %dma_wait3A_1198 = tpu.memref_squeeze %dma_wait3A_1197 : memref<1x1000000xf32, #tpu.memory_space<hbm>> -> memref<1000000xf32, #tpu.memory_space<hbm>>
    %dma_wait3A_1199 = arith.constant 0 : i32
    %dma_wait3A_1200 = tpu.memref_slice %dma_wait3A_1198[%dma_wait3A_1199] : memref<1000000xf32, #tpu.memory_space<hbm>> -> memref<1000000xf32, #tpu.memory_space<hbm>>
    tpu.wait_indirect_dma semaphore(%arg12 : memref<!tpu.dma_semaphore, #tpu.memory_space<semaphore_mem>>) src(%dma_wait3A_1200 : memref<1000000xf32, #tpu.memory_space<hbm>>) dst(%dma_wait3A_1195 : memref<512xf32, #tpu.memory_space<vmem>>)
    %dma_wait3A_1201 = arith.constant 28 : i32
    %dma_wait3A_1202 = arith.constant 28 : i32
    %dma_wait3A_1203 = arith.constant 0 : i32
    %dma_wait3A_1204 = tpu.memref_slice %arg10[%dma_wait3A_1202, %dma_wait3A_1203] : memref<32x512xf32, #tpu.memory_space<vmem>> -> memref<1x512xf32, #tpu.memory_space<vmem>>
    %dma_wait3A_1205 = tpu.memref_squeeze %dma_wait3A_1204 : memref<1x512xf32, #tpu.memory_space<vmem>> -> memref<512xf32, #tpu.memory_space<vmem>>
    %dma_wait3A_1206 = arith.constant 0 : i32
    %dma_wait3A_1207 = tpu.memref_slice %arg4[%dma_wait3A_1201, %dma_wait3A_1206] : memref<32x100000xf32, #tpu.memory_space<hbm>> -> memref<1x100000xf32, #tpu.memory_space<hbm>>
    %dma_wait3A_1208 = tpu.memref_squeeze %dma_wait3A_1207 : memref<1x100000xf32, #tpu.memory_space<hbm>> -> memref<100000xf32, #tpu.memory_space<hbm>>
    %dma_wait3A_1209 = arith.constant 0 : i32
    %dma_wait3A_1210 = tpu.memref_slice %dma_wait3A_1208[%dma_wait3A_1209] : memref<100000xf32, #tpu.memory_space<hbm>> -> memref<100000xf32, #tpu.memory_space<hbm>>
    tpu.wait_indirect_dma semaphore(%arg12 : memref<!tpu.dma_semaphore, #tpu.memory_space<semaphore_mem>>) src(%dma_wait3A_1210 : memref<100000xf32, #tpu.memory_space<hbm>>) dst(%dma_wait3A_1205 : memref<512xf32, #tpu.memory_space<vmem>>)
    %dma_wait3A_1211 = arith.constant 28 : i32
    %dma_wait3A_1212 = arith.constant 28 : i32
    %dma_wait3A_1213 = arith.constant 0 : i32
    %dma_wait3A_1214 = tpu.memref_slice %arg11[%dma_wait3A_1212, %dma_wait3A_1213] : memref<32x512xf32, #tpu.memory_space<vmem>> -> memref<1x512xf32, #tpu.memory_space<vmem>>
    %dma_wait3A_1215 = tpu.memref_squeeze %dma_wait3A_1214 : memref<1x512xf32, #tpu.memory_space<vmem>> -> memref<512xf32, #tpu.memory_space<vmem>>
    %dma_wait3A_1216 = arith.constant 0 : i32
    %dma_wait3A_1217 = tpu.memref_slice %arg5[%dma_wait3A_1211, %dma_wait3A_1216] : memref<32x1000000xf32, #tpu.memory_space<hbm>> -> memref<1x1000000xf32, #tpu.memory_space<hbm>>
    %dma_wait3A_1218 = tpu.memref_squeeze %dma_wait3A_1217 : memref<1x1000000xf32, #tpu.memory_space<hbm>> -> memref<1000000xf32, #tpu.memory_space<hbm>>
    %dma_wait3A_1219 = arith.constant 0 : i32
    %dma_wait3A_1220 = tpu.memref_slice %dma_wait3A_1218[%dma_wait3A_1219] : memref<1000000xf32, #tpu.memory_space<hbm>> -> memref<1000000xf32, #tpu.memory_space<hbm>>
    tpu.wait_indirect_dma semaphore(%arg12 : memref<!tpu.dma_semaphore, #tpu.memory_space<semaphore_mem>>) src(%dma_wait3A_1220 : memref<1000000xf32, #tpu.memory_space<hbm>>) dst(%dma_wait3A_1215 : memref<512xf32, #tpu.memory_space<vmem>>)
    %dma_wait3A_1221 = arith.constant 29 : i32
    %dma_wait3A_1222 = arith.constant 29 : i32
    %dma_wait3A_1223 = arith.constant 0 : i32
    %dma_wait3A_1224 = tpu.memref_slice %arg10[%dma_wait3A_1222, %dma_wait3A_1223] : memref<32x512xf32, #tpu.memory_space<vmem>> -> memref<1x512xf32, #tpu.memory_space<vmem>>
    %dma_wait3A_1225 = tpu.memref_squeeze %dma_wait3A_1224 : memref<1x512xf32, #tpu.memory_space<vmem>> -> memref<512xf32, #tpu.memory_space<vmem>>
    %dma_wait3A_1226 = arith.constant 0 : i32
    %dma_wait3A_1227 = tpu.memref_slice %arg4[%dma_wait3A_1221, %dma_wait3A_1226] : memref<32x100000xf32, #tpu.memory_space<hbm>> -> memref<1x100000xf32, #tpu.memory_space<hbm>>
    %dma_wait3A_1228 = tpu.memref_squeeze %dma_wait3A_1227 : memref<1x100000xf32, #tpu.memory_space<hbm>> -> memref<100000xf32, #tpu.memory_space<hbm>>
    %dma_wait3A_1229 = arith.constant 0 : i32
    %dma_wait3A_1230 = tpu.memref_slice %dma_wait3A_1228[%dma_wait3A_1229] : memref<100000xf32, #tpu.memory_space<hbm>> -> memref<100000xf32, #tpu.memory_space<hbm>>
    tpu.wait_indirect_dma semaphore(%arg12 : memref<!tpu.dma_semaphore, #tpu.memory_space<semaphore_mem>>) src(%dma_wait3A_1230 : memref<100000xf32, #tpu.memory_space<hbm>>) dst(%dma_wait3A_1225 : memref<512xf32, #tpu.memory_space<vmem>>)
    %dma_wait3A_1231 = arith.constant 29 : i32
    %dma_wait3A_1232 = arith.constant 29 : i32
    %dma_wait3A_1233 = arith.constant 0 : i32
    %dma_wait3A_1234 = tpu.memref_slice %arg11[%dma_wait3A_1232, %dma_wait3A_1233] : memref<32x512xf32, #tpu.memory_space<vmem>> -> memref<1x512xf32, #tpu.memory_space<vmem>>
    %dma_wait3A_1235 = tpu.memref_squeeze %dma_wait3A_1234 : memref<1x512xf32, #tpu.memory_space<vmem>> -> memref<512xf32, #tpu.memory_space<vmem>>
    %dma_wait3A_1236 = arith.constant 0 : i32
    %dma_wait3A_1237 = tpu.memref_slice %arg5[%dma_wait3A_1231, %dma_wait3A_1236] : memref<32x1000000xf32, #tpu.memory_space<hbm>> -> memref<1x1000000xf32, #tpu.memory_space<hbm>>
    %dma_wait3A_1238 = tpu.memref_squeeze %dma_wait3A_1237 : memref<1x1000000xf32, #tpu.memory_space<hbm>> -> memref<1000000xf32, #tpu.memory_space<hbm>>
    %dma_wait3A_1239 = arith.constant 0 : i32
    %dma_wait3A_1240 = tpu.memref_slice %dma_wait3A_1238[%dma_wait3A_1239] : memref<1000000xf32, #tpu.memory_space<hbm>> -> memref<1000000xf32, #tpu.memory_space<hbm>>
    tpu.wait_indirect_dma semaphore(%arg12 : memref<!tpu.dma_semaphore, #tpu.memory_space<semaphore_mem>>) src(%dma_wait3A_1240 : memref<1000000xf32, #tpu.memory_space<hbm>>) dst(%dma_wait3A_1235 : memref<512xf32, #tpu.memory_space<vmem>>)
    %dma_wait3A_1241 = arith.constant 30 : i32
    %dma_wait3A_1242 = arith.constant 30 : i32
    %dma_wait3A_1243 = arith.constant 0 : i32
    %dma_wait3A_1244 = tpu.memref_slice %arg10[%dma_wait3A_1242, %dma_wait3A_1243] : memref<32x512xf32, #tpu.memory_space<vmem>> -> memref<1x512xf32, #tpu.memory_space<vmem>>
    %dma_wait3A_1245 = tpu.memref_squeeze %dma_wait3A_1244 : memref<1x512xf32, #tpu.memory_space<vmem>> -> memref<512xf32, #tpu.memory_space<vmem>>
    %dma_wait3A_1246 = arith.constant 0 : i32
    %dma_wait3A_1247 = tpu.memref_slice %arg4[%dma_wait3A_1241, %dma_wait3A_1246] : memref<32x100000xf32, #tpu.memory_space<hbm>> -> memref<1x100000xf32, #tpu.memory_space<hbm>>
    %dma_wait3A_1248 = tpu.memref_squeeze %dma_wait3A_1247 : memref<1x100000xf32, #tpu.memory_space<hbm>> -> memref<100000xf32, #tpu.memory_space<hbm>>
    %dma_wait3A_1249 = arith.constant 0 : i32
    %dma_wait3A_1250 = tpu.memref_slice %dma_wait3A_1248[%dma_wait3A_1249] : memref<100000xf32, #tpu.memory_space<hbm>> -> memref<100000xf32, #tpu.memory_space<hbm>>
    tpu.wait_indirect_dma semaphore(%arg12 : memref<!tpu.dma_semaphore, #tpu.memory_space<semaphore_mem>>) src(%dma_wait3A_1250 : memref<100000xf32, #tpu.memory_space<hbm>>) dst(%dma_wait3A_1245 : memref<512xf32, #tpu.memory_space<vmem>>)
    %dma_wait3A_1251 = arith.constant 30 : i32
    %dma_wait3A_1252 = arith.constant 30 : i32
    %dma_wait3A_1253 = arith.constant 0 : i32
    %dma_wait3A_1254 = tpu.memref_slice %arg11[%dma_wait3A_1252, %dma_wait3A_1253] : memref<32x512xf32, #tpu.memory_space<vmem>> -> memref<1x512xf32, #tpu.memory_space<vmem>>
    %dma_wait3A_1255 = tpu.memref_squeeze %dma_wait3A_1254 : memref<1x512xf32, #tpu.memory_space<vmem>> -> memref<512xf32, #tpu.memory_space<vmem>>
    %dma_wait3A_1256 = arith.constant 0 : i32
    %dma_wait3A_1257 = tpu.memref_slice %arg5[%dma_wait3A_1251, %dma_wait3A_1256] : memref<32x1000000xf32, #tpu.memory_space<hbm>> -> memref<1x1000000xf32, #tpu.memory_space<hbm>>
    %dma_wait3A_1258 = tpu.memref_squeeze %dma_wait3A_1257 : memref<1x1000000xf32, #tpu.memory_space<hbm>> -> memref<1000000xf32, #tpu.memory_space<hbm>>
    %dma_wait3A_1259 = arith.constant 0 : i32
    %dma_wait3A_1260 = tpu.memref_slice %dma_wait3A_1258[%dma_wait3A_1259] : memref<1000000xf32, #tpu.memory_space<hbm>> -> memref<1000000xf32, #tpu.memory_space<hbm>>
    tpu.wait_indirect_dma semaphore(%arg12 : memref<!tpu.dma_semaphore, #tpu.memory_space<semaphore_mem>>) src(%dma_wait3A_1260 : memref<1000000xf32, #tpu.memory_space<hbm>>) dst(%dma_wait3A_1255 : memref<512xf32, #tpu.memory_space<vmem>>)
    %dma_wait3A_1261 = arith.constant 31 : i32
    %dma_wait3A_1262 = arith.constant 31 : i32
    %dma_wait3A_1263 = arith.constant 0 : i32
    %dma_wait3A_1264 = tpu.memref_slice %arg10[%dma_wait3A_1262, %dma_wait3A_1263] : memref<32x512xf32, #tpu.memory_space<vmem>> -> memref<1x512xf32, #tpu.memory_space<vmem>>
    %dma_wait3A_1265 = tpu.memref_squeeze %dma_wait3A_1264 : memref<1x512xf32, #tpu.memory_space<vmem>> -> memref<512xf32, #tpu.memory_space<vmem>>
    %dma_wait3A_1266 = arith.constant 0 : i32
    %dma_wait3A_1267 = tpu.memref_slice %arg4[%dma_wait3A_1261, %dma_wait3A_1266] : memref<32x100000xf32, #tpu.memory_space<hbm>> -> memref<1x100000xf32, #tpu.memory_space<hbm>>
    %dma_wait3A_1268 = tpu.memref_squeeze %dma_wait3A_1267 : memref<1x100000xf32, #tpu.memory_space<hbm>> -> memref<100000xf32, #tpu.memory_space<hbm>>
    %dma_wait3A_1269 = arith.constant 0 : i32
    %dma_wait3A_1270 = tpu.memref_slice %dma_wait3A_1268[%dma_wait3A_1269] : memref<100000xf32, #tpu.memory_space<hbm>> -> memref<100000xf32, #tpu.memory_space<hbm>>
    tpu.wait_indirect_dma semaphore(%arg12 : memref<!tpu.dma_semaphore, #tpu.memory_space<semaphore_mem>>) src(%dma_wait3A_1270 : memref<100000xf32, #tpu.memory_space<hbm>>) dst(%dma_wait3A_1265 : memref<512xf32, #tpu.memory_space<vmem>>)
    %dma_wait3A_1271 = arith.constant 31 : i32
    %dma_wait3A_1272 = arith.constant 31 : i32
    %dma_wait3A_1273 = arith.constant 0 : i32
    %dma_wait3A_1274 = tpu.memref_slice %arg11[%dma_wait3A_1272, %dma_wait3A_1273] : memref<32x512xf32, #tpu.memory_space<vmem>> -> memref<1x512xf32, #tpu.memory_space<vmem>>
    %dma_wait3A_1275 = tpu.memref_squeeze %dma_wait3A_1274 : memref<1x512xf32, #tpu.memory_space<vmem>> -> memref<512xf32, #tpu.memory_space<vmem>>
    %dma_wait3A_1276 = arith.constant 0 : i32
    %dma_wait3A_1277 = tpu.memref_slice %arg5[%dma_wait3A_1271, %dma_wait3A_1276] : memref<32x1000000xf32, #tpu.memory_space<hbm>> -> memref<1x1000000xf32, #tpu.memory_space<hbm>>
    %dma_wait3A_1278 = tpu.memref_squeeze %dma_wait3A_1277 : memref<1x1000000xf32, #tpu.memory_space<hbm>> -> memref<1000000xf32, #tpu.memory_space<hbm>>
    %dma_wait3A_1279 = arith.constant 0 : i32
    %dma_wait3A_1280 = tpu.memref_slice %dma_wait3A_1278[%dma_wait3A_1279] : memref<1000000xf32, #tpu.memory_space<hbm>> -> memref<1000000xf32, #tpu.memory_space<hbm>>
    tpu.wait_indirect_dma semaphore(%arg12 : memref<!tpu.dma_semaphore, #tpu.memory_space<semaphore_mem>>) src(%dma_wait3A_1280 : memref<1000000xf32, #tpu.memory_space<hbm>>) dst(%dma_wait3A_1275 : memref<512xf32, #tpu.memory_space<vmem>>)
    "tpu.region"() ({
      %run_scoped3A = tpu.sem_alloc : memref<!tpu.dma_semaphore, #tpu.memory_space<semaphore_mem>>
      %dma_start3A_1281 = arith.constant 0 : i32
      %dma_start3A_1282 = tpu.memref_slice %arg6[%dma_start3A_1281, %mul3A_2] : memref<32x16384xf32, #tpu.memory_space<hbm>> -> memref<32x512xf32, #tpu.memory_space<hbm>>
      %dma_start3A_1283 = arith.constant 0 : i32
      %dma_start3A_1284 = tpu.memref_slice %arg6[%dma_start3A_1283, %mul3A_2] : memref<32x16384xf32, #tpu.memory_space<hbm>> -> memref<32x512xf32, #tpu.memory_space<hbm>>
      tpu.enqueue_dma source(%arg10 : memref<32x512xf32, #tpu.memory_space<vmem>>) target(%dma_start3A_1284 : memref<32x512xf32, #tpu.memory_space<hbm>>) target_semaphore(%run_scoped3A : memref<!tpu.dma_semaphore, #tpu.memory_space<semaphore_mem>>)
      %dma_wait3A_1285 = arith.constant 0 : i32
      %dma_wait3A_1286 = tpu.memref_slice %arg6[%dma_wait3A_1285, %mul3A_2] : memref<32x16384xf32, #tpu.memory_space<hbm>> -> memref<32x512xf32, #tpu.memory_space<hbm>>
      %dma_wait3A_1287 = arith.constant 0 : i32
      %dma_wait3A_1288 = tpu.memref_slice %arg6[%dma_wait3A_1287, %mul3A_2] : memref<32x16384xf32, #tpu.memory_space<hbm>> -> memref<32x512xf32, #tpu.memory_space<hbm>>
      tpu.wait_dma2 semaphore(%run_scoped3A : memref<!tpu.dma_semaphore, #tpu.memory_space<semaphore_mem>>) src(%arg10 : memref<32x512xf32, #tpu.memory_space<vmem>>) dst(%dma_wait3A_1288 : memref<32x512xf32, #tpu.memory_space<hbm>>)
      tpu.yield
    }) : () -> ()
    "tpu.region"() ({
      %run_scoped3A = tpu.sem_alloc : memref<!tpu.dma_semaphore, #tpu.memory_space<semaphore_mem>>
      %dma_start3A_1281 = arith.constant 0 : i32
      %dma_start3A_1282 = tpu.memref_slice %arg7[%dma_start3A_1281, %mul3A_2] : memref<32x16384xf32, #tpu.memory_space<hbm>> -> memref<32x512xf32, #tpu.memory_space<hbm>>
      %dma_start3A_1283 = arith.constant 0 : i32
      %dma_start3A_1284 = tpu.memref_slice %arg7[%dma_start3A_1283, %mul3A_2] : memref<32x16384xf32, #tpu.memory_space<hbm>> -> memref<32x512xf32, #tpu.memory_space<hbm>>
      tpu.enqueue_dma source(%arg11 : memref<32x512xf32, #tpu.memory_space<vmem>>) target(%dma_start3A_1284 : memref<32x512xf32, #tpu.memory_space<hbm>>) target_semaphore(%run_scoped3A : memref<!tpu.dma_semaphore, #tpu.memory_space<semaphore_mem>>)
      %dma_wait3A_1285 = arith.constant 0 : i32
      %dma_wait3A_1286 = tpu.memref_slice %arg7[%dma_wait3A_1285, %mul3A_2] : memref<32x16384xf32, #tpu.memory_space<hbm>> -> memref<32x512xf32, #tpu.memory_space<hbm>>
      %dma_wait3A_1287 = arith.constant 0 : i32
      %dma_wait3A_1288 = tpu.memref_slice %arg7[%dma_wait3A_1287, %mul3A_2] : memref<32x16384xf32, #tpu.memory_space<hbm>> -> memref<32x512xf32, #tpu.memory_space<hbm>>
      tpu.wait_dma2 semaphore(%run_scoped3A : memref<!tpu.dma_semaphore, #tpu.memory_space<semaphore_mem>>) src(%arg11 : memref<32x512xf32, #tpu.memory_space<vmem>>) dst(%dma_wait3A_1288 : memref<32x512xf32, #tpu.memory_space<hbm>>)
      tpu.yield
    }) : () -> ()
    return
  }
}

module attributes {stable_mosaic.version = 14 : i64} {
  func.func @_tc_dense_body(%arg0: i32, %arg1: memref<32x2048xf32, #tpu.memory_space<vmem>>, %arg2: memref<32x2048xf32, #tpu.memory_space<vmem>>, %arg3: memref<1x64xf32, #tpu.memory_space<vmem>>, %arg4: memref<128x32xf32, #tpu.memory_space<vmem>>, %arg5: memref<128xf32, #tpu.memory_space<vmem>>, %arg6: memref<64x128xf32, #tpu.memory_space<vmem>>, %arg7: memref<64xf32, #tpu.memory_space<vmem>>, %arg8: memref<1x64xf32, #tpu.memory_space<vmem>>, %arg9: memref<1xf32, #tpu.memory_space<vmem>>, %arg10: memref<2048xf32, #tpu.memory_space<vmem>>) attributes {dimension_semantics = [#tpu.dimension_semantics<arbitrary>], iteration_bounds = array<i64: 8>, scalar_prefetch = 0 : i64, scratch_operands = 0 : i64, tpu.core_type = #tpu.core_type<tc>, window_params = [{transform_indices = @transform_0, window_bounds = array<i64: 32, 2048>}, {transform_indices = @transform_1, window_bounds = array<i64: 32, 2048>}, {pipeline_mode = #tpu.pipeline_mode<synchronous>, transform_indices = @transform_2, window_bounds = array<i64: 1, 64>}, {pipeline_mode = #tpu.pipeline_mode<synchronous>, transform_indices = @transform_3, window_bounds = array<i64: 128, 32>}, {pipeline_mode = #tpu.pipeline_mode<synchronous>, transform_indices = @transform_4, window_bounds = array<i64: 128>}, {pipeline_mode = #tpu.pipeline_mode<synchronous>, transform_indices = @transform_5, window_bounds = array<i64: 64, 128>}, {pipeline_mode = #tpu.pipeline_mode<synchronous>, transform_indices = @transform_6, window_bounds = array<i64: 64>}, {pipeline_mode = #tpu.pipeline_mode<synchronous>, transform_indices = @transform_7, window_bounds = array<i64: 1, 64>}, {pipeline_mode = #tpu.pipeline_mode<synchronous>, transform_indices = @transform_8, window_bounds = array<i64: 1>}, {transform_indices = @transform_9, window_bounds = array<i64: 2048>}]} {
    %get3A = arith.constant 0 : index
    %get3A_0 = arith.constant 0 : index
    %get3A_1 = vector.load %arg1[%get3A, %get3A_0] : memref<32x2048xf32, #tpu.memory_space<vmem>>, vector<32x2048xf32>
    %get3A_2 = arith.constant 0 : index
    %get3A_3 = arith.constant 0 : index
    %get3A_4 = vector.load %arg2[%get3A_2, %get3A_3] : memref<32x2048xf32, #tpu.memory_space<vmem>>, vector<32x2048xf32>
    %mul3A = arith.mulf %get3A_1, %get3A_4 : vector<32x2048xf32>
    %get3A_5 = arith.constant 0 : index
    %get3A_6 = arith.constant 0 : index
    %get3A_7 = vector.load %arg3[%get3A_5, %get3A_6] : memref<1x64xf32, #tpu.memory_space<vmem>>, vector<1x32xf32>
    %get3A_8 = arith.constant 0 : index
    %get3A_9 = arith.constant 32 : index
    %get3A_10 = vector.load %arg3[%get3A_8, %get3A_9] : memref<1x64xf32, #tpu.memory_space<vmem>>, vector<1x32xf32>
    %dot_general3A = arith.constant dense<0.000000e+00> : vector<1x2048xf32>
    %dot_general3A_11 = tpu.matmul %get3A_7, %get3A_1, %dot_general3A {dimension_numbers = #tpu.dot_dimension_numbers<[1], [0], [0], [1], [0, 0, 1, 1], [], []>, transpose_lhs_hint = false} : vector<1x32xf32>, vector<32x2048xf32>, vector<1x2048xf32> -> vector<1x2048xf32>
    %dot_general3A_12 = arith.constant dense<0.000000e+00> : vector<1x2048xf32>
    %dot_general3A_13 = tpu.matmul %get3A_10, %get3A_4, %dot_general3A_12 {dimension_numbers = #tpu.dot_dimension_numbers<[1], [0], [0], [1], [0, 0, 1, 1], [], []>, transpose_lhs_hint = false} : vector<1x32xf32>, vector<32x2048xf32>, vector<1x2048xf32> -> vector<1x2048xf32>
    %add3A = arith.addf %dot_general3A_11, %dot_general3A_13 : vector<1x2048xf32>
    %get3A_14 = arith.constant 0 : index
    %get3A_15 = arith.constant 0 : index
    %get3A_16 = vector.load %arg4[%get3A_14, %get3A_15] : memref<128x32xf32, #tpu.memory_space<vmem>>, vector<128x32xf32>
    %dot_general3A_17 = arith.constant dense<0.000000e+00> : vector<128x2048xf32>
    %dot_general3A_18 = tpu.matmul %get3A_16, %mul3A, %dot_general3A_17 {dimension_numbers = #tpu.dot_dimension_numbers<[1], [0], [0], [1], [0, 0, 1, 1], [], []>, transpose_lhs_hint = false} : vector<128x32xf32>, vector<32x2048xf32>, vector<128x2048xf32> -> vector<128x2048xf32>
    %get3A_19 = arith.constant 0 : index
    %get3A_20 = vector.load %arg5[%get3A_19] : memref<128xf32, #tpu.memory_space<vmem>>, vector<128xf32>
    %reshape3A = vector.shape_cast %get3A_20 : vector<128xf32> to vector<128x1xf32>
    %add3A_21 = vector.broadcast %reshape3A : vector<128x1xf32> to vector<128x2048xf32>
    %add3A_22 = arith.addf %dot_general3A_18, %add3A_21 : vector<128x2048xf32>
    %max3A = arith.constant 0.000000e+00 : f32
    %max3A_23 = vector.broadcast %max3A : f32 to vector<128x2048xf32>
    %max3A_24 = arith.maximumf %add3A_22, %max3A_23 : vector<128x2048xf32>
    %get3A_25 = arith.constant 0 : index
    %get3A_26 = arith.constant 0 : index
    %get3A_27 = vector.load %arg6[%get3A_25, %get3A_26] : memref<64x128xf32, #tpu.memory_space<vmem>>, vector<64x128xf32>
    %dot_general3A_28 = arith.constant dense<0.000000e+00> : vector<64x2048xf32>
    %dot_general3A_29 = tpu.matmul %get3A_27, %max3A_24, %dot_general3A_28 {dimension_numbers = #tpu.dot_dimension_numbers<[1], [0], [0], [1], [0, 0, 1, 1], [], []>, transpose_lhs_hint = false} : vector<64x128xf32>, vector<128x2048xf32>, vector<64x2048xf32> -> vector<64x2048xf32>
    %get3A_30 = arith.constant 0 : index
    %get3A_31 = vector.load %arg7[%get3A_30] : memref<64xf32, #tpu.memory_space<vmem>>, vector<64xf32>
    %reshape3A_32 = vector.shape_cast %get3A_31 : vector<64xf32> to vector<64x1xf32>
    %add3A_33 = vector.broadcast %reshape3A_32 : vector<64x1xf32> to vector<64x2048xf32>
    %add3A_34 = arith.addf %dot_general3A_29, %add3A_33 : vector<64x2048xf32>
    %max3A_35 = arith.constant 0.000000e+00 : f32
    %max3A_36 = vector.broadcast %max3A_35 : f32 to vector<64x2048xf32>
    %max3A_37 = arith.maximumf %add3A_34, %max3A_36 : vector<64x2048xf32>
    %get3A_38 = arith.constant 0 : index
    %get3A_39 = arith.constant 0 : index
    %get3A_40 = vector.load %arg8[%get3A_38, %get3A_39] : memref<1x64xf32, #tpu.memory_space<vmem>>, vector<1x64xf32>
    %dot_general3A_41 = arith.constant dense<0.000000e+00> : vector<1x2048xf32>
    %dot_general3A_42 = tpu.matmul %get3A_40, %max3A_37, %dot_general3A_41 {dimension_numbers = #tpu.dot_dimension_numbers<[1], [0], [0], [1], [0, 0, 1, 1], [], []>, transpose_lhs_hint = false} : vector<1x64xf32>, vector<64x2048xf32>, vector<1x2048xf32> -> vector<1x2048xf32>
    %squeeze3A = vector.shape_cast %add3A : vector<1x2048xf32> to vector<2048xf32>
    %squeeze3A_43 = vector.shape_cast %dot_general3A_42 : vector<1x2048xf32> to vector<2048xf32>
    %add3A_44 = arith.addf %squeeze3A, %squeeze3A_43 : vector<2048xf32>
    %get3A_45 = arith.constant 0 : index
    %get3A_46 = vector.load %arg9[%get3A_45] : memref<1xf32, #tpu.memory_space<vmem>>, vector<1xf32>
    %get3A_47 = vector.extract %get3A_46[0] : f32 from vector<1xf32>
    %add3A_48 = vector.broadcast %get3A_47 : f32 to vector<2048xf32>
    %add3A_49 = arith.addf %add3A_44, %add3A_48 : vector<2048xf32>
    %neg3A = arith.constant 0.000000e+00 : f32
    %neg3A_50 = vector.broadcast %neg3A : f32 to vector<2048xf32>
    %neg3A_51 = arith.subf %neg3A_50, %add3A_49 : vector<2048xf32>
    %exp3A = math.exp %neg3A_51 : vector<2048xf32>
    %add3A_52 = arith.constant 1.000000e+00 : f32
    %add3A_53 = vector.broadcast %add3A_52 : f32 to vector<2048xf32>
    %add3A_54 = arith.addf %add3A_53, %exp3A : vector<2048xf32>
    %div3A = arith.constant 1.000000e+00 : f32
    %div3A_55 = vector.broadcast %div3A : f32 to vector<2048xf32>
    %div3A_56 = arith.divf %div3A_55, %add3A_54 : vector<2048xf32>
    %swap3A = arith.constant 0 : index
    %swap3A_57 = vector.load %arg10[%swap3A] : memref<2048xf32, #tpu.memory_space<vmem>>, vector<2048xf32>
    tpu.vector_store %arg10[%swap3A], %div3A_56 {strides = array<i32>} : memref<2048xf32, #tpu.memory_space<vmem>>, vector<2048xf32>,
    return
  }
  func.func @transform_0(%arg0: i32) -> (i32, i32) {
    %c0_i32 = arith.constant 0 : i32
    %c0_i32_0 = arith.constant 0 : i32
    return %c0_i32, %arg0 : i32, i32
  }
  func.func @transform_1(%arg0: i32) -> (i32, i32) {
    %c0_i32 = arith.constant 0 : i32
    %c0_i32_0 = arith.constant 0 : i32
    return %c0_i32, %arg0 : i32, i32
  }
  func.func @transform_2(%arg0: i32) -> (i32, i32) {
    %c0_i32 = arith.constant 0 : i32
    %c0_i32_0 = arith.constant 0 : i32
    %c0_i32_1 = arith.constant 0 : i32
    return %c0_i32, %c0_i32_0 : i32, i32
  }
  func.func @transform_3(%arg0: i32) -> (i32, i32) {
    %c0_i32 = arith.constant 0 : i32
    %c0_i32_0 = arith.constant 0 : i32
    %c0_i32_1 = arith.constant 0 : i32
    return %c0_i32, %c0_i32_0 : i32, i32
  }
  func.func @transform_4(%arg0: i32) -> i32 {
    %c0_i32 = arith.constant 0 : i32
    %c0_i32_0 = arith.constant 0 : i32
    return %c0_i32 : i32
  }
  func.func @transform_5(%arg0: i32) -> (i32, i32) {
    %c0_i32 = arith.constant 0 : i32
    %c0_i32_0 = arith.constant 0 : i32
    %c0_i32_1 = arith.constant 0 : i32
    return %c0_i32, %c0_i32_0 : i32, i32
  }
  func.func @transform_6(%arg0: i32) -> i32 {
    %c0_i32 = arith.constant 0 : i32
    %c0_i32_0 = arith.constant 0 : i32
    return %c0_i32 : i32
  }
  func.func @transform_7(%arg0: i32) -> (i32, i32) {
    %c0_i32 = arith.constant 0 : i32
    %c0_i32_0 = arith.constant 0 : i32
    %c0_i32_1 = arith.constant 0 : i32
    return %c0_i32, %c0_i32_0 : i32, i32
  }
  func.func @transform_8(%arg0: i32) -> i32 {
    %c0_i32 = arith.constant 0 : i32
    %c0_i32_0 = arith.constant 0 : i32
    return %c0_i32 : i32
  }
  func.func @transform_9(%arg0: i32) -> i32 {
    %c0_i32 = arith.constant 0 : i32
    return %arg0 : i32
  }
}

</mosaic_0001>

<sc_bundles>
// kernel: kernel.4.cloned.1.call-start
scs
__scs_entry_jumppad:
0x0: {  	(pc) =	sbr.rel $0x88, $3  }
0x1: {  	(tag) =	ssettag $0x0;
	lr =	simm.s32 $0x1  }
0x2: {  	[smem:$0x3F95] =	sst lr;
	_ =	strace $0xD0000000  }
0x3: {  	_ = 	snop  }
0x4: {  	_ = 	snop  }
0x5: {  	_ = 	snop  }
0x6: {  	_ = 	snop  }
0x7: {  	_ = 	snop  }
__scs_overlays_trampoline_lowered:
0x8: {  	[smem:$0x3FA4] =	sst s0  }
0x9: {  	[smem:$0x3FA5] =	sst s1  }
0xa: {  	[smem:$0x3FA6] =	sst s2  }
0xb: {  	[smem:$0x3FA7] =	sst s3  }
0xc: {  	[smem:$0x3FA8] =	sst s4  }
0xd: {  	[smem:$0x3FA9] =	sst s5  }
0xe: {  	[smem:$0x3FAA] =	sst s6  }
0xf: {  	[smem:$0x3FAB] =	sst s7  }
0x10: {  	[smem:$0x3FAC] =	sst s8  }
0x11: {  	[smem:$0x3FAD] =	sst s9;
	s0 =	simm.s32 @!p0 $0x0  }
0x12: {  	s1 =	sld [smem:$0x3F93];
	s0 =	simm.s32 @p0 $0x1  }
0x13: {  	[smem:$0x3FAE] =	sst s0;
	s0 =	simm.s32 @!p1 $0x0  }
0x14: {  	s2 =	sld [smem:$0x3F92];
	s0 =	simm.s32 @p1 $0x1  }
0x15: {  	[smem:$0x3FAF] =	sst s0;
	s0 =	simm.s32 @!p2 $0x0  }
0x16: {  	s3 =	sld [smem:$0x3FDB];
	s0 =	simm.s32 @p2 $0x1  }
0x17: {  	s4 =	simm.s32 $0x1BF5;
	[smem:$0x3FB1] =	sst s0  }
0x18: {  	s0 =	sld [smem:$0x3F94];
	_ =	swait.ge [sflag:s4], $0x0  }
0x19: {  	s7 =	sld [smem:$0x3F95]  }
0x1a: {  	s8 =	sadd.s32 $0xFFFFE003, lr  }
0x1b: {  	s9 =	sadd.s32 $0xFFFFFEF7, lr;
	s5 =	simm.s32 $0xFFFFFFFF;
	p2 =	slt.u32 s8, $0xFFFFF086  }
0x1c: {  	p1 =	slt.u32 s9, $0xF7A;
	s5 =	simm.s32 @!p2 $0x0  }
0x1d: {  	s5 =	simm.s32 @p1 $0x1;
	p0 =	seq.s32 s7, s2  }
0x1e: {  	s7 =	smul.u32 @!p0 $0xF7A, s2;
	p2 =	seq.s32 @!p0 s5, $0x0  }
0x1f: {  	s9 =	smul.u32 $0xF7A, s1;
	s8 =	simm.s32 @!p0 $0x1BF5;
	p2 =	por !p2, p0  }
0x20: {  	[sflag:s8] =	ssyncset.s32 @!p0 $0xFFFFF086;
	s6 =	sadd.s32 @!p0 s3, s7;
	s7 =	simm.s32 @!p0 $0x108  }
0x21: {  	s3 =	sadd.s32 s3, s9;
	s6 =	sadd.s32 @!p0 $0x88, s6;
	s7 =	simm.s32 @p2 $0x1082  }
0x22: {  	[simem:s7], [sflag:s8] =	dma.local @!p0 [hbm:s6], $0xF7A  }
0x23: {  	s9 =	sor.u32 $0xD0000000, s2;
	s6 =	simm.s32 $0x108;
	_ =	swait.ge @!p0 [sflag:s8], $0x0  }
0x24: {  	s3 =	sadd.s32 $0x88, s3;
	s6 =	simm.s32 @!p1 $0x1082;
	[sflag:s4] =	ssyncset.s32 $0xFFFFF086  }
0x25: {  	[simem:s6], [sflag:s4] =	dma.local [hbm:s3], $0xF7A  }
0x26: {  	[smem:$0x3F95] =	sst s1;
	(tag) =	ssettag s2;
	_ =	strace s9  }
0x27: {  	s1 =	sld [smem:$0x3FA5]  }
0x28: {  	s2 =	sld [smem:$0x3FA6]  }
0x29: {  	s4 =	sld [smem:$0x3FA8]  }
0x2a: {  	p0 =	seq.s32 s5, $0x0;
	s5 =	sld [smem:$0x3FA9]  }
0x2b: {  	s6 =	sld [smem:$0x3FAA]  }
0x2c: {  	s7 =	sld [smem:$0x3FAB]  }
0x2d: {  	s3 =	simm.s32 $0x108;
	s8 =	sld [smem:$0x3FAC]  }
0x2e: {  	s3 =	simm.s32 @!p0 $0x1082;
	s9 =	sld [smem:$0x3FAD]  }
0x2f: {  	lr =	sadd.s32 s0, s3;
	s0 =	sld [smem:$0x3FA4]  }
0x30: {  	s3 =	sld [smem:$0x3FA7]  }
0x31: {  	[smem:$0x3FB0] =	sst s10  }
0x32: {  	s10 =	sld [smem:$0x3FAE];
	_ =	sdelay $0x3  }
0x33: {  	p0 =	seq.s32 s10, $0x1;
	s10 =	sld [smem:$0x3FB0];
	_ =	sdelay $0x3  }
0x34: {  	[smem:$0x3FB0] =	sst s10  }
0x35: {  	s10 =	sld [smem:$0x3FAF];
	_ =	sdelay $0x3  }
0x36: {  	p1 =	seq.s32 s10, $0x1;
	s10 =	sld [smem:$0x3FB0];
	_ =	sdelay $0x3  }
0x37: {  	[smem:$0x3FB0] =	sst s10  }
0x38: {  	s10 =	sld [smem:$0x3FB1]  }
0x39: {  	_ = 	snop;
	(pc) =	sbr.ind lr, $3  }
0x3a: {  	_ = 	snop  }
0x3b: {  	_ = 	snop  }
0x3c: {  	p2 =	seq.s32 s10, $0x1;
	s10 =	sld [smem:$0x3FB0]  }
0x3d: {  	_ =	shalt  }
0x3e: {  	_ =	shalt  }
0x3f: {  	_ =	shalt  }
0x40: {  	_ =	shalt  }
0x41: {  	_ =	shalt  }
0x42: {  	_ =	shalt  }
0x43: {  	_ =	shalt  }
0x44: {  	_ =	shalt  }
0x45: {  	_ =	shalt  }
0x46: {  	_ =	shalt  }
0x47: {  	_ =	shalt  }
0x48: {  	_ =	shalt  }
0x49: {  	_ =	shalt  }
0x4a: {  	_ =	shalt  }
0x4b: {  	_ =	shalt  }
0x4c: {  	_ =	shalt  }
0x4d: {  	_ =	shalt  }
0x4e: {  	_ =	shalt  }
0x4f: {  	_ =	shalt  }
0x50: {  	_ =	shalt  }
0x51: {  	_ =	shalt  }
0x52: {  	_ =	shalt  }
0x53: {  	_ =	shalt  }
0x54: {  	_ =	shalt  }
0x55: {  	_ =	shalt  }
0x56: {  	_ =	shalt  }
0x57: {  	_ =	shalt  }
0x58: {  	_ =	shalt  }
0x59: {  	_ =	shalt  }
0x5a: {  	_ =	shalt  }
0x5b: {  	_ =	shalt  }
0x5c: {  	_ =	shalt  }
0x5d: {  	_ =	shalt  }
0x5e: {  	_ =	shalt  }
0x5f: {  	_ =	shalt  }
0x60: {  	_ =	shalt  }
0x61: {  	_ =	shalt  }
0x62: {  	_ =	shalt  }
0x63: {  	_ =	shalt  }
0x64: {  	_ =	shalt  }
0x65: {  	_ =	shalt  }
0x66: {  	_ =	shalt  }
0x67: {  	_ =	shalt  }
0x68: {  	_ =	shalt  }
0x69: {  	_ =	shalt  }
0x6a: {  	_ =	shalt  }
0x6b: {  	_ =	shalt  }
0x6c: {  	_ =	shalt  }
0x6d: {  	_ =	shalt  }
0x6e: {  	_ =	shalt  }
0x6f: {  	_ =	shalt  }
0x70: {  	_ =	shalt  }
0x71: {  	_ =	shalt  }
0x72: {  	_ =	shalt  }
0x73: {  	_ =	shalt  }
0x74: {  	_ =	shalt  }
0x75: {  	_ =	shalt  }
0x76: {  	_ =	shalt  }
0x77: {  	_ =	shalt  }
0x78: {  	_ =	shalt  }
0x79: {  	_ =	shalt  }
0x7a: {  	_ =	shalt  }
0x7b: {  	_ =	shalt  }
0x7c: {  	_ =	shalt  }
0x7d: {  	_ =	shalt  }
0x7e: {  	_ =	shalt  }
0x7f: {  	_ =	shalt  }
0x80: {  	_ =	shalt  }
0x81: {  	_ =	shalt  }
0x82: {  	_ =	shalt  }
0x83: {  	_ =	shalt  }
0x84: {  	_ =	shalt  }
0x85: {  	_ =	shalt  }
0x86: {  	_ =	shalt  }
0x87: {  	_ =	shalt  }
.Lfunc_end0:
.L_simem_size_0:
called_computation_lowered:
.L_overlay_start_0:
0x88: {  	s2 =	sld [smem:$0x3FD9]  }
0x89: {  	s3 =	sld [smem:$0x3FFE];
	_ =	sdelay $0x1  }
0x8a: {  	s1 =	srdreg.scid  }
0x8b: {  	s0 =	sand.u32 $0x1, s1  }
0x8c: {  	s17 =	sshll.u32 s0, $0xA;
	s2 =	sadd.s32 s3, s2  }
0x8d: {  	s2 =	sadd.s32 s2, s17  }
0x8e: {  	[smem:$0x3FBC] =	sst s2  }
0x8f: {  	_ = 	snop  }
0x90: {  	s2 =	sld [smem:$0x3FC9]  }
0x91: {  	s18 =	sld [smem:$0x3FC8];
	(tm) =	ssettm $0x1  }
0x92: {  	s4 =	sld [smem:$0x3FFB];
	_ =	sdelay $0x3  }
0x93: {  	_ =	strace s4  }
0x94: {  	s4 =	sld [smem:$0x3FFC];
	_ =	sdelay $0x3  }
0x95: {  	_ =	strace s4  }
0x96: {  	s4 =	sld [smem:$0x3FFD];
	_ =	sdelay $0x3  }
0x97: {  	_ =	strace s4  }
0x98: {  	_ =	strace $0x8FFFFFFF  }
0x99: {  	s19 =	sld [smem:$0x3FDB];
	_ =	sdelay $0x1  }
0x9a: {  	s5 =	simm.s32 $_scs_section_size  }
0x9b: {  	s6 =	simm.s32 $_size__tile_overlayer_lowered;
	s7 =	simm.s32 $_tile_overlayer_lowered  }
0x9c: {  	s22 =	simm.s32 $0x1BFF;
	s21 =	sshll.u32 s7, $0x1;
	s4 =	sadd.s32 s5, s19  }
0x9d: {  	s8 =	simm.s32 $0x0;
	s20 =	sshll.u32 s6, $0x1;
	s6 =	sadd.s32 s21, s4  }
0x9e: {  	[timem:s8], [sflag:s22] =	dma.local [hbm:s6], s20  }
0x9f: {  	_ =	swait.ge [sflag:s22], s20  }
0xa0: {  	s5 =	ssub.s32 $0x0, s20;
	[sflag:s22] =	ssyncset.done $0x0  }
0xa1: {  	[sflag:s22] =	ssyncadd.s32 s5;
	_ =	sdelay $0x1  }
0xa2: {  	s23 =	simm.s32 $0x1B8B  }
0xa3: {  	_ =	swait.ge [sflag:s23], $0x1  }
0xa4: {  	[sflag:s23] =	ssyncset.done $0x0  }
0xa5: {  	s25 =	simm.s32 $0x1B8E;
	s24 =	sld [smem:$0x3FFE];
	[sflag:s23] =	ssyncadd.s32 $0xFFFFFFFF  }
0xa6: {  	s26 =	simm.s32 $execute0_lowered;
	[smem:$0x3FD2] =	sst s25  }
0xa7: {  	s6 =	sshll.u32 s26, $0x1;
	_ =	strace $0x80000046;
	[dreg:$0x1] =	wrdreg $0xFFFFFFFF  }
0xa8: {  	s28 =	simm.s32 $_size_execute0_lowered;
	s4 =	sadd.s32 s4, s6;
	[dreg:$0x0] =	wrdreg $0x0  }
0xa9: {  	s6 =	sshll.u32 s28, $0x1;
	[dreg:$0x2] =	wrdreg s4  }
0xaa: {  	[dreg:$0x3] =	wrdreg s6  }
0xab: {  	[dreg:$0x4] =	wrdreg $0xC0  }
0xac: {  	_ =	task [dreg:s8], $0x5FFFF  }
0xad: {  	[dreg:$0x1] =	wrdreg $0xFFFFFFFF  }
0xae: {  	[dreg:$0x0] =	wrdreg $0x60  }
0xaf: {  	[dreg:$0x2] =	wrdreg s2  }
0xb0: {  	[dreg:$0x3] =	wrdreg s18  }
0xb1: {  	[dreg:$0x4] =	wrdreg s24  }
0xb2: {  	[dreg:$0x5] =	wrdreg $0x9  }
0xb3: {  	_ =	task.clear_ibuf [dreg:s8], $0x6FFFF;
	_ =	strace $0x90000046  }
0xb4: {  	s29 =	simm.s32 $0x9;
	_ =	strace $0x80000048  }
0xb5: {  	_ =	swait.ge [sflag:s29], $0x1  }
0xb6: {  	[sflag:s29] =	ssyncadd.s32 $0xFFFFFFFF  }
0xb7: {  	_ =	strace $0x90000048  }
0xb8: {  	_ =	sfence  }
0xb9: {  	s30 =	sld [smem:$0x0];
	_ =	sdelay $0x2  }
0xba: {  	s31 =	sshll.u32 s1, $0xD;
	s1 =	sshrl.u32 s1, $0x2  }
0xbb: {  	s3 =	sand.u32 $0x4000, s31;
	s1 =	sadd.s32 s1, s30  }
0xbc: {  	s0 =	sor.u32 s3, s0;
	s1 =	sshll.u32 s1, $0x11  }
0xbd: {  	s0 =	sor.u32 s1, s0  }
0xbe: {  	s0 =	sadd.s32 $0x8F2B, s0  }
0xbf: {  	[sflag:s0] =	ssyncadd.remote.s32 $0x1  }
0xc0: {  	_ =	sfence.sel $0xFFFF  }
0xc1: {  	[dreg:$0x0] =	wrdreg $0xFFFFFFFF;
	(pc) =	sbr.abs _section_cstart, $3  }
0xc2: {  	[dreg:$0x1] =	wrdreg $0xFFFFFFFF  }
0xc3: {  	_ =	task.clear_ibuf [dreg:s8], $0x2FFFF;
	_ =	strace $0x9FFFFFFF  }
0xc4: {  	(tm) =	ssettm $0x7FFFFFFF  }
0xc5: {  	_ =	shalt  }
tec
execute0_lowered:
.L_overlay_start_1:
0x0: {  	(tag) =	ssettag $0x1  }
0x1: {  	s5 =	rddreg [dreg:$0x0]  }
0x2: {  	s6 =	rddreg [dreg:$0x1]  }
0x3: {  	s3 =	rddreg [dreg:$0x2];
	s2 =	simm.s32 $0x0  }
0x4: {  	[smem:$0x7FF] =	sst s2;
	s4 =	sadd.s32 $0x3D1E00, s3  }
0x5: {  	s9 =	sadd.s32 $0x1400, s3;
	_ =	strace $0x80000047;
	[dreg:$0x4] =	wrdreg s4  }
0x6: {  	s14 =	sadd.s32 $0x3D4ED4, s3;
	[dreg:$0x5] =	wrdreg s9  }
0x7: {  	s15 =	sadd.s32 $0x1FC48, s3;
	[dreg:$0x8] =	wrdreg s14  }
0x8: {  	s16 =	sadd.s32 $0x3D7FA8, s3;
	[dreg:$0x9] =	wrdreg s15  }
0x9: {  	s17 =	sadd.s32 $0x3E490, s3;
	[dreg:$0xa] =	wrdreg s16  }
0xa: {  	s18 =	sadd.s32 $0x3DB07C, s3;
	[dreg:$0xb] =	wrdreg s17  }
0xb: {  	s19 =	sadd.s32 $0x5CCD8, s3;
	[dreg:$0xc] =	wrdreg s18  }
0xc: {  	s20 =	sadd.s32 $0x3DE150, s3;
	[dreg:$0xd] =	wrdreg s19  }
0xd: {  	s21 =	sadd.s32 $0x7B520, s3;
	[dreg:$0xe] =	wrdreg s20  }
0xe: {  	s22 =	sadd.s32 $0x3E1224, s3;
	[dreg:$0xf] =	wrdreg s21  }
0xf: {  	s23 =	sadd.s32 $0x99D68, s3;
	[dreg:$0x10] =	wrdreg s22  }
0x10: {  	s24 =	sadd.s32 $0x3E42F8, s3;
	[dreg:$0x11] =	wrdreg s23  }
0x11: {  	s25 =	sadd.s32 $0xB85B0, s3;
	[dreg:$0x12] =	wrdreg s24  }
0x12: {  	s1 =	stileid.u32;
	s26 =	sadd.s32 $0x3E73CC, s3;
	[dreg:$0x13] =	wrdreg s25  }
0x13: {  	s7 =	sshll.u32 s1, $0x7;
	s1 =	sadd.s32 $0xD6DF8, s3;
	[dreg:$0x14] =	wrdreg s26  }
0x14: {  	s10 =	sadd.s32 $0x3F0648, s3;
	[dreg:$0x15] =	wrdreg s1  }
0x15: {  	s11 =	sadd.s32 $0x1326D0, s3;
	[dreg:$0x1a] =	wrdreg s10  }
0x16: {  	s12 =	sadd.s32 $0x3F371C, s3;
	[dreg:$0x1b] =	wrdreg s11  }
0x17: {  	s9 =	sadd.s32 $0x113E88, s3;
	[dreg:$0x1c] =	wrdreg s12  }
0x18: {  	s14 =	sadd.s32 $0x3F67F0, s3;
	[dreg:$0x19] =	wrdreg s9  }
0x19: {  	s15 =	sadd.s32 $0x16F760, s3;
	[dreg:$0x1e] =	wrdreg s14  }
0x1a: {  	s16 =	sadd.s32 $0x3F98C4, s3;
	[dreg:$0x1f] =	wrdreg s15  }
0x1b: {  	s17 =	sadd.s32 $0x18DFA8, s3;
	[smem:$0x7AF] =	sst s16  }
0x1c: {  	s18 =	sadd.s32 $0x3FC998, s3;
	[smem:$0x7B0] =	sst s17  }
0x1d: {  	s19 =	sadd.s32 $0x1AC7F0, s3;
	[smem:$0x7B1] =	sst s18  }
0x1e: {  	s20 =	sadd.s32 $0x3FFA6C, s3;
	[smem:$0x7B2] =	sst s19  }
0x1f: {  	s21 =	sadd.s32 $0x1CB038, s3;
	[smem:$0x7B3] =	sst s20  }
0x20: {  	s22 =	sadd.s32 $0x402B40, s3;
	[smem:$0x7B4] =	sst s21  }
0x21: {  	s23 =	sadd.s32 $0x1E9880, s3;
	[smem:$0x7B5] =	sst s22  }
0x22: {  	s24 =	sadd.s32 $0x405C14, s3;
	[smem:$0x7B6] =	sst s23  }
0x23: {  	s25 =	sadd.s32 $0x2080C8, s3;
	[smem:$0x7B7] =	sst s24  }
0x24: {  	s26 =	sadd.s32 $0x408CE8, s3;
	[smem:$0x7B8] =	sst s25  }
0x25: {  	s1 =	sadd.s32 $0x226910, s3;
	[smem:$0x7B9] =	sst s26  }
0x26: {  	s0 =	srdreg.scid;
	s10 =	sadd.s32 $0x411F64, s3;
	[smem:$0x7BA] =	sst s1  }
0x27: {  	s0 =	sand.u32 $0x1, s0;
	s11 =	sadd.s32 $0x2821E8, s3;
	[smem:$0x7BF] =	sst s10  }
0x28: {  	s8 =	sshll.u32 s0, $0x6;
	s12 =	sadd.s32 $0x415038, s3;
	[smem:$0x7C0] =	sst s11  }
0x29: {  	s4 =	sor.u32 s8, s7;
	s7 =	sadd.s32 $0xF5640, s3;
	[smem:$0x7C1] =	sst s12  }
0x2a: {  	s8 =	sadd.s32 $0x3ED574, s3;
	[dreg:$0x17] =	wrdreg s7  }
0x2b: {  	s9 =	sadd.s32 $0x2639A0, s3;
	[dreg:$0x18] =	wrdreg s8  }
0x2c: {  	s14 =	sadd.s32 $0x41810C, s3;
	[smem:$0x7BE] =	sst s9  }
0x2d: {  	s15 =	sadd.s32 $0x2BF278, s3;
	[smem:$0x7C3] =	sst s14  }
0x2e: {  	s16 =	sadd.s32 $0x41B1E0, s3;
	[smem:$0x7C4] =	sst s15  }
0x2f: {  	s17 =	sadd.s32 $0x2DDAC0, s3;
	[smem:$0x7C5] =	sst s16  }
0x30: {  	s18 =	sadd.s32 $0x41E2B4, s3;
	[smem:$0x7C6] =	sst s17  }
0x31: {  	s19 =	sadd.s32 $0x2FC308, s3;
	[smem:$0x7C7] =	sst s18  }
0x32: {  	s20 =	sadd.s32 $0x421388, s3;
	[smem:$0x7C8] =	sst s19  }
0x33: {  	s21 =	sadd.s32 $0x31AB50, s3;
	[smem:$0x7C9] =	sst s20  }
0x34: {  	s22 =	sadd.s32 $0x42445C, s3;
	[smem:$0x7CA] =	sst s21  }
0x35: {  	s23 =	sadd.s32 $0x339398, s3;
	[smem:$0x7CB] =	sst s22  }
0x36: {  	s24 =	sadd.s32 $0x427530, s3;
	[smem:$0x7CC] =	sst s23  }
0x37: {  	s25 =	sadd.s32 $0x357BE0, s3;
	[smem:$0x7CD] =	sst s24  }
0x38: {  	s26 =	sadd.s32 $0x42A604, s3;
	[smem:$0x7CE] =	sst s25  }
0x39: {  	s1 =	sadd.s32 $0x376428, s3;
	[smem:$0x7CF] =	sst s26  }
0x3a: {  	s11 =	simm.s32 $0x600;
	[smem:$0x7D0] =	sst s1  }
0x3b: {  	s12 =	simm.s32 $0x4600;
	[smem:$0x7D7] =	sst s11  }
0x3c: {  	s5 =	sadd.s32 s5, s4;
	[smem:$0x7D8] =	sst s12  }
0x3d: {  	s13 =	sadd.s32 s6, s4;
	[dreg:$0x6] =	wrdreg s5  }
0x3e: {  	s6 =	sadd.s32 $0x3EA4A0, s3;
	[dreg:$0x7] =	wrdreg s13  }
0x3f: {  	s7 =	sadd.s32 $0x245158, s3;
	[dreg:$0x16] =	wrdreg s6  }
0x40: {  	s8 =	sadd.s32 $0x40EE90, s3;
	[smem:$0x7BC] =	sst s7  }
0x41: {  	s14 =	simm.s32 $0x4800;
	[smem:$0x7BD] =	sst s8  }
0x42: {  	s15 =	simm.s32 $0xA00;
	[smem:$0x7DA] =	sst s14  }
0x43: {  	s16 =	simm.s32 $0x4A00;
	[smem:$0x7DB] =	sst s15  }
0x44: {  	s17 =	simm.s32 $0xC00;
	[smem:$0x7DC] =	sst s16  }
0x45: {  	s18 =	simm.s32 $0x4C00;
	[smem:$0x7DD] =	sst s17  }
0x46: {  	s19 =	simm.s32 $0xE00;
	[smem:$0x7DE] =	sst s18  }
0x47: {  	s20 =	simm.s32 $0x4E00;
	[smem:$0x7DF] =	sst s19  }
0x48: {  	s21 =	simm.s32 $0x1000;
	[smem:$0x7E0] =	sst s20  }
0x49: {  	s22 =	simm.s32 $0x5000;
	[smem:$0x7E1] =	sst s21  }
0x4a: {  	s23 =	simm.s32 $0x1200;
	[smem:$0x7E2] =	sst s22  }
0x4b: {  	s24 =	simm.s32 $0x5200;
	[smem:$0x7E3] =	sst s23  }
0x4c: {  	s25 =	simm.s32 $0x1400;
	[smem:$0x7E4] =	sst s24  }
0x4d: {  	s26 =	simm.s32 $0x5400;
	[smem:$0x7E5] =	sst s25  }
0x4e: {  	s1 =	simm.s32 $0x1600;
	[smem:$0x7E6] =	sst s26  }
0x4f: {  	s11 =	simm.s32 $0x1E00;
	[smem:$0x7E7] =	sst s1  }
0x50: {  	s12 =	simm.s32 $0x5E00;
	[smem:$0x7EF] =	sst s11  }
0x51: {  	s13 =	sadd.s32 $0x150F18, s3;
	[smem:$0x7F0] =	sst s12  }
0x52: {  	s6 =	sadd.s32 $0x40BDBC, s3;
	[dreg:$0x1d] =	wrdreg s13  }
0x53: {  	s28 =	simm.s32 $0x4000;
	s7 =	sadd.s32 $0x394C70, s3;
	[smem:$0x7BB] =	sst s6  }
0x54: {  	s4 =	sadd.s32 s4, s3;
	s8 =	sadd.s32 $0x4307AC, s3;
	[smem:$0x7D2] =	sst s7  }
0x55: {  	s29 =	simm.s32 $0x8000;
	s9 =	sadd.s32 $0x443A00, s4;
	[smem:$0x7D3] =	sst s8  }
0x56: {  	s30 =	simm.s32 $0x4200;
	s10 =	sadd.s32 $0x433A00, s4;
	[smem:$0x7D5] =	sst s9  }
0x57: {  	s31 =	simm.s32 $0x8200;
	s4 =	simm.s32 $0x5600;
	[smem:$0x7D6] =	sst s10  }
0x58: {  	s0 =	ssub.s32 $0x2, s0;
	s5 =	simm.s32 $0x1800;
	[smem:$0x7E8] =	sst s4  }
0x59: {  	s14 =	simm.s32 $0x6000;
	s15 =	simm.s32 $0x2200;
	[smem:$0x7E9] =	sst s5  }
0x5a: {  	s16 =	simm.s32 $0x6200;
	s17 =	simm.s32 $0x2400;
	[smem:$0x7F2] =	sst s14  }
0x5b: {  	s18 =	simm.s32 $0x6400;
	s19 =	simm.s32 $0x2600;
	[smem:$0x7F3] =	sst s15  }
0x5c: {  	s20 =	simm.s32 $0x6600;
	s21 =	sshrl.u32 s0, $0x1;
	[smem:$0x7F4] =	sst s16  }
0x5d: {  	s22 =	simm.s32 $0x2800;
	s23 =	simm.s32 $0x6800;
	[smem:$0x7F5] =	sst s17  }
0x5e: {  	s24 =	simm.s32 $0x2A00;
	s25 =	simm.s32 $0x6A00;
	[smem:$0x7F6] =	sst s18  }
0x5f: {  	s26 =	simm.s32 $0x2C00;
	s13 =	sadd.s32 $0x2A0A30, s3;
	[smem:$0x7F7] =	sst s19  }
0x60: {  	s11 =	simm.s32 $0x3000;
	s6 =	sadd.s32 $0x42D6D8, s3;
	[smem:$0x7F8] =	sst s20  }
0x61: {  	s12 =	simm.s32 $0x7000;
	s3 =	sadd.s32 $0x3B34B8, s3;
	[smem:$0x7F9] =	sst s22  }
0x62: {  	s7 =	simm.s32 $0x1A00;
	s8 =	simm.s32 $0x5A00;
	[smem:$0x7FA] =	sst s23  }
0x63: {  	s9 =	simm.s32 $0x1C00;
	s10 =	simm.s32 $0x5C00;
	[smem:$0x7FB] =	sst s24  }
0x64: {  	s0 =	ssub.s32 s0, s21;
	s4 =	simm.s32 $0x2;
	[smem:$0x7FC] =	sst s25  }
0x65: {  	s5 =	simm.s32 $0x200;
	[smem:$0x7FD] =	sst s26;
	s14 =	simm.s32 $0x7200  }
0x66: {  	s15 =	simm.s32 $0x3400;
	s16 =	simm.s32 $0x7400;
	[smem:$0x7C2] =	sst s13  }
0x67: {  	s17 =	simm.s32 $0x3600;
	s18 =	simm.s32 $0x7600;
	[smem:$0x7D1] =	sst s6  }
0x68: {  	s19 =	simm.s32 $0x3800;
	s20 =	simm.s32 $0x7800;
	[smem:$0x7D4] =	sst s3  }
0x69: {  	s21 =	simm.s32 $0x3A00;
	s22 =	simm.s32 $0x7A00;
	[smem:$0x7EB] =	sst s7  }
0x6a: {  	s23 =	simm.s32 $0x3C00;
	s24 =	simm.s32 $0x7C00;
	[smem:$0x7EC] =	sst s8  }
0x6b: {  	s25 =	simm.s32 $0x3E00;
	s26 =	simm.s32 $0x7E00;
	[smem:$0x7ED] =	sst s9  }
0x6c: {  	s13 =	simm.s32 $0x800;
	s6 =	simm.s32 $0x5800;
	[smem:$0x7EE] =	sst s10  }
0x6d: {  	s3 =	smax.u32 s0, $0x1;
	s7 =	simm.s32 $0x4400;
	[smem:$0x7D9] =	sst s13  }
0x6e: {  	s0 =	simm.s32 $0x1;
	[smem:$0x7EA] =	sst s6;
	s13 =	simm.s32 $0x2000  }
0x6f: {  	s6 =	simm.s32 $0x400;
	[smem:$0x7F1] =	sst s13;
	s13 =	simm.s32 $0x3200  }
.LBB2_1:
0x70: {  	s1 =	rddreg [dreg:$0x6]  }
0x71: {  	[tilespmem:s2], [sflag:$0x2] =	stream.linear.gather [hbm4b:s1+s2], $0x200, $0x38;
	[tilespmem:$0x8400] =	vst v63  }
0x72: {  	_ =	swait.ge [sflag:s4], $0x200  }
0x73: {  	[sflag:s4] =	ssyncset.done $0x0  }
0x74: {  	s8 =	rddreg [dreg:$0x7];
	[sflag:s4] =	ssyncadd.s32 $0xFFFFFE00  }
0x75: {  	[tilespmem:s5], [sflag:$0x2] =	stream.linear.gather [hbm4b:s8+s2], $0x200, $0x38;
	[tilespmem:$0x8400] =	vst v63  }
0x76: {  	_ =	swait.ge [sflag:s4], $0x200  }
0x77: {  	s9 =	rddreg [dreg:$0x4]  }
0x78: {  	[sflag:s4] =	ssyncset.done $0x0;
	s10 =	rddreg [dreg:$0x5]  }
0x79: {  	s8 =	rddreg [dreg:$0x8];
	[sflag:s4] =	ssyncadd.s32 $0xFFFFFE00  }
0x7a: {  	[tilespmem:s6], [sflag:$0x1] =	stream.indirect.gather [hbm4b:s9+s5], $0x1, s2, s5, $0xb8;
	[tilespmem:$0x8400] =	vst v63  }
0x7b: {  	s9 =	sld [smem:$0x7D7]  }
0x7c: {  	[tilespmem:s7], [sflag:$0x1] =	stream.indirect.gather [hbm4b:s10+s5], $0x1, s5, s5, $0xb8;
	[tilespmem:$0x8400] =	vst v63  }
0x7d: {  	s1 =	rddreg [dreg:$0x9]  }
0x7e: {  	[tilespmem:s9], [sflag:$0x1] =	stream.indirect.gather [hbm4b:s8+s5], $0x1, s2, s5, $0xb8;
	[tilespmem:$0x8400] =	vst v63  }
0x7f: {  	s8 =	sld [smem:$0x7D8]  }
0x80: {  	s10 =	sld [smem:$0x7D9]  }
0x81: {  	s9 =	rddreg [dreg:$0xa]  }
0x82: {  	[tilespmem:s8], [sflag:$0x1] =	stream.indirect.gather [hbm4b:s1+s5], $0x1, s5, s5, $0xb8;
	[tilespmem:$0x8400] =	vst v63  }
0x83: {  	s1 =	rddreg [dreg:$0xb]  }
0x84: {  	s8 =	sld [smem:$0x7DA]  }
0x85: {  	[tilespmem:s10], [sflag:$0x1] =	stream.indirect.gather [hbm4b:s9+s5], $0x1, s2, s5, $0xb8;
	[tilespmem:$0x8400] =	vst v63  }
0x86: {  	s9 =	rddreg [dreg:$0xc]  }
0x87: {  	s10 =	sld [smem:$0x7DB]  }
0x88: {  	[tilespmem:s8], [sflag:$0x1] =	stream.indirect.gather [hbm4b:s1+s5], $0x1, s5, s5, $0xb8;
	[tilespmem:$0x8400] =	vst v63  }
0x89: {  	s1 =	rddreg [dreg:$0xd]  }
0x8a: {  	s8 =	sld [smem:$0x7DC]  }
0x8b: {  	[tilespmem:s10], [sflag:$0x1] =	stream.indirect.gather [hbm4b:s9+s5], $0x1, s2, s5, $0xb8;
	[tilespmem:$0x8400] =	vst v63  }
0x8c: {  	s9 =	rddreg [dreg:$0xe]  }
0x8d: {  	s10 =	sld [smem:$0x7DD]  }
0x8e: {  	[tilespmem:s8], [sflag:$0x1] =	stream.indirect.gather [hbm4b:s1+s5], $0x1, s5, s5, $0xb8;
	[tilespmem:$0x8400] =	vst v63  }
0x8f: {  	s1 =	rddreg [dreg:$0xf]  }
0x90: {  	s8 =	sld [smem:$0x7DE]  }
0x91: {  	[tilespmem:s10], [sflag:$0x1] =	stream.indirect.gather [hbm4b:s9+s5], $0x1, s2, s5, $0xb8;
	[tilespmem:$0x8400] =	vst v63  }
0x92: {  	s9 =	rddreg [dreg:$0x10]  }
0x93: {  	s10 =	sld [smem:$0x7DF]  }
0x94: {  	[tilespmem:s8], [sflag:$0x1] =	stream.indirect.gather [hbm4b:s1+s5], $0x1, s5, s5, $0xb8;
	[tilespmem:$0x8400] =	vst v63  }
0x95: {  	s1 =	rddreg [dreg:$0x11]  }
0x96: {  	s8 =	sld [smem:$0x7E0]  }
0x97: {  	[tilespmem:s10], [sflag:$0x1] =	stream.indirect.gather [hbm4b:s9+s5], $0x1, s2, s5, $0xb8;
	[tilespmem:$0x8400] =	vst v63  }
0x98: {  	s9 =	rddreg [dreg:$0x12]  }
0x99: {  	s10 =	sld [smem:$0x7E1]  }
0x9a: {  	[tilespmem:s8], [sflag:$0x1] =	stream.indirect.gather [hbm4b:s1+s5], $0x1, s5, s5, $0xb8;
	[tilespmem:$0x8400] =	vst v63  }
0x9b: {  	s1 =	rddreg [dreg:$0x13]  }
0x9c: {  	s8 =	sld [smem:$0x7E2]  }
0x9d: {  	[tilespmem:s10], [sflag:$0x1] =	stream.indirect.gather [hbm4b:s9+s5], $0x1, s2, s5, $0xb8;
	[tilespmem:$0x8400] =	vst v63  }
0x9e: {  	s9 =	rddreg [dreg:$0x14]  }
0x9f: {  	s10 =	sld [smem:$0x7E3]  }
0xa0: {  	[tilespmem:s8], [sflag:$0x1] =	stream.indirect.gather [hbm4b:s1+s5], $0x1, s5, s5, $0xb8;
	[tilespmem:$0x8400] =	vst v63  }
0xa1: {  	s1 =	rddreg [dreg:$0x15]  }
0xa2: {  	s8 =	sld [smem:$0x7E4]  }
0xa3: {  	[tilespmem:s10], [sflag:$0x1] =	stream.indirect.gather [hbm4b:s9+s5], $0x1, s2, s5, $0xb8;
	[tilespmem:$0x8400] =	vst v63  }
0xa4: {  	s9 =	rddreg [dreg:$0x16]  }
0xa5: {  	s10 =	sld [smem:$0x7E5]  }
0xa6: {  	[tilespmem:s8], [sflag:$0x1] =	stream.indirect.gather [hbm4b:s1+s5], $0x1, s5, s5, $0xb8;
	[tilespmem:$0x8400] =	vst v63  }
0xa7: {  	s1 =	rddreg [dreg:$0x17]  }
0xa8: {  	s8 =	sld [smem:$0x7E6]  }
0xa9: {  	[tilespmem:s10], [sflag:$0x1] =	stream.indirect.gather [hbm4b:s9+s5], $0x1, s2, s5, $0xb8;
	[tilespmem:$0x8400] =	vst v63  }
0xaa: {  	s9 =	rddreg [dreg:$0x18]  }
0xab: {  	s10 =	sld [smem:$0x7E7]  }
0xac: {  	[tilespmem:s8], [sflag:$0x1] =	stream.indirect.gather [hbm4b:s1+s5], $0x1, s5, s5, $0xb8;
	[tilespmem:$0x8400] =	vst v63  }
0xad: {  	s1 =	rddreg [dreg:$0x19]  }
0xae: {  	s8 =	sld [smem:$0x7E8]  }
0xaf: {  	[tilespmem:s10], [sflag:$0x1] =	stream.indirect.gather [hbm4b:s9+s5], $0x1, s2, s5, $0xb8;
	[tilespmem:$0x8400] =	vst v63  }
0xb0: {  	s9 =	rddreg [dreg:$0x1a]  }
0xb1: {  	s10 =	sld [smem:$0x7E9]  }
0xb2: {  	[tilespmem:s8], [sflag:$0x1] =	stream.indirect.gather [hbm4b:s1+s5], $0x1, s5, s5, $0xb8;
	[tilespmem:$0x8400] =	vst v63  }
0xb3: {  	s1 =	rddreg [dreg:$0x1b]  }
0xb4: {  	s8 =	sld [smem:$0x7EA]  }
0xb5: {  	[tilespmem:s10], [sflag:$0x1] =	stream.indirect.gather [hbm4b:s9+s5], $0x1, s2, s5, $0xb8;
	[tilespmem:$0x8400] =	vst v63  }
0xb6: {  	s9 =	rddreg [dreg:$0x1c]  }
0xb7: {  	s10 =	sld [smem:$0x7EB]  }
0xb8: {  	[tilespmem:s8], [sflag:$0x1] =	stream.indirect.gather [hbm4b:s1+s5], $0x1, s5, s5, $0xb8;
	[tilespmem:$0x8400] =	vst v63  }
0xb9: {  	s1 =	rddreg [dreg:$0x1d]  }
0xba: {  	s8 =	sld [smem:$0x7EC]  }
0xbb: {  	[tilespmem:s10], [sflag:$0x1] =	stream.indirect.gather [hbm4b:s9+s5], $0x1, s2, s5, $0xb8;
	[tilespmem:$0x8400] =	vst v63  }
0xbc: {  	s9 =	rddreg [dreg:$0x1e]  }
0xbd: {  	s10 =	sld [smem:$0x7ED]  }
0xbe: {  	[tilespmem:s8], [sflag:$0x1] =	stream.indirect.gather [hbm4b:s1+s5], $0x1, s5, s5, $0xb8;
	[tilespmem:$0x8400] =	vst v63  }
0xbf: {  	s1 =	rddreg [dreg:$0x1f]  }
0xc0: {  	s8 =	sld [smem:$0x7EE]  }
0xc1: {  	[tilespmem:s10], [sflag:$0x1] =	stream.indirect.gather [hbm4b:s9+s5], $0x1, s2, s5, $0xb8;
	[tilespmem:$0x8400] =	vst v63  }
0xc2: {  	s9 =	sld [smem:$0x7AF]  }
0xc3: {  	s10 =	sld [smem:$0x7EF]  }
0xc4: {  	[tilespmem:s8], [sflag:$0x1] =	stream.indirect.gather [hbm4b:s1+s5], $0x1, s5, s5, $0xb8;
	[tilespmem:$0x8400] =	vst v63  }
0xc5: {  	s1 =	sld [smem:$0x7B0]  }
0xc6: {  	s8 =	sld [smem:$0x7F0]  }
0xc7: {  	[tilespmem:s10], [sflag:$0x1] =	stream.indirect.gather [hbm4b:s9+s5], $0x1, s2, s5, $0xb8;
	[tilespmem:$0x8400] =	vst v63  }
0xc8: {  	s9 =	sld [smem:$0x7B1]  }
0xc9: {  	s10 =	sld [smem:$0x7F1]  }
0xca: {  	[tilespmem:s8], [sflag:$0x1] =	stream.indirect.gather [hbm4b:s1+s5], $0x1, s5, s5, $0xb8;
	[tilespmem:$0x8400] =	vst v63  }
0xcb: {  	s1 =	sld [smem:$0x7B2]  }
0xcc: {  	s8 =	sld [smem:$0x7F2]  }
0xcd: {  	[tilespmem:s10], [sflag:$0x1] =	stream.indirect.gather [hbm4b:s9+s5], $0x1, s2, s5, $0xb8;
	[tilespmem:$0x8400] =	vst v63  }
0xce: {  	s9 =	sld [smem:$0x7B3]  }
0xcf: {  	s10 =	sld [smem:$0x7F3]  }
0xd0: {  	[tilespmem:s8], [sflag:$0x1] =	stream.indirect.gather [hbm4b:s1+s5], $0x1, s5, s5, $0xb8;
	[tilespmem:$0x8400] =	vst v63  }
0xd1: {  	s1 =	sld [smem:$0x7B4]  }
0xd2: {  	s8 =	sld [smem:$0x7F4]  }
0xd3: {  	[tilespmem:s10], [sflag:$0x1] =	stream.indirect.gather [hbm4b:s9+s5], $0x1, s2, s5, $0xb8;
	[tilespmem:$0x8400] =	vst v63  }
0xd4: {  	s9 =	sld [smem:$0x7B5]  }
0xd5: {  	s10 =	sld [smem:$0x7F5]  }
0xd6: {  	[tilespmem:s8], [sflag:$0x1] =	stream.indirect.gather [hbm4b:s1+s5], $0x1, s5, s5, $0xb8;
	[tilespmem:$0x8400] =	vst v63  }
0xd7: {  	s1 =	sld [smem:$0x7B6]  }
0xd8: {  	s8 =	sld [smem:$0x7F6]  }
0xd9: {  	[tilespmem:s10], [sflag:$0x1] =	stream.indirect.gather [hbm4b:s9+s5], $0x1, s2, s5, $0xb8;
	[tilespmem:$0x8400] =	vst v63  }
0xda: {  	s9 =	sld [smem:$0x7B7]  }
0xdb: {  	s10 =	sld [smem:$0x7F7]  }
0xdc: {  	[tilespmem:s8], [sflag:$0x1] =	stream.indirect.gather [hbm4b:s1+s5], $0x1, s5, s5, $0xb8;
	[tilespmem:$0x8400] =	vst v63  }
0xdd: {  	s1 =	sld [smem:$0x7B8]  }
0xde: {  	s8 =	sld [smem:$0x7F8]  }
0xdf: {  	[tilespmem:s10], [sflag:$0x1] =	stream.indirect.gather [hbm4b:s9+s5], $0x1, s2, s5, $0xb8;
	[tilespmem:$0x8400] =	vst v63  }
0xe0: {  	s9 =	sld [smem:$0x7B9]  }
0xe1: {  	s10 =	sld [smem:$0x7F9]  }
0xe2: {  	[tilespmem:s8], [sflag:$0x1] =	stream.indirect.gather [hbm4b:s1+s5], $0x1, s5, s5, $0xb8;
	[tilespmem:$0x8400] =	vst v63  }
0xe3: {  	s1 =	sld [smem:$0x7BA]  }
0xe4: {  	s8 =	sld [smem:$0x7FA]  }
0xe5: {  	[tilespmem:s10], [sflag:$0x1] =	stream.indirect.gather [hbm4b:s9+s5], $0x1, s2, s5, $0xb8;
	[tilespmem:$0x8400] =	vst v63  }
0xe6: {  	s9 =	sld [smem:$0x7BB]  }
0xe7: {  	s10 =	sld [smem:$0x7FB]  }
0xe8: {  	[tilespmem:s8], [sflag:$0x1] =	stream.indirect.gather [hbm4b:s1+s5], $0x1, s5, s5, $0xb8;
	[tilespmem:$0x8400] =	vst v63  }
0xe9: {  	s1 =	sld [smem:$0x7BC]  }
0xea: {  	s8 =	sld [smem:$0x7FC]  }
0xeb: {  	[tilespmem:s10], [sflag:$0x1] =	stream.indirect.gather [hbm4b:s9+s5], $0x1, s2, s5, $0xb8;
	[tilespmem:$0x8400] =	vst v63  }
0xec: {  	s9 =	sld [smem:$0x7BD]  }
0xed: {  	s10 =	sld [smem:$0x7FD]  }
0xee: {  	[tilespmem:s8], [sflag:$0x1] =	stream.indirect.gather [hbm4b:s1+s5], $0x1, s5, s5, $0xb8;
	[tilespmem:$0x8400] =	vst v63  }
0xef: {  	s1 =	sld [smem:$0x7BE]  }
0xf0: {  	[tilespmem:s10], [sflag:$0x1] =	stream.indirect.gather [hbm4b:s9+s5], $0x1, s2, s5, $0xb8;
	[tilespmem:$0x8400] =	vst v63  }
0xf1: {  	s8 =	sld [smem:$0x7BF];
	s10 =	simm.s32 $0x6C00  }
0xf2: {  	[tilespmem:s10], [sflag:$0x1] =	stream.indirect.gather [hbm4b:s1+s5], $0x1, s5, s5, $0xb8;
	[tilespmem:$0x8400] =	vst v63  }
0xf3: {  	s1 =	sld [smem:$0x7C0];
	s10 =	simm.s32 $0x2E00  }
0xf4: {  	[tilespmem:s10], [sflag:$0x1] =	stream.indirect.gather [hbm4b:s8+s5], $0x1, s2, s5, $0xb8;
	[tilespmem:$0x8400] =	vst v63  }
0xf5: {  	s8 =	sld [smem:$0x7C1];
	s10 =	simm.s32 $0x6E00  }
0xf6: {  	[tilespmem:s10], [sflag:$0x1] =	stream.indirect.gather [hbm4b:s1+s5], $0x1, s5, s5, $0xb8;
	[tilespmem:$0x8400] =	vst v63  }
0xf7: {  	s10 =	sld [smem:$0x7C2]  }
0xf8: {  	[tilespmem:s11], [sflag:$0x1] =	stream.indirect.gather [hbm4b:s8+s5], $0x1, s2, s5, $0xb8;
	[tilespmem:$0x8400] =	vst v63  }
0xf9: {  	s9 =	sld [smem:$0x7C3]  }
0xfa: {  	[tilespmem:s12], [sflag:$0x1] =	stream.indirect.gather [hbm4b:s10+s5], $0x1, s5, s5, $0xb8;
	[tilespmem:$0x8400] =	vst v63  }
0xfb: {  	s10 =	sld [smem:$0x7C4]  }
0xfc: {  	[tilespmem:s13], [sflag:$0x1] =	stream.indirect.gather [hbm4b:s9+s5], $0x1, s2, s5, $0xb8;
	[tilespmem:$0x8400] =	vst v63  }
0xfd: {  	s9 =	sld [smem:$0x7C5]  }
0xfe: {  	[tilespmem:s14], [sflag:$0x1] =	stream.indirect.gather [hbm4b:s10+s5], $0x1, s5, s5, $0xb8;
	[tilespmem:$0x8400] =	vst v63  }
0xff: {  	s10 =	sld [smem:$0x7C6]  }
0x100: {  	[tilespmem:s15], [sflag:$0x1] =	stream.indirect.gather [hbm4b:s9+s5], $0x1, s2, s5, $0xb8;
	[tilespmem:$0x8400] =	vst v63  }
0x101: {  	s9 =	sld [smem:$0x7C7]  }
0x102: {  	[tilespmem:s16], [sflag:$0x1] =	stream.indirect.gather [hbm4b:s10+s5], $0x1, s5, s5, $0xb8;
	[tilespmem:$0x8400] =	vst v63  }
0x103: {  	s10 =	sld [smem:$0x7C8]  }
0x104: {  	[tilespmem:s17], [sflag:$0x1] =	stream.indirect.gather [hbm4b:s9+s5], $0x1, s2, s5, $0xb8;
	[tilespmem:$0x8400] =	vst v63  }
0x105: {  	s9 =	sld [smem:$0x7C9]  }
0x106: {  	[tilespmem:s18], [sflag:$0x1] =	stream.indirect.gather [hbm4b:s10+s5], $0x1, s5, s5, $0xb8;
	[tilespmem:$0x8400] =	vst v63  }
0x107: {  	s10 =	sld [smem:$0x7CA]  }
0x108: {  	[tilespmem:s19], [sflag:$0x1] =	stream.indirect.gather [hbm4b:s9+s5], $0x1, s2, s5, $0xb8;
	[tilespmem:$0x8400] =	vst v63  }
0x109: {  	s9 =	sld [smem:$0x7CB]  }
0x10a: {  	[tilespmem:s20], [sflag:$0x1] =	stream.indirect.gather [hbm4b:s10+s5], $0x1, s5, s5, $0xb8;
	[tilespmem:$0x8400] =	vst v63  }
0x10b: {  	s10 =	sld [smem:$0x7CC]  }
0x10c: {  	[tilespmem:s21], [sflag:$0x1] =	stream.indirect.gather [hbm4b:s9+s5], $0x1, s2, s5, $0xb8;
	[tilespmem:$0x8400] =	vst v63  }
0x10d: {  	s9 =	sld [smem:$0x7CD]  }
0x10e: {  	[tilespmem:s22], [sflag:$0x1] =	stream.indirect.gather [hbm4b:s10+s5], $0x1, s5, s5, $0xb8;
	[tilespmem:$0x8400] =	vst v63  }
0x10f: {  	s10 =	sld [smem:$0x7CE]  }
0x110: {  	[tilespmem:s23], [sflag:$0x1] =	stream.indirect.gather [hbm4b:s9+s5], $0x1, s2, s5, $0xb8;
	[tilespmem:$0x8400] =	vst v63  }
0x111: {  	s9 =	sld [smem:$0x7CF]  }
0x112: {  	[tilespmem:s24], [sflag:$0x1] =	stream.indirect.gather [hbm4b:s10+s5], $0x1, s5, s5, $0xb8;
	[tilespmem:$0x8400] =	vst v63  }
0x113: {  	s10 =	sld [smem:$0x7D0]  }
0x114: {  	[tilespmem:s25], [sflag:$0x1] =	stream.indirect.gather [hbm4b:s9+s5], $0x1, s2, s5, $0xb8;
	[tilespmem:$0x8400] =	vst v63  }
0x115: {  	s9 =	sld [smem:$0x7D1]  }
0x116: {  	[tilespmem:s26], [sflag:$0x1] =	stream.indirect.gather [hbm4b:s10+s5], $0x1, s5, s5, $0xb8;
	[tilespmem:$0x8400] =	vst v63  }
0x117: {  	s10 =	sld [smem:$0x7D2]  }
0x118: {  	[tilespmem:s28], [sflag:$0x1] =	stream.indirect.gather [hbm4b:s9+s5], $0x1, s2, s5, $0xb8;
	[tilespmem:$0x8400] =	vst v63  }
0x119: {  	s9 =	sld [smem:$0x7D3]  }
0x11a: {  	[tilespmem:s29], [sflag:$0x1] =	stream.indirect.gather [hbm4b:s10+s5], $0x1, s5, s5, $0xb8;
	[tilespmem:$0x8400] =	vst v63  }
0x11b: {  	s10 =	sld [smem:$0x7D4]  }
0x11c: {  	[tilespmem:s30], [sflag:$0x1] =	stream.indirect.gather [hbm4b:s9+s5], $0x1, s2, s5, $0xb8;
	[tilespmem:$0x8400] =	vst v63  }
0x11d: {  	_ = 	snop  }
0x11e: {  	[tilespmem:s31], [sflag:$0x1] =	stream.indirect.gather [hbm4b:s10+s5], $0x1, s5, s5, $0xb8;
	[tilespmem:$0x8400] =	vst v63  }
0x11f: {  	_ =	swait.ge [sflag:s0], $0x200  }
0x120: {  	[sflag:s0] =	ssyncset.done $0x0  }
0x121: {  	[sflag:s0] =	ssyncadd.s32 $0xFFFFFE00  }
0x122: {  	_ =	swait.ge [sflag:s0], $0x200  }
0x123: {  	[sflag:s0] =	ssyncset.done $0x0  }
0x124: {  	[sflag:s0] =	ssyncadd.s32 $0xFFFFFE00  }
0x125: {  	_ =	swait.ge [sflag:s0], $0x200  }
0x126: {  	[sflag:s0] =	ssyncset.done $0x0  }
0x127: {  	[sflag:s0] =	ssyncadd.s32 $0xFFFFFE00  }
0x128: {  	_ =	swait.ge [sflag:s0], $0x200  }
0x129: {  	[sflag:s0] =	ssyncset.done $0x0  }
0x12a: {  	[sflag:s0] =	ssyncadd.s32 $0xFFFFFE00  }
0x12b: {  	_ =	swait.ge [sflag:s0], $0x200  }
0x12c: {  	[sflag:s0] =	ssyncset.done $0x0  }
0x12d: {  	[sflag:s0] =	ssyncadd.s32 $0xFFFFFE00  }
0x12e: {  	_ =	swait.ge [sflag:s0], $0x200  }
0x12f: {  	[sflag:s0] =	ssyncset.done $0x0  }
0x130: {  	[sflag:s0] =	ssyncadd.s32 $0xFFFFFE00  }
0x131: {  	_ =	swait.ge [sflag:s0], $0x200  }
0x132: {  	[sflag:s0] =	ssyncset.done $0x0  }
0x133: {  	[sflag:s0] =	ssyncadd.s32 $0xFFFFFE00  }
0x134: {  	_ =	swait.ge [sflag:s0], $0x200  }
0x135: {  	[sflag:s0] =	ssyncset.done $0x0  }
0x136: {  	[sflag:s0] =	ssyncadd.s32 $0xFFFFFE00  }
0x137: {  	_ =	swait.ge [sflag:s0], $0x200  }
0x138: {  	[sflag:s0] =	ssyncset.done $0x0  }
0x139: {  	[sflag:s0] =	ssyncadd.s32 $0xFFFFFE00  }
0x13a: {  	_ =	swait.ge [sflag:s0], $0x200  }
0x13b: {  	[sflag:s0] =	ssyncset.done $0x0  }
0x13c: {  	[sflag:s0] =	ssyncadd.s32 $0xFFFFFE00  }
0x13d: {  	_ =	swait.ge [sflag:s0], $0x200  }
0x13e: {  	[sflag:s0] =	ssyncset.done $0x0  }
0x13f: {  	[sflag:s0] =	ssyncadd.s32 $0xFFFFFE00  }
0x140: {  	_ =	swait.ge [sflag:s0], $0x200  }
0x141: {  	[sflag:s0] =	ssyncset.done $0x0  }
0x142: {  	[sflag:s0] =	ssyncadd.s32 $0xFFFFFE00  }
0x143: {  	_ =	swait.ge [sflag:s0], $0x200  }
0x144: {  	[sflag:s0] =	ssyncset.done $0x0  }
0x145: {  	[sflag:s0] =	ssyncadd.s32 $0xFFFFFE00  }
0x146: {  	_ =	swait.ge [sflag:s0], $0x200  }
0x147: {  	[sflag:s0] =	ssyncset.done $0x0  }
0x148: {  	[sflag:s0] =	ssyncadd.s32 $0xFFFFFE00  }
0x149: {  	_ =	swait.ge [sflag:s0], $0x200  }
0x14a: {  	[sflag:s0] =	ssyncset.done $0x0  }
0x14b: {  	[sflag:s0] =	ssyncadd.s32 $0xFFFFFE00  }
0x14c: {  	_ =	swait.ge [sflag:s0], $0x200  }
0x14d: {  	[sflag:s0] =	ssyncset.done $0x0  }
0x14e: {  	[sflag:s0] =	ssyncadd.s32 $0xFFFFFE00  }
0x14f: {  	_ =	swait.ge [sflag:s0], $0x200  }
0x150: {  	[sflag:s0] =	ssyncset.done $0x0  }
0x151: {  	[sflag:s0] =	ssyncadd.s32 $0xFFFFFE00  }
0x152: {  	_ =	swait.ge [sflag:s0], $0x200  }
0x153: {  	[sflag:s0] =	ssyncset.done $0x0  }
0x154: {  	[sflag:s0] =	ssyncadd.s32 $0xFFFFFE00  }
0x155: {  	_ =	swait.ge [sflag:s0], $0x200  }
0x156: {  	[sflag:s0] =	ssyncset.done $0x0  }
0x157: {  	[sflag:s0] =	ssyncadd.s32 $0xFFFFFE00  }
0x158: {  	_ =	swait.ge [sflag:s0], $0x200  }
0x159: {  	[sflag:s0] =	ssyncset.done $0x0  }
0x15a: {  	[sflag:s0] =	ssyncadd.s32 $0xFFFFFE00  }
0x15b: {  	_ =	swait.ge [sflag:s0], $0x200  }
0x15c: {  	[sflag:s0] =	ssyncset.done $0x0  }
0x15d: {  	[sflag:s0] =	ssyncadd.s32 $0xFFFFFE00  }
0x15e: {  	_ =	swait.ge [sflag:s0], $0x200  }
0x15f: {  	[sflag:s0] =	ssyncset.done $0x0  }
0x160: {  	[sflag:s0] =	ssyncadd.s32 $0xFFFFFE00  }
0x161: {  	_ =	swait.ge [sflag:s0], $0x200  }
0x162: {  	[sflag:s0] =	ssyncset.done $0x0  }
0x163: {  	[sflag:s0] =	ssyncadd.s32 $0xFFFFFE00  }
0x164: {  	_ =	swait.ge [sflag:s0], $0x200  }
0x165: {  	[sflag:s0] =	ssyncset.done $0x0  }
0x166: {  	[sflag:s0] =	ssyncadd.s32 $0xFFFFFE00  }
0x167: {  	_ =	swait.ge [sflag:s0], $0x200  }
0x168: {  	[sflag:s0] =	ssyncset.done $0x0  }
0x169: {  	[sflag:s0] =	ssyncadd.s32 $0xFFFFFE00  }
0x16a: {  	_ =	swait.ge [sflag:s0], $0x200  }
0x16b: {  	[sflag:s0] =	ssyncset.done $0x0  }
0x16c: {  	[sflag:s0] =	ssyncadd.s32 $0xFFFFFE00  }
0x16d: {  	_ =	swait.ge [sflag:s0], $0x200  }
0x16e: {  	[sflag:s0] =	ssyncset.done $0x0  }
0x16f: {  	[sflag:s0] =	ssyncadd.s32 $0xFFFFFE00  }
0x170: {  	_ =	swait.ge [sflag:s0], $0x200  }
0x171: {  	[sflag:s0] =	ssyncset.done $0x0  }
0x172: {  	[sflag:s0] =	ssyncadd.s32 $0xFFFFFE00  }
0x173: {  	_ =	swait.ge [sflag:s0], $0x200  }
0x174: {  	[sflag:s0] =	ssyncset.done $0x0  }
0x175: {  	[sflag:s0] =	ssyncadd.s32 $0xFFFFFE00  }
0x176: {  	_ =	swait.ge [sflag:s0], $0x200  }
0x177: {  	[sflag:s0] =	ssyncset.done $0x0  }
0x178: {  	[sflag:s0] =	ssyncadd.s32 $0xFFFFFE00  }
0x179: {  	_ =	swait.ge [sflag:s0], $0x200  }
0x17a: {  	[sflag:s0] =	ssyncset.done $0x0  }
0x17b: {  	[sflag:s0] =	ssyncadd.s32 $0xFFFFFE00  }
0x17c: {  	_ =	swait.ge [sflag:s0], $0x200  }
0x17d: {  	[sflag:s0] =	ssyncset.done $0x0  }
0x17e: {  	[sflag:s0] =	ssyncadd.s32 $0xFFFFFE00  }
0x17f: {  	_ =	swait.ge [sflag:s0], $0x200  }
0x180: {  	[sflag:s0] =	ssyncset.done $0x0  }
0x181: {  	[sflag:s0] =	ssyncadd.s32 $0xFFFFFE00  }
0x182: {  	_ =	swait.ge [sflag:s0], $0x200  }
0x183: {  	[sflag:s0] =	ssyncset.done $0x0  }
0x184: {  	[sflag:s0] =	ssyncadd.s32 $0xFFFFFE00  }
0x185: {  	_ =	swait.ge [sflag:s0], $0x200  }
0x186: {  	[sflag:s0] =	ssyncset.done $0x0  }
0x187: {  	[sflag:s0] =	ssyncadd.s32 $0xFFFFFE00  }
0x188: {  	_ =	swait.ge [sflag:s0], $0x200  }
0x189: {  	[sflag:s0] =	ssyncset.done $0x0  }
0x18a: {  	[sflag:s0] =	ssyncadd.s32 $0xFFFFFE00  }
0x18b: {  	_ =	swait.ge [sflag:s0], $0x200  }
0x18c: {  	[sflag:s0] =	ssyncset.done $0x0  }
0x18d: {  	[sflag:s0] =	ssyncadd.s32 $0xFFFFFE00  }
0x18e: {  	_ =	swait.ge [sflag:s0], $0x200  }
0x18f: {  	[sflag:s0] =	ssyncset.done $0x0  }
0x190: {  	[sflag:s0] =	ssyncadd.s32 $0xFFFFFE00  }
0x191: {  	_ =	swait.ge [sflag:s0], $0x200  }
0x192: {  	[sflag:s0] =	ssyncset.done $0x0  }
0x193: {  	[sflag:s0] =	ssyncadd.s32 $0xFFFFFE00  }
0x194: {  	_ =	swait.ge [sflag:s0], $0x200  }
0x195: {  	[sflag:s0] =	ssyncset.done $0x0  }
0x196: {  	[sflag:s0] =	ssyncadd.s32 $0xFFFFFE00  }
0x197: {  	_ =	swait.ge [sflag:s0], $0x200  }
0x198: {  	[sflag:s0] =	ssyncset.done $0x0  }
0x199: {  	[sflag:s0] =	ssyncadd.s32 $0xFFFFFE00  }
0x19a: {  	_ =	swait.ge [sflag:s0], $0x200  }
0x19b: {  	[sflag:s0] =	ssyncset.done $0x0  }
0x19c: {  	[sflag:s0] =	ssyncadd.s32 $0xFFFFFE00  }
0x19d: {  	_ =	swait.ge [sflag:s0], $0x200  }
0x19e: {  	[sflag:s0] =	ssyncset.done $0x0  }
0x19f: {  	[sflag:s0] =	ssyncadd.s32 $0xFFFFFE00  }
0x1a0: {  	_ =	swait.ge [sflag:s0], $0x200  }
0x1a1: {  	[sflag:s0] =	ssyncset.done $0x0  }
0x1a2: {  	[sflag:s0] =	ssyncadd.s32 $0xFFFFFE00  }
0x1a3: {  	_ =	swait.ge [sflag:s0], $0x200  }
0x1a4: {  	[sflag:s0] =	ssyncset.done $0x0  }
0x1a5: {  	[sflag:s0] =	ssyncadd.s32 $0xFFFFFE00  }
0x1a6: {  	_ =	swait.ge [sflag:s0], $0x200  }
0x1a7: {  	[sflag:s0] =	ssyncset.done $0x0  }
0x1a8: {  	[sflag:s0] =	ssyncadd.s32 $0xFFFFFE00  }
0x1a9: {  	_ =	swait.ge [sflag:s0], $0x200  }
0x1aa: {  	[sflag:s0] =	ssyncset.done $0x0  }
0x1ab: {  	[sflag:s0] =	ssyncadd.s32 $0xFFFFFE00  }
0x1ac: {  	_ =	swait.ge [sflag:s0], $0x200  }
0x1ad: {  	[sflag:s0] =	ssyncset.done $0x0  }
0x1ae: {  	[sflag:s0] =	ssyncadd.s32 $0xFFFFFE00  }
0x1af: {  	_ =	swait.ge [sflag:s0], $0x200  }
0x1b0: {  	[sflag:s0] =	ssyncset.done $0x0  }
0x1b1: {  	[sflag:s0] =	ssyncadd.s32 $0xFFFFFE00  }
0x1b2: {  	_ =	swait.ge [sflag:s0], $0x200  }
0x1b3: {  	[sflag:s0] =	ssyncset.done $0x0  }
0x1b4: {  	[sflag:s0] =	ssyncadd.s32 $0xFFFFFE00  }
0x1b5: {  	_ =	swait.ge [sflag:s0], $0x200  }
0x1b6: {  	[sflag:s0] =	ssyncset.done $0x0  }
0x1b7: {  	[sflag:s0] =	ssyncadd.s32 $0xFFFFFE00  }
0x1b8: {  	_ =	swait.ge [sflag:s0], $0x200  }
0x1b9: {  	[sflag:s0] =	ssyncset.done $0x0  }
0x1ba: {  	[sflag:s0] =	ssyncadd.s32 $0xFFFFFE00  }
0x1bb: {  	_ =	swait.ge [sflag:s0], $0x200  }
0x1bc: {  	[sflag:s0] =	ssyncset.done $0x0  }
0x1bd: {  	[sflag:s0] =	ssyncadd.s32 $0xFFFFFE00  }
0x1be: {  	_ =	swait.ge [sflag:s0], $0x200  }
0x1bf: {  	[sflag:s0] =	ssyncset.done $0x0  }
0x1c0: {  	[sflag:s0] =	ssyncadd.s32 $0xFFFFFE00  }
0x1c1: {  	_ =	swait.ge [sflag:s0], $0x200  }
0x1c2: {  	[sflag:s0] =	ssyncset.done $0x0  }
0x1c3: {  	[sflag:s0] =	ssyncadd.s32 $0xFFFFFE00  }
0x1c4: {  	_ =	swait.ge [sflag:s0], $0x200  }
0x1c5: {  	[sflag:s0] =	ssyncset.done $0x0  }
0x1c6: {  	[sflag:s0] =	ssyncadd.s32 $0xFFFFFE00  }
0x1c7: {  	_ =	swait.ge [sflag:s0], $0x200  }
0x1c8: {  	[sflag:s0] =	ssyncset.done $0x0  }
0x1c9: {  	[sflag:s0] =	ssyncadd.s32 $0xFFFFFE00  }
0x1ca: {  	_ =	swait.ge [sflag:s0], $0x200  }
0x1cb: {  	[sflag:s0] =	ssyncset.done $0x0  }
0x1cc: {  	[sflag:s0] =	ssyncadd.s32 $0xFFFFFE00  }
0x1cd: {  	_ =	swait.ge [sflag:s0], $0x200  }
0x1ce: {  	[sflag:s0] =	ssyncset.done $0x0  }
0x1cf: {  	[sflag:s0] =	ssyncadd.s32 $0xFFFFFE00  }
0x1d0: {  	_ =	swait.ge [sflag:s0], $0x200  }
0x1d1: {  	[sflag:s0] =	ssyncset.done $0x0  }
0x1d2: {  	[sflag:s0] =	ssyncadd.s32 $0xFFFFFE00  }
0x1d3: {  	_ =	swait.ge [sflag:s0], $0x200  }
0x1d4: {  	[sflag:s0] =	ssyncset.done $0x0  }
0x1d5: {  	[sflag:s0] =	ssyncadd.s32 $0xFFFFFE00  }
0x1d6: {  	_ =	swait.ge [sflag:s0], $0x200  }
0x1d7: {  	[sflag:s0] =	ssyncset.done $0x0  }
0x1d8: {  	[sflag:s0] =	ssyncadd.s32 $0xFFFFFE00  }
0x1d9: {  	_ =	swait.ge [sflag:s0], $0x200  }
0x1da: {  	[sflag:s0] =	ssyncset.done $0x0  }
0x1db: {  	[sflag:s0] =	ssyncadd.s32 $0xFFFFFE00  }
0x1dc: {  	_ =	swait.ge [sflag:s0], $0x200  }
0x1dd: {  	s9 =	sld [smem:$0x7D5]  }
0x1de: {  	[sflag:s0] =	ssyncset.done $0x0  }
0x1df: {  	[sflag:s0] =	ssyncadd.s32 $0xFFFFFE00  }
0x1e0: {  	[hbm4b:s9+s5] =	stream.strided.scatter [tilespmem:s6], [sflag:$0x2], $0x4000, s28, s5, $0x38;
	[tilespmem:$0x8400] =	vst v63  }
0x1e1: {  	_ =	swait.ge [sflag:s4], $0x4000  }
0x1e2: {  	s10 =	sld [smem:$0x7D6]  }
0x1e3: {  	p0 =	sne.s32 s3, $0x1;
	[sflag:s4] =	ssyncset.done $0x0  }
.Ltmp0:
0x1e4: {  	[sflag:s4] =	ssyncadd.s32 $0xFFFFC000;
	(pc) =	sbr.rel @p0 .LBB2_1-.Ltmp0, $4  }
0x1e5: {  	[hbm4b:s10+s5] =	stream.strided.scatter [tilespmem:s7], [sflag:$0x2], $0x4000, s28, s5, $0x38;
	[tilespmem:$0x8400] =	vst v63  }
0x1e6: {  	_ =	swait.ge [sflag:s4], $0x4000  }
0x1e7: {  	[sflag:s4] =	ssyncset.done $0x0  }
0x1e8: {  	s3 =	sadd.s32 $0xFFFFFFFF, s3;
	[sflag:s4] =	ssyncadd.s32 $0xFFFFC000  }
0x1e9: {  	_ =	sfence.sel $0x180000  }
0x1ea: {  	[bflag:$0x0] =	sbarrier.arrive $0xFFFF  }
0x1eb: {  	_ =	strace $0x90000047  }
0x1ec: {  	s0 =	stileid.u32;
	[bflag:$0x2] =	sbarrier.arrive $0xFFFF  }
0x1ed: {  	p0 =	sne.s32 s0, $0x0;
	s0 =	rddreg [dreg:$0x3]  }
0x1ee: {  	s0 =	sadd.s32 @!p0 $0x100000, s0  }
0x1ef: {  	[sflag:s0] =	ssyncadd.tile.s32 @!p0 $0x1;
	_ =	shalt  }
.Lfunc_end2:
_tile_overlayer_lowered:
.L_overlay_start_2:
0x1f0: {  	(tag) =	ssettag $0x2  }
0x1f1: {  	s0 =	rddreg [dreg:$0x0];
	s2 =	stileid.u32  }
0x1f2: {  	s1 =	rddreg [dreg:$0x1];
	p0 =	sne.s32 s2, $0x0  }
0x1f3: {  	s3 =	rddreg [dreg:$0x2];
	[bflag:$0x3] =	sbarrier.arrive $0xFFFF;
	s2 =	simm.s32 @!p0 $0x1C02  }
0x1f4: {  	[timem:s3], [sflag:s2] =	dma.local @!p0 [hbm:s0], s1  }
0x1f5: {  	s0 =	simm.s32 @!p0 $0x2  }
0x1f6: {  	_ =	swait.ge @!p0 [sflag:s0], s1  }
0x1f7: {  	s1 =	ssub.s32 @!p0 $0x0, s1;
	[sflag:s0] =	ssyncset.done @!p0 $0x0  }
0x1f8: {  	[sflag:s0] =	ssyncadd.s32 @!p0 s1  }
0x1f9: {  	[bflag:$0x3] =	sbarrier.arrive $0xFFFF  }
0x1fa: {  	_ =	shalt  }

</sc_bundles>
